<compile_context>
chip_gen: v7x
topology: tpu7x:2x2x1
jax: 0.10.2.dev20260603
libtpu: 0.0.44.dev20260713+nightly
codegen_flags: <defaults>
</compile_context>

<pallas_src>
import functools

import jax
import jax.numpy as jnp
from jax import lax
from jax.experimental import pallas as pl
from jax.experimental.pallas import tpu as pltpu
from jax.experimental.pallas import tpu_sc as plsc

_TOTAL_BITS = 4096
_NEURONS = 8192
_NBITS = 12
_BATCH = 1024
_LANES = 16
_WORDS = _BATCH // 8
_GROUPS = _WORDS // _LANES
_CHUNK = 4


@functools.lru_cache(maxsize=None)
def _build_sc_kernel():
    info = plsc.get_sparse_core_info()
    nc, ns = info.num_cores, info.num_subcores
    nw = nc * ns
    npt = _NEURONS // nw
    nchunks = npt // _CHUNK
    crow = _CHUNK * _NBITS
    mesh = plsc.VectorSubcoreMesh(core_axis_name="c", subcore_axis_name="s")

    @functools.partial(
        pl.kernel,
        mesh=mesh,
        compiler_params=pltpu.CompilerParams(needs_layout_passes=False),
        out_type=jax.ShapeDtypeStruct((_NEURONS, _BATCH // 4), jnp.int32),
        scratch_types=[
            pltpu.VMEM_SHARED((_TOTAL_BITS, _WORDS), jnp.int32),
            pltpu.VMEM((npt * _NBITS,), jnp.int32),
            pltpu.VMEM((crow, _WORDS), jnp.int32),
            pltpu.VMEM((crow, _WORDS), jnp.int32),
            pltpu.VMEM((_CHUNK, 2 ** _NBITS), jnp.float32),
            pltpu.VMEM((_CHUNK, 2 ** _NBITS), jnp.float32),
            pltpu.VMEM((_CHUNK, _BATCH // 4), jnp.int32),
            pltpu.VMEM((_CHUNK, _BATCH // 4), jnp.int32),
            pltpu.SemaphoreType.DMA,
            pltpu.SemaphoreType.DMA,
            pltpu.SemaphoreType.DMA,
            pltpu.SemaphoreType.DMA,
            pltpu.SemaphoreType.DMA,
            pltpu.SemaphoreType.DMA,
        ],
    )
    def ram_kernel(bits_hbm, conn_hbm, mem_hbm, out_hbm,
                   bits_sh, conn_v, rows_a, rows_b, mem_a, mem_b, out_a, out_b,
                   sin_a, sin_b, smem_a, smem_b, sout_a, sout_b):
        sid = lax.axis_index("s")
        wid = sid * nc + lax.axis_index("c")
        n0 = wid * npt
        shard = _TOTAL_BITS // ns
        pltpu.sync_copy(bits_hbm.at[pl.ds(sid * shard, shard)],
                        bits_sh.at[pl.ds(sid * shard, shard)])
        pltpu.sync_copy(conn_hbm.at[pl.ds(n0 * _NBITS, npt * _NBITS)], conn_v)
        plsc.subcore_barrier()

        rows = (rows_a, rows_b)
        mem = (mem_a, mem_b)
        out = (out_a, out_b)
        sin = (sin_a, sin_b)
        smem = (smem_a, smem_b)
        sout = (sout_a, sout_b)

        def issue_in(ci, b):
            pltpu.make_async_copy(
                bits_sh.at[conn_v.at[pl.ds(ci * crow, crow)]], rows[b], sin[b]
            ).start()
            pltpu.make_async_copy(
                mem_hbm.at[pl.ds(n0 + ci * _CHUNK, _CHUNK)], mem[b], smem[b]
            ).start()

        def wait_in(b):
            pltpu.make_async_copy(
                bits_sh.at[pl.ds(0, crow)], rows[b], sin[b]).wait()
            pltpu.make_async_copy(
                mem_hbm.at[pl.ds(0, _CHUNK)], mem[b], smem[b]).wait()

        def issue_out(ci, b):
            pltpu.make_async_copy(
                out[b], out_hbm.at[pl.ds(n0 + ci * _CHUNK, _CHUNK)], sout[b]
            ).start()

        def wait_out(b):
            pltpu.make_async_copy(
                out[b], out_hbm.at[pl.ds(0, _CHUNK)], sout[b]).wait()

        def compute(b):
            @plsc.parallel_loop(0, _CHUNK * _GROUPS, 1, unroll=2)
            def _group(i):
                q = i // _GROUPS
                t = i % _GROUPS
                qvec = jnp.broadcast_to(q, (_LANES,)).astype(jnp.int32)
                two_iota = jnp.arange(_LANES, dtype=jnp.int32) * 2
                n0a = n1a = n2a = None
                for k in range(_NBITS):
                    w = rows[b][q * _NBITS + k, pl.ds(t * _LANES, _LANES)]
                    if k < 4:
                        n0a = (w << k) if n0a is None else n0a + (w << k)
                    elif k < 8:
                        n1a = (w << (k - 4)) if n1a is None else n1a + (w << (k - 4))
                    else:
                        n2a = (w << (k - 8)) if n2a is None else n2a + (w << (k - 8))
                for h in range(2):
                    word = None
                    for s in range(4):
                        j = 4 * h + s
                        p0 = (n0a >> (4 * j)) & 0xF if j else n0a & 0xF
                        if j == 0:
                            p1 = (n1a << 4) & 0xF0
                            p2 = (n2a << 8) & 0xF00
                        elif j == 1:
                            p1 = n1a & 0xF0
                            p2 = (n2a << 4) & 0xF00
                        else:
                            p1 = (n1a >> (4 * j - 4)) & 0xF0
                            p2 = (n2a >> (4 * j - 8)) & 0xF00
                        addr = p0 | p1 | p2
                        vals = plsc.load_gather(mem[b], [qvec, addr])
                        bit = jnp.where(vals > 0.5, 1, 0).astype(jnp.int32)
                        word = bit if s == 0 else word | (bit << (8 * s))
                    plsc.store_scatter(
                        out[b], [qvec, two_iota + (t * 32 + h)], word)

        issue_in(0, 0)

        def body(h, carry):
            c0 = h * 2
            issue_in(c0 + 1, 1)
            wait_in(0)

            @pl.when(h > 0)
            def _():
                wait_out(0)

            compute(0)
            issue_out(c0, 0)

            @pl.when(h < nchunks // 2 - 1)
            def _():
                issue_in(c0 + 2, 0)

            wait_in(1)

            @pl.when(h > 0)
            def _():
                wait_out(1)

            compute(1)
            issue_out(c0 + 1, 1)
            return carry

        lax.fori_loop(0, nchunks // 2, body, 0)
        wait_out(0)
        wait_out(1)

    return ram_kernel


def kernel(input_bits, connections, memory):
    shifts = (jnp.arange(8, dtype=jnp.int32) * 4)[None, :, None]
    bits_packed = (
        (input_bits.reshape(_WORDS, 8, _TOTAL_BITS) << shifts)
        .sum(axis=1, dtype=jnp.int32).T)
    conn_flat = connections.reshape(-1)
    packed = _build_sc_kernel()(bits_packed, conn_flat, memory)
    by = jax.lax.bitcast_convert_type(packed, jnp.int8)
    return by.reshape(_NEURONS, _BATCH).T.astype(jnp.bool_)

# --- scband reference (transcript-rebuilt; emitter-appended) ---
"""Pipeline reference for scband-ramlayer-70935679860912 (READ-ONLY COPY).

The authoritative reference and input builder live on the scoring server;
editing this copy changes nothing except your own understanding.
"""

import jax, jax.numpy as jnp
import numpy as np

TOTAL_INPUT_BITS = 4096
NUM_NEURONS = 8192
N_BITS = 12
BATCH = 1024


def setup_inputs(seed: int = 0) -> dict:
    key = jax.random.key(seed)
    k1, k2, k3 = jax.random.split(key, 3)
    # forward input: 0/1 bits
    input_bits = jax.random.randint(k1, (BATCH, TOTAL_INPUT_BITS), 0, 2, dtype=jnp.int32)
    # learned/structural params of Memory: random connections (connections=None in __init__)
    connections = jax.random.randint(k2, (NUM_NEURONS, N_BITS), 0, TOTAL_INPUT_BITS, dtype=jnp.int32)
    # RAM memory cells: one row of 2**N_BITS cells per neuron, values in {0,1}
    memory = jax.random.randint(k3, (NUM_NEURONS, 2 ** N_BITS), 0, 2, dtype=jnp.int32).astype(jnp.float32)
    return {"input_bits": input_bits, "connections": connections, "memory": memory}


def reference(input_bits, connections, memory):
    # Gather each neuron's connected input bits: [B, NUM_NEURONS, N_BITS]
    bits = jnp.take(input_bits, connections, axis=1).astype(jnp.int32)
    # Pack bits into RAM addresses (binary encoding): [B, NUM_NEURONS]
    powers = (2 ** jnp.arange(N_BITS)).astype(jnp.int32)
    addresses = jnp.sum(bits * powers[None, None, :], axis=-1)
    # Look up each neuron's memory cell at its address: [B, NUM_NEURONS]
    vals = memory[jnp.arange(NUM_NEURONS)[None, :], addresses]
    # boolean neuron outputs
    return vals > 0.5

if __name__ == "__main__":
    import jax
    _d = setup_inputs()
    print(jax.jit(kernel)(*tuple(_d.values())))

</pallas_src>

<mosaic_0001>
#map = affine_map<(d0, d1) -> (0, 0)>
#map1 = affine_map<(d0, d1) -> (0)>
module attributes {stable_mosaic.version = 14 : i64} {
  func.func @ram_kernel(%arg0: i32, %arg1: i32, %arg2: memref<4096x128xi32, #tpu.memory_space<hbm>>, %arg3: memref<98304xi32, #tpu.memory_space<hbm>>, %arg4: memref<8192x4096xf32, #tpu.memory_space<hbm>>, %arg5: memref<8192x256xi32, #tpu.memory_space<hbm>>, %arg6: memref<4096x128xi32, #tpu.memory_space<vmem_shared>>, %arg7: memref<3072xi32, #tpu.memory_space<vmem>>, %arg8: memref<48x128xi32, #tpu.memory_space<vmem>>, %arg9: memref<48x128xi32, #tpu.memory_space<vmem>>, %arg10: memref<4x4096xf32, #tpu.memory_space<vmem>>, %arg11: memref<4x4096xf32, #tpu.memory_space<vmem>>, %arg12: memref<4x256xi32, #tpu.memory_space<vmem>>, %arg13: memref<4x256xi32, #tpu.memory_space<vmem>>, %arg14: memref<!tpu.dma_semaphore, #tpu.memory_space<semaphore_mem>>, %arg15: memref<!tpu.dma_semaphore, #tpu.memory_space<semaphore_mem>>, %arg16: memref<!tpu.dma_semaphore, #tpu.memory_space<semaphore_mem>>, %arg17: memref<!tpu.dma_semaphore, #tpu.memory_space<semaphore_mem>>, %arg18: memref<!tpu.dma_semaphore, #tpu.memory_space<semaphore_mem>>, %arg19: memref<!tpu.dma_semaphore, #tpu.memory_space<semaphore_mem>>) attributes {dimension_semantics = [#tpu.dimension_semantics<core_parallel>, #tpu.dimension_semantics<subcore_parallel>], iteration_bounds = array<i64: 2, 16>, scalar_prefetch = 0 : i64, scratch_operands = 14 : i64, tpu.core_type = #tpu.core_type<sc_vector_subcore>, window_params = [{transform_indices = #map}, {transform_indices = #map1}, {transform_indices = #map}, {transform_indices = #map}]} {
    %mul3A = arith.constant 2 : i32
    %mul3A_0 = arith.muli %arg1, %mul3A : i32
    %add3A = arith.addi %mul3A_0, %arg0 : i32
    %mul3A_1 = arith.constant 256 : i32
    %mul3A_2 = arith.muli %add3A, %mul3A_1 : i32
    %mul3A_3 = arith.constant 256 : i32
    %mul3A_4 = arith.muli %arg1, %mul3A_3 : i32
    %mul3A_5 = arith.constant 256 : i32
    %mul3A_6 = arith.muli %arg1, %mul3A_5 : i32
    "tpu.region"() ({
      %run_scoped3A = tpu.sem_alloc : memref<!tpu.dma_semaphore, #tpu.memory_space<semaphore_mem>>
      %dma_start3A_35 = arith.constant 0 : i32
      %dma_start3A_36 = tpu.memref_slice %arg6[%mul3A_6, %dma_start3A_35] : memref<4096x128xi32, #tpu.memory_space<vmem_shared>> -> memref<256x128xi32, #tpu.memory_space<vmem_shared>>
      %dma_start3A_37 = arith.constant 0 : i32
      %dma_start3A_38 = tpu.memref_slice %arg2[%mul3A_4, %dma_start3A_37] : memref<4096x128xi32, #tpu.memory_space<hbm>> -> memref<256x128xi32, #tpu.memory_space<hbm>>
      tpu.enqueue_dma source(%dma_start3A_38 : memref<256x128xi32, #tpu.memory_space<hbm>>) target(%dma_start3A_36 : memref<256x128xi32, #tpu.memory_space<vmem_shared>>) target_semaphore(%run_scoped3A : memref<!tpu.dma_semaphore, #tpu.memory_space<semaphore_mem>>)
      %dma_wait3A_39 = arith.constant 0 : i32
      %dma_wait3A_40 = tpu.memref_slice %arg6[%mul3A_6, %dma_wait3A_39] : memref<4096x128xi32, #tpu.memory_space<vmem_shared>> -> memref<256x128xi32, #tpu.memory_space<vmem_shared>>
      %dma_wait3A_41 = arith.constant 0 : i32
      %dma_wait3A_42 = tpu.memref_slice %arg2[%mul3A_4, %dma_wait3A_41] : memref<4096x128xi32, #tpu.memory_space<hbm>> -> memref<256x128xi32, #tpu.memory_space<hbm>>
      tpu.wait_dma2 semaphore(%run_scoped3A : memref<!tpu.dma_semaphore, #tpu.memory_space<semaphore_mem>>) src(%dma_wait3A_42 : memref<256x128xi32, #tpu.memory_space<hbm>>) dst(%dma_wait3A_40 : memref<256x128xi32, #tpu.memory_space<vmem_shared>>)
      tpu.yield
    }) : () -> ()
    %mul3A_7 = arith.constant 12 : i32
    %mul3A_8 = arith.muli %mul3A_2, %mul3A_7 : i32
    "tpu.region"() ({
      %run_scoped3A = tpu.sem_alloc : memref<!tpu.dma_semaphore, #tpu.memory_space<semaphore_mem>>
      %dma_start3A_35 = tpu.memref_slice %arg3[%mul3A_8] : memref<98304xi32, #tpu.memory_space<hbm>> -> memref<3072xi32, #tpu.memory_space<hbm>>
      %dma_start3A_36 = tpu.memref_slice %arg3[%mul3A_8] : memref<98304xi32, #tpu.memory_space<hbm>> -> memref<3072xi32, #tpu.memory_space<hbm>>
      tpu.enqueue_dma source(%dma_start3A_36 : memref<3072xi32, #tpu.memory_space<hbm>>) target(%arg7 : memref<3072xi32, #tpu.memory_space<vmem>>) target_semaphore(%run_scoped3A : memref<!tpu.dma_semaphore, #tpu.memory_space<semaphore_mem>>)
      %dma_wait3A_37 = tpu.memref_slice %arg3[%mul3A_8] : memref<98304xi32, #tpu.memory_space<hbm>> -> memref<3072xi32, #tpu.memory_space<hbm>>
      %dma_wait3A_38 = tpu.memref_slice %arg3[%mul3A_8] : memref<98304xi32, #tpu.memory_space<hbm>> -> memref<3072xi32, #tpu.memory_space<hbm>>
      tpu.wait_dma2 semaphore(%run_scoped3A : memref<!tpu.dma_semaphore, #tpu.memory_space<semaphore_mem>>) src(%dma_wait3A_38 : memref<3072xi32, #tpu.memory_space<hbm>>) dst(%arg7 : memref<3072xi32, #tpu.memory_space<vmem>>)
      tpu.yield
    }) : () -> ()
    %barrier3A = arith.constant 0 : index
    tpu.barrier barrier_id(%barrier3A)
    %dma_start3A = arith.constant 0 : i32
    %dma_start3A_9 = tpu.memref_slice %arg7[%dma_start3A] : memref<3072xi32, #tpu.memory_space<vmem>> -> memref<48xi32, #tpu.memory_space<vmem>>
    %dma_start3A_10 = arith.constant 0 : i32
    %dma_start3A_11 = arith.constant 0 : i32
    %dma_start3A_12 = tpu.memref_slice %arg6[%dma_start3A_10, %dma_start3A_11] : memref<4096x128xi32, #tpu.memory_space<vmem_shared>> -> memref<4096x128xi32, #tpu.memory_space<vmem_shared>>
    tpu.enqueue_indirect_dma source(%dma_start3A_12 : memref<4096x128xi32, #tpu.memory_space<vmem_shared>>) target(%arg8 : memref<48x128xi32, #tpu.memory_space<vmem>>) offsets(%dma_start3A_9 : memref<48xi32, #tpu.memory_space<vmem>>) semaphore(%arg14 : memref<!tpu.dma_semaphore, #tpu.memory_space<semaphore_mem>>)
    %add3A_13 = arith.constant 0 : i32
    %add3A_14 = arith.addi %mul3A_2, %add3A_13 : i32
    %dma_start3A_15 = arith.constant 0 : i32
    %dma_start3A_16 = tpu.memref_slice %arg4[%add3A_14, %dma_start3A_15] : memref<8192x4096xf32, #tpu.memory_space<hbm>> -> memref<4x4096xf32, #tpu.memory_space<hbm>>
    %dma_start3A_17 = arith.constant 0 : i32
    %dma_start3A_18 = tpu.memref_slice %arg4[%add3A_14, %dma_start3A_17] : memref<8192x4096xf32, #tpu.memory_space<hbm>> -> memref<4x4096xf32, #tpu.memory_space<hbm>>
    tpu.enqueue_dma source(%dma_start3A_18 : memref<4x4096xf32, #tpu.memory_space<hbm>>) target(%arg10 : memref<4x4096xf32, #tpu.memory_space<vmem>>) target_semaphore(%arg16 : memref<!tpu.dma_semaphore, #tpu.memory_space<semaphore_mem>>)
    %scan3A = arith.constant 0 : i32
    %scan3A_19 = arith.constant 0 : i32
    %scan3A_20 = arith.constant 32 : i32
    %scan3A_21 = arith.addi %scan3A_19, %scan3A_20 : i32
    %scan3A_22 = arith.constant 1 : i32
    scf.for %scan3A_35 = %scan3A_19 to %scan3A_21 step %scan3A_22  : i32 {
      %mul3A_36 = arith.constant 2 : i32
      %mul3A_37 = arith.muli %scan3A_35, %mul3A_36 : i32
      %add3A_38 = arith.constant 1 : i32
      %add3A_39 = arith.addi %mul3A_37, %add3A_38 : i32
      %mul3A_40 = arith.constant 48 : i32
      %mul3A_41 = arith.muli %add3A_39, %mul3A_40 : i32
      %dma_start3A_42 = tpu.memref_slice %arg7[%mul3A_41] : memref<3072xi32, #tpu.memory_space<vmem>> -> memref<48xi32, #tpu.memory_space<vmem>>
      %dma_start3A_43 = arith.constant 0 : i32
      %dma_start3A_44 = arith.constant 0 : i32
      %dma_start3A_45 = tpu.memref_slice %arg6[%dma_start3A_43, %dma_start3A_44] : memref<4096x128xi32, #tpu.memory_space<vmem_shared>> -> memref<4096x128xi32, #tpu.memory_space<vmem_shared>>
      tpu.enqueue_indirect_dma source(%dma_start3A_45 : memref<4096x128xi32, #tpu.memory_space<vmem_shared>>) target(%arg9 : memref<48x128xi32, #tpu.memory_space<vmem>>) offsets(%dma_start3A_42 : memref<48xi32, #tpu.memory_space<vmem>>) semaphore(%arg15 : memref<!tpu.dma_semaphore, #tpu.memory_space<semaphore_mem>>)
      %mul3A_46 = arith.constant 4 : i32
      %mul3A_47 = arith.muli %add3A_39, %mul3A_46 : i32
      %add3A_48 = arith.addi %mul3A_2, %mul3A_47 : i32
      %dma_start3A_49 = arith.constant 0 : i32
      %dma_start3A_50 = tpu.memref_slice %arg4[%add3A_48, %dma_start3A_49] : memref<8192x4096xf32, #tpu.memory_space<hbm>> -> memref<4x4096xf32, #tpu.memory_space<hbm>>
      %dma_start3A_51 = arith.constant 0 : i32
      %dma_start3A_52 = tpu.memref_slice %arg4[%add3A_48, %dma_start3A_51] : memref<8192x4096xf32, #tpu.memory_space<hbm>> -> memref<4x4096xf32, #tpu.memory_space<hbm>>
      tpu.enqueue_dma source(%dma_start3A_52 : memref<4x4096xf32, #tpu.memory_space<hbm>>) target(%arg11 : memref<4x4096xf32, #tpu.memory_space<vmem>>) target_semaphore(%arg17 : memref<!tpu.dma_semaphore, #tpu.memory_space<semaphore_mem>>)
      %dma_wait3A_53 = arith.constant 0 : i32
      %dma_wait3A_54 = arith.constant 0 : i32
      %dma_wait3A_55 = tpu.memref_slice %arg6[%dma_wait3A_53, %dma_wait3A_54] : memref<4096x128xi32, #tpu.memory_space<vmem_shared>> -> memref<48x128xi32, #tpu.memory_space<vmem_shared>>
      %dma_wait3A_56 = arith.constant 0 : i32
      %dma_wait3A_57 = arith.constant 0 : i32
      %dma_wait3A_58 = tpu.memref_slice %arg6[%dma_wait3A_56, %dma_wait3A_57] : memref<4096x128xi32, #tpu.memory_space<vmem_shared>> -> memref<48x128xi32, #tpu.memory_space<vmem_shared>>
      tpu.wait_dma2 semaphore(%arg14 : memref<!tpu.dma_semaphore, #tpu.memory_space<semaphore_mem>>) src(%dma_wait3A_58 : memref<48x128xi32, #tpu.memory_space<vmem_shared>>) dst(%arg8 : memref<48x128xi32, #tpu.memory_space<vmem>>)
      %dma_wait3A_59 = arith.constant 0 : i32
      %dma_wait3A_60 = arith.constant 0 : i32
      %dma_wait3A_61 = tpu.memref_slice %arg4[%dma_wait3A_59, %dma_wait3A_60] : memref<8192x4096xf32, #tpu.memory_space<hbm>> -> memref<4x4096xf32, #tpu.memory_space<hbm>>
      %dma_wait3A_62 = arith.constant 0 : i32
      %dma_wait3A_63 = arith.constant 0 : i32
      %dma_wait3A_64 = tpu.memref_slice %arg4[%dma_wait3A_62, %dma_wait3A_63] : memref<8192x4096xf32, #tpu.memory_space<hbm>> -> memref<4x4096xf32, #tpu.memory_space<hbm>>
      tpu.wait_dma2 semaphore(%arg16 : memref<!tpu.dma_semaphore, #tpu.memory_space<semaphore_mem>>) src(%dma_wait3A_64 : memref<4x4096xf32, #tpu.memory_space<hbm>>) dst(%arg10 : memref<4x4096xf32, #tpu.memory_space<vmem>>)
      %gt3A = arith.constant 0 : i32
      %gt3A_65 = arith.cmpi sgt, %scan3A_35, %gt3A : i32
      %convert_element_type3A = arith.extui %gt3A_65 : i1 to i32
      %cond3A = arith.constant 0 : i32
      %cond3A_66 = arith.cmpi ne, %convert_element_type3A, %cond3A : i32
      scf.if %cond3A_66 {
        %dma_wait3A_109 = arith.constant 0 : i32
        %dma_wait3A_110 = arith.constant 0 : i32
        %dma_wait3A_111 = tpu.memref_slice %arg5[%dma_wait3A_109, %dma_wait3A_110] : memref<8192x256xi32, #tpu.memory_space<hbm>> -> memref<4x256xi32, #tpu.memory_space<hbm>>
        %dma_wait3A_112 = arith.constant 0 : i32
        %dma_wait3A_113 = arith.constant 0 : i32
        %dma_wait3A_114 = tpu.memref_slice %arg5[%dma_wait3A_112, %dma_wait3A_113] : memref<8192x256xi32, #tpu.memory_space<hbm>> -> memref<4x256xi32, #tpu.memory_space<hbm>>
        tpu.wait_dma2 semaphore(%arg18 : memref<!tpu.dma_semaphore, #tpu.memory_space<semaphore_mem>>) src(%arg12 : memref<4x256xi32, #tpu.memory_space<vmem>>) dst(%dma_wait3A_114 : memref<4x256xi32, #tpu.memory_space<hbm>>)
      } else {
      }
      %parallel_loop3A = arith.constant 0 : i32
      %parallel_loop3A_67 = arith.constant 32 : i32
      %parallel_loop3A_68 = arith.constant 1 : i32
      scf.for %parallel_loop3A_109 = %parallel_loop3A to %parallel_loop3A_67 step %parallel_loop3A_68  : i32 {
        %parallel_loop3A_110 = arith.constant 8 : i32
        %parallel_loop3A_111 = arith.divsi %parallel_loop3A_109, %parallel_loop3A_110 : i32
        %parallel_loop3A_112 = arith.constant 0 : i32
        %parallel_loop3A_113 = arith.cmpi sgt, %parallel_loop3A_109, %parallel_loop3A_112 : i32
        %parallel_loop3A_114 = arith.extui %parallel_loop3A_113 : i1 to i32
        %parallel_loop3A_115 = arith.constant 0 : i32
        %parallel_loop3A_116 = arith.cmpi slt, %parallel_loop3A_109, %parallel_loop3A_115 : i32
        %parallel_loop3A_117 = arith.extui %parallel_loop3A_116 : i1 to i32
        %parallel_loop3A_118 = arith.subi %parallel_loop3A_114, %parallel_loop3A_117 : i32
        %parallel_loop3A_119 = arith.constant 0 : i32
        %parallel_loop3A_120 = arith.cmpi sgt, %parallel_loop3A_110, %parallel_loop3A_119 : i32
        %parallel_loop3A_121 = arith.extui %parallel_loop3A_120 : i1 to i32
        %parallel_loop3A_122 = arith.constant 0 : i32
        %parallel_loop3A_123 = arith.cmpi slt, %parallel_loop3A_110, %parallel_loop3A_122 : i32
        %parallel_loop3A_124 = arith.extui %parallel_loop3A_123 : i1 to i32
        %parallel_loop3A_125 = arith.subi %parallel_loop3A_121, %parallel_loop3A_124 : i32
        %parallel_loop3A_126 = arith.cmpi ne, %parallel_loop3A_118, %parallel_loop3A_125 : i32
        %parallel_loop3A_127 = arith.remsi %parallel_loop3A_109, %parallel_loop3A_110 : i32
        %parallel_loop3A_128 = arith.constant 0 : i32
        %parallel_loop3A_129 = arith.cmpi ne, %parallel_loop3A_127, %parallel_loop3A_128 : i32
        %parallel_loop3A_130 = arith.andi %parallel_loop3A_126, %parallel_loop3A_129 : i1
        %parallel_loop3A_131 = arith.constant 1 : i32
        %parallel_loop3A_132 = arith.subi %parallel_loop3A_111, %parallel_loop3A_131 : i32
        %parallel_loop3A_133 = arith.select %parallel_loop3A_130, %parallel_loop3A_132, %parallel_loop3A_111 : i32
        %parallel_loop3A_134 = arith.constant 8 : i32
        %parallel_loop3A_135 = arith.constant 0 : i32
        %parallel_loop3A_136 = arith.cmpi eq, %parallel_loop3A_134, %parallel_loop3A_135 : i32
        %parallel_loop3A_137 = arith.constant 1 : i32
        %parallel_loop3A_138 = arith.select %parallel_loop3A_136, %parallel_loop3A_137, %parallel_loop3A_134 : i32
        %parallel_loop3A_139 = arith.remsi %parallel_loop3A_109, %parallel_loop3A_138 : i32
        %parallel_loop3A_140 = arith.constant 0 : i32
        %parallel_loop3A_141 = arith.cmpi ne, %parallel_loop3A_139, %parallel_loop3A_140 : i32
        %parallel_loop3A_142 = arith.constant 0 : i32
        %parallel_loop3A_143 = arith.cmpi slt, %parallel_loop3A_139, %parallel_loop3A_142 : i32
        %parallel_loop3A_144 = arith.constant 0 : i32
        %parallel_loop3A_145 = arith.cmpi slt, %parallel_loop3A_138, %parallel_loop3A_144 : i32
        %parallel_loop3A_146 = arith.xori %parallel_loop3A_143, %parallel_loop3A_145 : i1
        %parallel_loop3A_147 = arith.andi %parallel_loop3A_146, %parallel_loop3A_141 : i1
        %parallel_loop3A_148 = arith.addi %parallel_loop3A_139, %parallel_loop3A_138 : i32
        %parallel_loop3A_149 = arith.select %parallel_loop3A_147, %parallel_loop3A_148, %parallel_loop3A_139 : i32
        %parallel_loop3A_150 = vector.broadcast %parallel_loop3A_133 : i32 to vector<16xi32>
        %parallel_loop3A_151 = tpu.iota {dimensions = array<i32: 0>} : vector<16xi32>
        %parallel_loop3A_152 = arith.constant 2 : i32
        %parallel_loop3A_153 = vector.broadcast %parallel_loop3A_152 : i32 to vector<16xi32>
        %parallel_loop3A_154 = arith.muli %parallel_loop3A_151, %parallel_loop3A_153 : vector<16xi32>
        %parallel_loop3A_155 = arith.constant 12 : i32
        %parallel_loop3A_156 = arith.muli %parallel_loop3A_133, %parallel_loop3A_155 : i32
        %parallel_loop3A_157 = arith.constant 0 : i32
        %parallel_loop3A_158 = arith.addi %parallel_loop3A_156, %parallel_loop3A_157 : i32
        %parallel_loop3A_159 = arith.constant 16 : i32
        %parallel_loop3A_160 = arith.muli %parallel_loop3A_149, %parallel_loop3A_159 : i32
        %parallel_loop3A_161 = arith.index_cast %parallel_loop3A_158 : i32 to index
        %parallel_loop3A_162 = arith.index_cast %parallel_loop3A_160 : i32 to index
        %parallel_loop3A_163 = tpu.vector_load %arg8[%parallel_loop3A_161, %parallel_loop3A_162] {strides = array<i32>} : memref<48x128xi32, #tpu.memory_space<vmem>>, vector<16xi32>,
        %parallel_loop3A_164 = arith.constant 0 : i32
        %parallel_loop3A_165 = vector.broadcast %parallel_loop3A_164 : i32 to vector<16xi32>
        %parallel_loop3A_166 = arith.shli %parallel_loop3A_163, %parallel_loop3A_165 : vector<16xi32>
        %parallel_loop3A_167 = arith.constant 12 : i32
        %parallel_loop3A_168 = arith.muli %parallel_loop3A_133, %parallel_loop3A_167 : i32
        %parallel_loop3A_169 = arith.constant 1 : i32
        %parallel_loop3A_170 = arith.addi %parallel_loop3A_168, %parallel_loop3A_169 : i32
        %parallel_loop3A_171 = arith.constant 16 : i32
        %parallel_loop3A_172 = arith.muli %parallel_loop3A_149, %parallel_loop3A_171 : i32
        %parallel_loop3A_173 = arith.index_cast %parallel_loop3A_170 : i32 to index
        %parallel_loop3A_174 = arith.index_cast %parallel_loop3A_172 : i32 to index
        %parallel_loop3A_175 = tpu.vector_load %arg8[%parallel_loop3A_173, %parallel_loop3A_174] {strides = array<i32>} : memref<48x128xi32, #tpu.memory_space<vmem>>, vector<16xi32>,
        %parallel_loop3A_176 = arith.constant 1 : i32
        %parallel_loop3A_177 = vector.broadcast %parallel_loop3A_176 : i32 to vector<16xi32>
        %parallel_loop3A_178 = arith.shli %parallel_loop3A_175, %parallel_loop3A_177 : vector<16xi32>
        %parallel_loop3A_179 = arith.addi %parallel_loop3A_166, %parallel_loop3A_178 : vector<16xi32>
        %parallel_loop3A_180 = arith.constant 12 : i32
        %parallel_loop3A_181 = arith.muli %parallel_loop3A_133, %parallel_loop3A_180 : i32
        %parallel_loop3A_182 = arith.constant 2 : i32
        %parallel_loop3A_183 = arith.addi %parallel_loop3A_181, %parallel_loop3A_182 : i32
        %parallel_loop3A_184 = arith.constant 16 : i32
        %parallel_loop3A_185 = arith.muli %parallel_loop3A_149, %parallel_loop3A_184 : i32
        %parallel_loop3A_186 = arith.index_cast %parallel_loop3A_183 : i32 to index
        %parallel_loop3A_187 = arith.index_cast %parallel_loop3A_185 : i32 to index
        %parallel_loop3A_188 = tpu.vector_load %arg8[%parallel_loop3A_186, %parallel_loop3A_187] {strides = array<i32>} : memref<48x128xi32, #tpu.memory_space<vmem>>, vector<16xi32>,
        %parallel_loop3A_189 = arith.constant 2 : i32
        %parallel_loop3A_190 = vector.broadcast %parallel_loop3A_189 : i32 to vector<16xi32>
        %parallel_loop3A_191 = arith.shli %parallel_loop3A_188, %parallel_loop3A_190 : vector<16xi32>
        %parallel_loop3A_192 = arith.addi %parallel_loop3A_179, %parallel_loop3A_191 : vector<16xi32>
        %parallel_loop3A_193 = arith.constant 12 : i32
        %parallel_loop3A_194 = arith.muli %parallel_loop3A_133, %parallel_loop3A_193 : i32
        %parallel_loop3A_195 = arith.constant 3 : i32
        %parallel_loop3A_196 = arith.addi %parallel_loop3A_194, %parallel_loop3A_195 : i32
        %parallel_loop3A_197 = arith.constant 16 : i32
        %parallel_loop3A_198 = arith.muli %parallel_loop3A_149, %parallel_loop3A_197 : i32
        %parallel_loop3A_199 = arith.index_cast %parallel_loop3A_196 : i32 to index
        %parallel_loop3A_200 = arith.index_cast %parallel_loop3A_198 : i32 to index
        %parallel_loop3A_201 = tpu.vector_load %arg8[%parallel_loop3A_199, %parallel_loop3A_200] {strides = array<i32>} : memref<48x128xi32, #tpu.memory_space<vmem>>, vector<16xi32>,
        %parallel_loop3A_202 = arith.constant 3 : i32
        %parallel_loop3A_203 = vector.broadcast %parallel_loop3A_202 : i32 to vector<16xi32>
        %parallel_loop3A_204 = arith.shli %parallel_loop3A_201, %parallel_loop3A_203 : vector<16xi32>
        %parallel_loop3A_205 = arith.addi %parallel_loop3A_192, %parallel_loop3A_204 : vector<16xi32>
        %parallel_loop3A_206 = arith.constant 12 : i32
        %parallel_loop3A_207 = arith.muli %parallel_loop3A_133, %parallel_loop3A_206 : i32
        %parallel_loop3A_208 = arith.constant 4 : i32
        %parallel_loop3A_209 = arith.addi %parallel_loop3A_207, %parallel_loop3A_208 : i32
        %parallel_loop3A_210 = arith.constant 16 : i32
        %parallel_loop3A_211 = arith.muli %parallel_loop3A_149, %parallel_loop3A_210 : i32
        %parallel_loop3A_212 = arith.index_cast %parallel_loop3A_209 : i32 to index
        %parallel_loop3A_213 = arith.index_cast %parallel_loop3A_211 : i32 to index
        %parallel_loop3A_214 = tpu.vector_load %arg8[%parallel_loop3A_212, %parallel_loop3A_213] {strides = array<i32>} : memref<48x128xi32, #tpu.memory_space<vmem>>, vector<16xi32>,
        %parallel_loop3A_215 = arith.constant 0 : i32
        %parallel_loop3A_216 = vector.broadcast %parallel_loop3A_215 : i32 to vector<16xi32>
        %parallel_loop3A_217 = arith.shli %parallel_loop3A_214, %parallel_loop3A_216 : vector<16xi32>
        %parallel_loop3A_218 = arith.constant 12 : i32
        %parallel_loop3A_219 = arith.muli %parallel_loop3A_133, %parallel_loop3A_218 : i32
        %parallel_loop3A_220 = arith.constant 5 : i32
        %parallel_loop3A_221 = arith.addi %parallel_loop3A_219, %parallel_loop3A_220 : i32
        %parallel_loop3A_222 = arith.constant 16 : i32
        %parallel_loop3A_223 = arith.muli %parallel_loop3A_149, %parallel_loop3A_222 : i32
        %parallel_loop3A_224 = arith.index_cast %parallel_loop3A_221 : i32 to index
        %parallel_loop3A_225 = arith.index_cast %parallel_loop3A_223 : i32 to index
        %parallel_loop3A_226 = tpu.vector_load %arg8[%parallel_loop3A_224, %parallel_loop3A_225] {strides = array<i32>} : memref<48x128xi32, #tpu.memory_space<vmem>>, vector<16xi32>,
        %parallel_loop3A_227 = arith.constant 1 : i32
        %parallel_loop3A_228 = vector.broadcast %parallel_loop3A_227 : i32 to vector<16xi32>
        %parallel_loop3A_229 = arith.shli %parallel_loop3A_226, %parallel_loop3A_228 : vector<16xi32>
        %parallel_loop3A_230 = arith.addi %parallel_loop3A_217, %parallel_loop3A_229 : vector<16xi32>
        %parallel_loop3A_231 = arith.constant 12 : i32
        %parallel_loop3A_232 = arith.muli %parallel_loop3A_133, %parallel_loop3A_231 : i32
        %parallel_loop3A_233 = arith.constant 6 : i32
        %parallel_loop3A_234 = arith.addi %parallel_loop3A_232, %parallel_loop3A_233 : i32
        %parallel_loop3A_235 = arith.constant 16 : i32
        %parallel_loop3A_236 = arith.muli %parallel_loop3A_149, %parallel_loop3A_235 : i32
        %parallel_loop3A_237 = arith.index_cast %parallel_loop3A_234 : i32 to index
        %parallel_loop3A_238 = arith.index_cast %parallel_loop3A_236 : i32 to index
        %parallel_loop3A_239 = tpu.vector_load %arg8[%parallel_loop3A_237, %parallel_loop3A_238] {strides = array<i32>} : memref<48x128xi32, #tpu.memory_space<vmem>>, vector<16xi32>,
        %parallel_loop3A_240 = arith.constant 2 : i32
        %parallel_loop3A_241 = vector.broadcast %parallel_loop3A_240 : i32 to vector<16xi32>
        %parallel_loop3A_242 = arith.shli %parallel_loop3A_239, %parallel_loop3A_241 : vector<16xi32>
        %parallel_loop3A_243 = arith.addi %parallel_loop3A_230, %parallel_loop3A_242 : vector<16xi32>
        %parallel_loop3A_244 = arith.constant 12 : i32
        %parallel_loop3A_245 = arith.muli %parallel_loop3A_133, %parallel_loop3A_244 : i32
        %parallel_loop3A_246 = arith.constant 7 : i32
        %parallel_loop3A_247 = arith.addi %parallel_loop3A_245, %parallel_loop3A_246 : i32
        %parallel_loop3A_248 = arith.constant 16 : i32
        %parallel_loop3A_249 = arith.muli %parallel_loop3A_149, %parallel_loop3A_248 : i32
        %parallel_loop3A_250 = arith.index_cast %parallel_loop3A_247 : i32 to index
        %parallel_loop3A_251 = arith.index_cast %parallel_loop3A_249 : i32 to index
        %parallel_loop3A_252 = tpu.vector_load %arg8[%parallel_loop3A_250, %parallel_loop3A_251] {strides = array<i32>} : memref<48x128xi32, #tpu.memory_space<vmem>>, vector<16xi32>,
        %parallel_loop3A_253 = arith.constant 3 : i32
        %parallel_loop3A_254 = vector.broadcast %parallel_loop3A_253 : i32 to vector<16xi32>
        %parallel_loop3A_255 = arith.shli %parallel_loop3A_252, %parallel_loop3A_254 : vector<16xi32>
        %parallel_loop3A_256 = arith.addi %parallel_loop3A_243, %parallel_loop3A_255 : vector<16xi32>
        %parallel_loop3A_257 = arith.constant 12 : i32
        %parallel_loop3A_258 = arith.muli %parallel_loop3A_133, %parallel_loop3A_257 : i32
        %parallel_loop3A_259 = arith.constant 8 : i32
        %parallel_loop3A_260 = arith.addi %parallel_loop3A_258, %parallel_loop3A_259 : i32
        %parallel_loop3A_261 = arith.constant 16 : i32
        %parallel_loop3A_262 = arith.muli %parallel_loop3A_149, %parallel_loop3A_261 : i32
        %parallel_loop3A_263 = arith.index_cast %parallel_loop3A_260 : i32 to index
        %parallel_loop3A_264 = arith.index_cast %parallel_loop3A_262 : i32 to index
        %parallel_loop3A_265 = tpu.vector_load %arg8[%parallel_loop3A_263, %parallel_loop3A_264] {strides = array<i32>} : memref<48x128xi32, #tpu.memory_space<vmem>>, vector<16xi32>,
        %parallel_loop3A_266 = arith.constant 0 : i32
        %parallel_loop3A_267 = vector.broadcast %parallel_loop3A_266 : i32 to vector<16xi32>
        %parallel_loop3A_268 = arith.shli %parallel_loop3A_265, %parallel_loop3A_267 : vector<16xi32>
        %parallel_loop3A_269 = arith.constant 12 : i32
        %parallel_loop3A_270 = arith.muli %parallel_loop3A_133, %parallel_loop3A_269 : i32
        %parallel_loop3A_271 = arith.constant 9 : i32
        %parallel_loop3A_272 = arith.addi %parallel_loop3A_270, %parallel_loop3A_271 : i32
        %parallel_loop3A_273 = arith.constant 16 : i32
        %parallel_loop3A_274 = arith.muli %parallel_loop3A_149, %parallel_loop3A_273 : i32
        %parallel_loop3A_275 = arith.index_cast %parallel_loop3A_272 : i32 to index
        %parallel_loop3A_276 = arith.index_cast %parallel_loop3A_274 : i32 to index
        %parallel_loop3A_277 = tpu.vector_load %arg8[%parallel_loop3A_275, %parallel_loop3A_276] {strides = array<i32>} : memref<48x128xi32, #tpu.memory_space<vmem>>, vector<16xi32>,
        %parallel_loop3A_278 = arith.constant 1 : i32
        %parallel_loop3A_279 = vector.broadcast %parallel_loop3A_278 : i32 to vector<16xi32>
        %parallel_loop3A_280 = arith.shli %parallel_loop3A_277, %parallel_loop3A_279 : vector<16xi32>
        %parallel_loop3A_281 = arith.addi %parallel_loop3A_268, %parallel_loop3A_280 : vector<16xi32>
        %parallel_loop3A_282 = arith.constant 12 : i32
        %parallel_loop3A_283 = arith.muli %parallel_loop3A_133, %parallel_loop3A_282 : i32
        %parallel_loop3A_284 = arith.constant 10 : i32
        %parallel_loop3A_285 = arith.addi %parallel_loop3A_283, %parallel_loop3A_284 : i32
        %parallel_loop3A_286 = arith.constant 16 : i32
        %parallel_loop3A_287 = arith.muli %parallel_loop3A_149, %parallel_loop3A_286 : i32
        %parallel_loop3A_288 = arith.index_cast %parallel_loop3A_285 : i32 to index
        %parallel_loop3A_289 = arith.index_cast %parallel_loop3A_287 : i32 to index
        %parallel_loop3A_290 = tpu.vector_load %arg8[%parallel_loop3A_288, %parallel_loop3A_289] {strides = array<i32>} : memref<48x128xi32, #tpu.memory_space<vmem>>, vector<16xi32>,
        %parallel_loop3A_291 = arith.constant 2 : i32
        %parallel_loop3A_292 = vector.broadcast %parallel_loop3A_291 : i32 to vector<16xi32>
        %parallel_loop3A_293 = arith.shli %parallel_loop3A_290, %parallel_loop3A_292 : vector<16xi32>
        %parallel_loop3A_294 = arith.addi %parallel_loop3A_281, %parallel_loop3A_293 : vector<16xi32>
        %parallel_loop3A_295 = arith.constant 12 : i32
        %parallel_loop3A_296 = arith.muli %parallel_loop3A_133, %parallel_loop3A_295 : i32
        %parallel_loop3A_297 = arith.constant 11 : i32
        %parallel_loop3A_298 = arith.addi %parallel_loop3A_296, %parallel_loop3A_297 : i32
        %parallel_loop3A_299 = arith.constant 16 : i32
        %parallel_loop3A_300 = arith.muli %parallel_loop3A_149, %parallel_loop3A_299 : i32
        %parallel_loop3A_301 = arith.index_cast %parallel_loop3A_298 : i32 to index
        %parallel_loop3A_302 = arith.index_cast %parallel_loop3A_300 : i32 to index
        %parallel_loop3A_303 = tpu.vector_load %arg8[%parallel_loop3A_301, %parallel_loop3A_302] {strides = array<i32>} : memref<48x128xi32, #tpu.memory_space<vmem>>, vector<16xi32>,
        %parallel_loop3A_304 = arith.constant 3 : i32
        %parallel_loop3A_305 = vector.broadcast %parallel_loop3A_304 : i32 to vector<16xi32>
        %parallel_loop3A_306 = arith.shli %parallel_loop3A_303, %parallel_loop3A_305 : vector<16xi32>
        %parallel_loop3A_307 = arith.addi %parallel_loop3A_294, %parallel_loop3A_306 : vector<16xi32>
        %parallel_loop3A_308 = arith.constant 15 : i32
        %parallel_loop3A_309 = vector.broadcast %parallel_loop3A_308 : i32 to vector<16xi32>
        %parallel_loop3A_310 = arith.andi %parallel_loop3A_205, %parallel_loop3A_309 : vector<16xi32>
        %parallel_loop3A_311 = arith.constant 4 : i32
        %parallel_loop3A_312 = vector.broadcast %parallel_loop3A_311 : i32 to vector<16xi32>
        %parallel_loop3A_313 = arith.shli %parallel_loop3A_256, %parallel_loop3A_312 : vector<16xi32>
        %parallel_loop3A_314 = arith.constant 240 : i32
        %parallel_loop3A_315 = vector.broadcast %parallel_loop3A_314 : i32 to vector<16xi32>
        %parallel_loop3A_316 = arith.andi %parallel_loop3A_313, %parallel_loop3A_315 : vector<16xi32>
        %parallel_loop3A_317 = arith.constant 8 : i32
        %parallel_loop3A_318 = vector.broadcast %parallel_loop3A_317 : i32 to vector<16xi32>
        %parallel_loop3A_319 = arith.shli %parallel_loop3A_307, %parallel_loop3A_318 : vector<16xi32>
        %parallel_loop3A_320 = arith.constant 3840 : i32
        %parallel_loop3A_321 = vector.broadcast %parallel_loop3A_320 : i32 to vector<16xi32>
        %parallel_loop3A_322 = arith.andi %parallel_loop3A_319, %parallel_loop3A_321 : vector<16xi32>
        %parallel_loop3A_323 = arith.ori %parallel_loop3A_310, %parallel_loop3A_316 : vector<16xi32>
        %parallel_loop3A_324 = arith.ori %parallel_loop3A_323, %parallel_loop3A_322 : vector<16xi32>
        %parallel_loop3A_325 = tpu.vector_load_idx %arg10[%parallel_loop3A_150, %parallel_loop3A_324] : memref<4x4096xf32, #tpu.memory_space<vmem>>[vector<16xi32>, vector<16xi32>], vector<16xf32>,
        %parallel_loop3A_326 = arith.constant 5.000000e-01 : f32
        %parallel_loop3A_327 = vector.broadcast %parallel_loop3A_326 : f32 to vector<16xf32>
        %parallel_loop3A_328 = arith.cmpf ogt, %parallel_loop3A_325, %parallel_loop3A_327 : vector<16xf32>
        %parallel_loop3A_329 = arith.constant 1 : i32
        %parallel_loop3A_330 = arith.constant 0 : i32
        %parallel_loop3A_331 = vector.broadcast %parallel_loop3A_329 : i32 to vector<16xi32>
        %parallel_loop3A_332 = vector.broadcast %parallel_loop3A_330 : i32 to vector<16xi32>
        %parallel_loop3A_333 = arith.select %parallel_loop3A_328, %parallel_loop3A_331, %parallel_loop3A_332 : vector<16xi1>, vector<16xi32>
        %parallel_loop3A_334 = arith.constant 4 : i32
        %parallel_loop3A_335 = vector.broadcast %parallel_loop3A_334 : i32 to vector<16xi32>
        %parallel_loop3A_336 = arith.shrsi %parallel_loop3A_205, %parallel_loop3A_335 : vector<16xi32>
        %parallel_loop3A_337 = arith.constant 15 : i32
        %parallel_loop3A_338 = vector.broadcast %parallel_loop3A_337 : i32 to vector<16xi32>
        %parallel_loop3A_339 = arith.andi %parallel_loop3A_336, %parallel_loop3A_338 : vector<16xi32>
        %parallel_loop3A_340 = arith.constant 240 : i32
        %parallel_loop3A_341 = vector.broadcast %parallel_loop3A_340 : i32 to vector<16xi32>
        %parallel_loop3A_342 = arith.andi %parallel_loop3A_256, %parallel_loop3A_341 : vector<16xi32>
        %parallel_loop3A_343 = arith.constant 4 : i32
        %parallel_loop3A_344 = vector.broadcast %parallel_loop3A_343 : i32 to vector<16xi32>
        %parallel_loop3A_345 = arith.shli %parallel_loop3A_307, %parallel_loop3A_344 : vector<16xi32>
        %parallel_loop3A_346 = arith.constant 3840 : i32
        %parallel_loop3A_347 = vector.broadcast %parallel_loop3A_346 : i32 to vector<16xi32>
        %parallel_loop3A_348 = arith.andi %parallel_loop3A_345, %parallel_loop3A_347 : vector<16xi32>
        %parallel_loop3A_349 = arith.ori %parallel_loop3A_339, %parallel_loop3A_342 : vector<16xi32>
        %parallel_loop3A_350 = arith.ori %parallel_loop3A_349, %parallel_loop3A_348 : vector<16xi32>
        %parallel_loop3A_351 = tpu.vector_load_idx %arg10[%parallel_loop3A_150, %parallel_loop3A_350] : memref<4x4096xf32, #tpu.memory_space<vmem>>[vector<16xi32>, vector<16xi32>], vector<16xf32>,
        %parallel_loop3A_352 = arith.constant 5.000000e-01 : f32
        %parallel_loop3A_353 = vector.broadcast %parallel_loop3A_352 : f32 to vector<16xf32>
        %parallel_loop3A_354 = arith.cmpf ogt, %parallel_loop3A_351, %parallel_loop3A_353 : vector<16xf32>
        %parallel_loop3A_355 = arith.constant 1 : i32
        %parallel_loop3A_356 = arith.constant 0 : i32
        %parallel_loop3A_357 = vector.broadcast %parallel_loop3A_355 : i32 to vector<16xi32>
        %parallel_loop3A_358 = vector.broadcast %parallel_loop3A_356 : i32 to vector<16xi32>
        %parallel_loop3A_359 = arith.select %parallel_loop3A_354, %parallel_loop3A_357, %parallel_loop3A_358 : vector<16xi1>, vector<16xi32>
        %parallel_loop3A_360 = arith.constant 8 : i32
        %parallel_loop3A_361 = vector.broadcast %parallel_loop3A_360 : i32 to vector<16xi32>
        %parallel_loop3A_362 = arith.shli %parallel_loop3A_359, %parallel_loop3A_361 : vector<16xi32>
        %parallel_loop3A_363 = arith.ori %parallel_loop3A_333, %parallel_loop3A_362 : vector<16xi32>
        %parallel_loop3A_364 = arith.constant 8 : i32
        %parallel_loop3A_365 = vector.broadcast %parallel_loop3A_364 : i32 to vector<16xi32>
        %parallel_loop3A_366 = arith.shrsi %parallel_loop3A_205, %parallel_loop3A_365 : vector<16xi32>
        %parallel_loop3A_367 = arith.constant 15 : i32
        %parallel_loop3A_368 = vector.broadcast %parallel_loop3A_367 : i32 to vector<16xi32>
        %parallel_loop3A_369 = arith.andi %parallel_loop3A_366, %parallel_loop3A_368 : vector<16xi32>
        %parallel_loop3A_370 = arith.constant 4 : i32
        %parallel_loop3A_371 = vector.broadcast %parallel_loop3A_370 : i32 to vector<16xi32>
        %parallel_loop3A_372 = arith.shrsi %parallel_loop3A_256, %parallel_loop3A_371 : vector<16xi32>
        %parallel_loop3A_373 = arith.constant 240 : i32
        %parallel_loop3A_374 = vector.broadcast %parallel_loop3A_373 : i32 to vector<16xi32>
        %parallel_loop3A_375 = arith.andi %parallel_loop3A_372, %parallel_loop3A_374 : vector<16xi32>
        %parallel_loop3A_376 = arith.constant 0 : i32
        %parallel_loop3A_377 = vector.broadcast %parallel_loop3A_376 : i32 to vector<16xi32>
        %parallel_loop3A_378 = arith.shrsi %parallel_loop3A_307, %parallel_loop3A_377 : vector<16xi32>
        %parallel_loop3A_379 = arith.constant 3840 : i32
        %parallel_loop3A_380 = vector.broadcast %parallel_loop3A_379 : i32 to vector<16xi32>
        %parallel_loop3A_381 = arith.andi %parallel_loop3A_378, %parallel_loop3A_380 : vector<16xi32>
        %parallel_loop3A_382 = arith.ori %parallel_loop3A_369, %parallel_loop3A_375 : vector<16xi32>
        %parallel_loop3A_383 = arith.ori %parallel_loop3A_382, %parallel_loop3A_381 : vector<16xi32>
        %parallel_loop3A_384 = tpu.vector_load_idx %arg10[%parallel_loop3A_150, %parallel_loop3A_383] : memref<4x4096xf32, #tpu.memory_space<vmem>>[vector<16xi32>, vector<16xi32>], vector<16xf32>,
        %parallel_loop3A_385 = arith.constant 5.000000e-01 : f32
        %parallel_loop3A_386 = vector.broadcast %parallel_loop3A_385 : f32 to vector<16xf32>
        %parallel_loop3A_387 = arith.cmpf ogt, %parallel_loop3A_384, %parallel_loop3A_386 : vector<16xf32>
        %parallel_loop3A_388 = arith.constant 1 : i32
        %parallel_loop3A_389 = arith.constant 0 : i32
        %parallel_loop3A_390 = vector.broadcast %parallel_loop3A_388 : i32 to vector<16xi32>
        %parallel_loop3A_391 = vector.broadcast %parallel_loop3A_389 : i32 to vector<16xi32>
        %parallel_loop3A_392 = arith.select %parallel_loop3A_387, %parallel_loop3A_390, %parallel_loop3A_391 : vector<16xi1>, vector<16xi32>
        %parallel_loop3A_393 = arith.constant 16 : i32
        %parallel_loop3A_394 = vector.broadcast %parallel_loop3A_393 : i32 to vector<16xi32>
        %parallel_loop3A_395 = arith.shli %parallel_loop3A_392, %parallel_loop3A_394 : vector<16xi32>
        %parallel_loop3A_396 = arith.ori %parallel_loop3A_363, %parallel_loop3A_395 : vector<16xi32>
        %parallel_loop3A_397 = arith.constant 12 : i32
        %parallel_loop3A_398 = vector.broadcast %parallel_loop3A_397 : i32 to vector<16xi32>
        %parallel_loop3A_399 = arith.shrsi %parallel_loop3A_205, %parallel_loop3A_398 : vector<16xi32>
        %parallel_loop3A_400 = arith.constant 15 : i32
        %parallel_loop3A_401 = vector.broadcast %parallel_loop3A_400 : i32 to vector<16xi32>
        %parallel_loop3A_402 = arith.andi %parallel_loop3A_399, %parallel_loop3A_401 : vector<16xi32>
        %parallel_loop3A_403 = arith.constant 8 : i32
        %parallel_loop3A_404 = vector.broadcast %parallel_loop3A_403 : i32 to vector<16xi32>
        %parallel_loop3A_405 = arith.shrsi %parallel_loop3A_256, %parallel_loop3A_404 : vector<16xi32>
        %parallel_loop3A_406 = arith.constant 240 : i32
        %parallel_loop3A_407 = vector.broadcast %parallel_loop3A_406 : i32 to vector<16xi32>
        %parallel_loop3A_408 = arith.andi %parallel_loop3A_405, %parallel_loop3A_407 : vector<16xi32>
        %parallel_loop3A_409 = arith.constant 4 : i32
        %parallel_loop3A_410 = vector.broadcast %parallel_loop3A_409 : i32 to vector<16xi32>
        %parallel_loop3A_411 = arith.shrsi %parallel_loop3A_307, %parallel_loop3A_410 : vector<16xi32>
        %parallel_loop3A_412 = arith.constant 3840 : i32
        %parallel_loop3A_413 = vector.broadcast %parallel_loop3A_412 : i32 to vector<16xi32>
        %parallel_loop3A_414 = arith.andi %parallel_loop3A_411, %parallel_loop3A_413 : vector<16xi32>
        %parallel_loop3A_415 = arith.ori %parallel_loop3A_402, %parallel_loop3A_408 : vector<16xi32>
        %parallel_loop3A_416 = arith.ori %parallel_loop3A_415, %parallel_loop3A_414 : vector<16xi32>
        %parallel_loop3A_417 = tpu.vector_load_idx %arg10[%parallel_loop3A_150, %parallel_loop3A_416] : memref<4x4096xf32, #tpu.memory_space<vmem>>[vector<16xi32>, vector<16xi32>], vector<16xf32>,
        %parallel_loop3A_418 = arith.constant 5.000000e-01 : f32
        %parallel_loop3A_419 = vector.broadcast %parallel_loop3A_418 : f32 to vector<16xf32>
        %parallel_loop3A_420 = arith.cmpf ogt, %parallel_loop3A_417, %parallel_loop3A_419 : vector<16xf32>
        %parallel_loop3A_421 = arith.constant 1 : i32
        %parallel_loop3A_422 = arith.constant 0 : i32
        %parallel_loop3A_423 = vector.broadcast %parallel_loop3A_421 : i32 to vector<16xi32>
        %parallel_loop3A_424 = vector.broadcast %parallel_loop3A_422 : i32 to vector<16xi32>
        %parallel_loop3A_425 = arith.select %parallel_loop3A_420, %parallel_loop3A_423, %parallel_loop3A_424 : vector<16xi1>, vector<16xi32>
        %parallel_loop3A_426 = arith.constant 24 : i32
        %parallel_loop3A_427 = vector.broadcast %parallel_loop3A_426 : i32 to vector<16xi32>
        %parallel_loop3A_428 = arith.shli %parallel_loop3A_425, %parallel_loop3A_427 : vector<16xi32>
        %parallel_loop3A_429 = arith.ori %parallel_loop3A_396, %parallel_loop3A_428 : vector<16xi32>
        %parallel_loop3A_430 = arith.constant 32 : i32
        %parallel_loop3A_431 = arith.muli %parallel_loop3A_149, %parallel_loop3A_430 : i32
        %parallel_loop3A_432 = arith.constant 0 : i32
        %parallel_loop3A_433 = arith.addi %parallel_loop3A_431, %parallel_loop3A_432 : i32
        %parallel_loop3A_434 = vector.broadcast %parallel_loop3A_433 : i32 to vector<16xi32>
        %parallel_loop3A_435 = arith.addi %parallel_loop3A_154, %parallel_loop3A_434 : vector<16xi32>
        tpu.vector_store_idx %arg12[%parallel_loop3A_150, %parallel_loop3A_435], %parallel_loop3A_429 : memref<4x256xi32, #tpu.memory_space<vmem>>[vector<16xi32>, vector<16xi32>], vector<16xi32>,
        %parallel_loop3A_436 = arith.constant 16 : i32
        %parallel_loop3A_437 = vector.broadcast %parallel_loop3A_436 : i32 to vector<16xi32>
        %parallel_loop3A_438 = arith.shrsi %parallel_loop3A_205, %parallel_loop3A_437 : vector<16xi32>
        %parallel_loop3A_439 = arith.constant 15 : i32
        %parallel_loop3A_440 = vector.broadcast %parallel_loop3A_439 : i32 to vector<16xi32>
        %parallel_loop3A_441 = arith.andi %parallel_loop3A_438, %parallel_loop3A_440 : vector<16xi32>
        %parallel_loop3A_442 = arith.constant 12 : i32
        %parallel_loop3A_443 = vector.broadcast %parallel_loop3A_442 : i32 to vector<16xi32>
        %parallel_loop3A_444 = arith.shrsi %parallel_loop3A_256, %parallel_loop3A_443 : vector<16xi32>
        %parallel_loop3A_445 = arith.constant 240 : i32
        %parallel_loop3A_446 = vector.broadcast %parallel_loop3A_445 : i32 to vector<16xi32>
        %parallel_loop3A_447 = arith.andi %parallel_loop3A_444, %parallel_loop3A_446 : vector<16xi32>
        %parallel_loop3A_448 = arith.constant 8 : i32
        %parallel_loop3A_449 = vector.broadcast %parallel_loop3A_448 : i32 to vector<16xi32>
        %parallel_loop3A_450 = arith.shrsi %parallel_loop3A_307, %parallel_loop3A_449 : vector<16xi32>
        %parallel_loop3A_451 = arith.constant 3840 : i32
        %parallel_loop3A_452 = vector.broadcast %parallel_loop3A_451 : i32 to vector<16xi32>
        %parallel_loop3A_453 = arith.andi %parallel_loop3A_450, %parallel_loop3A_452 : vector<16xi32>
        %parallel_loop3A_454 = arith.ori %parallel_loop3A_441, %parallel_loop3A_447 : vector<16xi32>
        %parallel_loop3A_455 = arith.ori %parallel_loop3A_454, %parallel_loop3A_453 : vector<16xi32>
        %parallel_loop3A_456 = tpu.vector_load_idx %arg10[%parallel_loop3A_150, %parallel_loop3A_455] : memref<4x4096xf32, #tpu.memory_space<vmem>>[vector<16xi32>, vector<16xi32>], vector<16xf32>,
        %parallel_loop3A_457 = arith.constant 5.000000e-01 : f32
        %parallel_loop3A_458 = vector.broadcast %parallel_loop3A_457 : f32 to vector<16xf32>
        %parallel_loop3A_459 = arith.cmpf ogt, %parallel_loop3A_456, %parallel_loop3A_458 : vector<16xf32>
        %parallel_loop3A_460 = arith.constant 1 : i32
        %parallel_loop3A_461 = arith.constant 0 : i32
        %parallel_loop3A_462 = vector.broadcast %parallel_loop3A_460 : i32 to vector<16xi32>
        %parallel_loop3A_463 = vector.broadcast %parallel_loop3A_461 : i32 to vector<16xi32>
        %parallel_loop3A_464 = arith.select %parallel_loop3A_459, %parallel_loop3A_462, %parallel_loop3A_463 : vector<16xi1>, vector<16xi32>
        %parallel_loop3A_465 = arith.constant 20 : i32
        %parallel_loop3A_466 = vector.broadcast %parallel_loop3A_465 : i32 to vector<16xi32>
        %parallel_loop3A_467 = arith.shrsi %parallel_loop3A_205, %parallel_loop3A_466 : vector<16xi32>
        %parallel_loop3A_468 = arith.constant 15 : i32
        %parallel_loop3A_469 = vector.broadcast %parallel_loop3A_468 : i32 to vector<16xi32>
        %parallel_loop3A_470 = arith.andi %parallel_loop3A_467, %parallel_loop3A_469 : vector<16xi32>
        %parallel_loop3A_471 = arith.constant 16 : i32
        %parallel_loop3A_472 = vector.broadcast %parallel_loop3A_471 : i32 to vector<16xi32>
        %parallel_loop3A_473 = arith.shrsi %parallel_loop3A_256, %parallel_loop3A_472 : vector<16xi32>
        %parallel_loop3A_474 = arith.constant 240 : i32
        %parallel_loop3A_475 = vector.broadcast %parallel_loop3A_474 : i32 to vector<16xi32>
        %parallel_loop3A_476 = arith.andi %parallel_loop3A_473, %parallel_loop3A_475 : vector<16xi32>
        %parallel_loop3A_477 = arith.constant 12 : i32
        %parallel_loop3A_478 = vector.broadcast %parallel_loop3A_477 : i32 to vector<16xi32>
        %parallel_loop3A_479 = arith.shrsi %parallel_loop3A_307, %parallel_loop3A_478 : vector<16xi32>
        %parallel_loop3A_480 = arith.constant 3840 : i32
        %parallel_loop3A_481 = vector.broadcast %parallel_loop3A_480 : i32 to vector<16xi32>
        %parallel_loop3A_482 = arith.andi %parallel_loop3A_479, %parallel_loop3A_481 : vector<16xi32>
        %parallel_loop3A_483 = arith.ori %parallel_loop3A_470, %parallel_loop3A_476 : vector<16xi32>
        %parallel_loop3A_484 = arith.ori %parallel_loop3A_483, %parallel_loop3A_482 : vector<16xi32>
        %parallel_loop3A_485 = tpu.vector_load_idx %arg10[%parallel_loop3A_150, %parallel_loop3A_484] : memref<4x4096xf32, #tpu.memory_space<vmem>>[vector<16xi32>, vector<16xi32>], vector<16xf32>,
        %parallel_loop3A_486 = arith.constant 5.000000e-01 : f32
        %parallel_loop3A_487 = vector.broadcast %parallel_loop3A_486 : f32 to vector<16xf32>
        %parallel_loop3A_488 = arith.cmpf ogt, %parallel_loop3A_485, %parallel_loop3A_487 : vector<16xf32>
        %parallel_loop3A_489 = arith.constant 1 : i32
        %parallel_loop3A_490 = arith.constant 0 : i32
        %parallel_loop3A_491 = vector.broadcast %parallel_loop3A_489 : i32 to vector<16xi32>
        %parallel_loop3A_492 = vector.broadcast %parallel_loop3A_490 : i32 to vector<16xi32>
        %parallel_loop3A_493 = arith.select %parallel_loop3A_488, %parallel_loop3A_491, %parallel_loop3A_492 : vector<16xi1>, vector<16xi32>
        %parallel_loop3A_494 = arith.constant 8 : i32
        %parallel_loop3A_495 = vector.broadcast %parallel_loop3A_494 : i32 to vector<16xi32>
        %parallel_loop3A_496 = arith.shli %parallel_loop3A_493, %parallel_loop3A_495 : vector<16xi32>
        %parallel_loop3A_497 = arith.ori %parallel_loop3A_464, %parallel_loop3A_496 : vector<16xi32>
        %parallel_loop3A_498 = arith.constant 24 : i32
        %parallel_loop3A_499 = vector.broadcast %parallel_loop3A_498 : i32 to vector<16xi32>
        %parallel_loop3A_500 = arith.shrsi %parallel_loop3A_205, %parallel_loop3A_499 : vector<16xi32>
        %parallel_loop3A_501 = arith.constant 15 : i32
        %parallel_loop3A_502 = vector.broadcast %parallel_loop3A_501 : i32 to vector<16xi32>
        %parallel_loop3A_503 = arith.andi %parallel_loop3A_500, %parallel_loop3A_502 : vector<16xi32>
        %parallel_loop3A_504 = arith.constant 20 : i32
        %parallel_loop3A_505 = vector.broadcast %parallel_loop3A_504 : i32 to vector<16xi32>
        %parallel_loop3A_506 = arith.shrsi %parallel_loop3A_256, %parallel_loop3A_505 : vector<16xi32>
        %parallel_loop3A_507 = arith.constant 240 : i32
        %parallel_loop3A_508 = vector.broadcast %parallel_loop3A_507 : i32 to vector<16xi32>
        %parallel_loop3A_509 = arith.andi %parallel_loop3A_506, %parallel_loop3A_508 : vector<16xi32>
        %parallel_loop3A_510 = arith.constant 16 : i32
        %parallel_loop3A_511 = vector.broadcast %parallel_loop3A_510 : i32 to vector<16xi32>
        %parallel_loop3A_512 = arith.shrsi %parallel_loop3A_307, %parallel_loop3A_511 : vector<16xi32>
        %parallel_loop3A_513 = arith.constant 3840 : i32
        %parallel_loop3A_514 = vector.broadcast %parallel_loop3A_513 : i32 to vector<16xi32>
        %parallel_loop3A_515 = arith.andi %parallel_loop3A_512, %parallel_loop3A_514 : vector<16xi32>
        %parallel_loop3A_516 = arith.ori %parallel_loop3A_503, %parallel_loop3A_509 : vector<16xi32>
        %parallel_loop3A_517 = arith.ori %parallel_loop3A_516, %parallel_loop3A_515 : vector<16xi32>
        %parallel_loop3A_518 = tpu.vector_load_idx %arg10[%parallel_loop3A_150, %parallel_loop3A_517] : memref<4x4096xf32, #tpu.memory_space<vmem>>[vector<16xi32>, vector<16xi32>], vector<16xf32>,
        %parallel_loop3A_519 = arith.constant 5.000000e-01 : f32
        %parallel_loop3A_520 = vector.broadcast %parallel_loop3A_519 : f32 to vector<16xf32>
        %parallel_loop3A_521 = arith.cmpf ogt, %parallel_loop3A_518, %parallel_loop3A_520 : vector<16xf32>
        %parallel_loop3A_522 = arith.constant 1 : i32
        %parallel_loop3A_523 = arith.constant 0 : i32
        %parallel_loop3A_524 = vector.broadcast %parallel_loop3A_522 : i32 to vector<16xi32>
        %parallel_loop3A_525 = vector.broadcast %parallel_loop3A_523 : i32 to vector<16xi32>
        %parallel_loop3A_526 = arith.select %parallel_loop3A_521, %parallel_loop3A_524, %parallel_loop3A_525 : vector<16xi1>, vector<16xi32>
        %parallel_loop3A_527 = arith.constant 16 : i32
        %parallel_loop3A_528 = vector.broadcast %parallel_loop3A_527 : i32 to vector<16xi32>
        %parallel_loop3A_529 = arith.shli %parallel_loop3A_526, %parallel_loop3A_528 : vector<16xi32>
        %parallel_loop3A_530 = arith.ori %parallel_loop3A_497, %parallel_loop3A_529 : vector<16xi32>
        %parallel_loop3A_531 = arith.constant 28 : i32
        %parallel_loop3A_532 = vector.broadcast %parallel_loop3A_531 : i32 to vector<16xi32>
        %parallel_loop3A_533 = arith.shrsi %parallel_loop3A_205, %parallel_loop3A_532 : vector<16xi32>
        %parallel_loop3A_534 = arith.constant 15 : i32
        %parallel_loop3A_535 = vector.broadcast %parallel_loop3A_534 : i32 to vector<16xi32>
        %parallel_loop3A_536 = arith.andi %parallel_loop3A_533, %parallel_loop3A_535 : vector<16xi32>
        %parallel_loop3A_537 = arith.constant 24 : i32
        %parallel_loop3A_538 = vector.broadcast %parallel_loop3A_537 : i32 to vector<16xi32>
        %parallel_loop3A_539 = arith.shrsi %parallel_loop3A_256, %parallel_loop3A_538 : vector<16xi32>
        %parallel_loop3A_540 = arith.constant 240 : i32
        %parallel_loop3A_541 = vector.broadcast %parallel_loop3A_540 : i32 to vector<16xi32>
        %parallel_loop3A_542 = arith.andi %parallel_loop3A_539, %parallel_loop3A_541 : vector<16xi32>
        %parallel_loop3A_543 = arith.constant 20 : i32
        %parallel_loop3A_544 = vector.broadcast %parallel_loop3A_543 : i32 to vector<16xi32>
        %parallel_loop3A_545 = arith.shrsi %parallel_loop3A_307, %parallel_loop3A_544 : vector<16xi32>
        %parallel_loop3A_546 = arith.constant 3840 : i32
        %parallel_loop3A_547 = vector.broadcast %parallel_loop3A_546 : i32 to vector<16xi32>
        %parallel_loop3A_548 = arith.andi %parallel_loop3A_545, %parallel_loop3A_547 : vector<16xi32>
        %parallel_loop3A_549 = arith.ori %parallel_loop3A_536, %parallel_loop3A_542 : vector<16xi32>
        %parallel_loop3A_550 = arith.ori %parallel_loop3A_549, %parallel_loop3A_548 : vector<16xi32>
        %parallel_loop3A_551 = tpu.vector_load_idx %arg10[%parallel_loop3A_150, %parallel_loop3A_550] : memref<4x4096xf32, #tpu.memory_space<vmem>>[vector<16xi32>, vector<16xi32>], vector<16xf32>,
        %parallel_loop3A_552 = arith.constant 5.000000e-01 : f32
        %parallel_loop3A_553 = vector.broadcast %parallel_loop3A_552 : f32 to vector<16xf32>
        %parallel_loop3A_554 = arith.cmpf ogt, %parallel_loop3A_551, %parallel_loop3A_553 : vector<16xf32>
        %parallel_loop3A_555 = arith.constant 1 : i32
        %parallel_loop3A_556 = arith.constant 0 : i32
        %parallel_loop3A_557 = vector.broadcast %parallel_loop3A_555 : i32 to vector<16xi32>
        %parallel_loop3A_558 = vector.broadcast %parallel_loop3A_556 : i32 to vector<16xi32>
        %parallel_loop3A_559 = arith.select %parallel_loop3A_554, %parallel_loop3A_557, %parallel_loop3A_558 : vector<16xi1>, vector<16xi32>
        %parallel_loop3A_560 = arith.constant 24 : i32
        %parallel_loop3A_561 = vector.broadcast %parallel_loop3A_560 : i32 to vector<16xi32>
        %parallel_loop3A_562 = arith.shli %parallel_loop3A_559, %parallel_loop3A_561 : vector<16xi32>
        %parallel_loop3A_563 = arith.ori %parallel_loop3A_530, %parallel_loop3A_562 : vector<16xi32>
        %parallel_loop3A_564 = arith.constant 32 : i32
        %parallel_loop3A_565 = arith.muli %parallel_loop3A_149, %parallel_loop3A_564 : i32
        %parallel_loop3A_566 = arith.constant 1 : i32
        %parallel_loop3A_567 = arith.addi %parallel_loop3A_565, %parallel_loop3A_566 : i32
        %parallel_loop3A_568 = vector.broadcast %parallel_loop3A_567 : i32 to vector<16xi32>
        %parallel_loop3A_569 = arith.addi %parallel_loop3A_154, %parallel_loop3A_568 : vector<16xi32>
        tpu.vector_store_idx %arg12[%parallel_loop3A_150, %parallel_loop3A_569], %parallel_loop3A_563 : memref<4x256xi32, #tpu.memory_space<vmem>>[vector<16xi32>, vector<16xi32>], vector<16xi32>,
      } {sc.loop_unroll_factor = 2 : i64, sc.parallel_access}
      %mul3A_69 = arith.constant 4 : i32
      %mul3A_70 = arith.muli %mul3A_37, %mul3A_69 : i32
      %add3A_71 = arith.addi %mul3A_2, %mul3A_70 : i32
      %dma_start3A_72 = arith.constant 0 : i32
      %dma_start3A_73 = tpu.memref_slice %arg5[%add3A_71, %dma_start3A_72] : memref<8192x256xi32, #tpu.memory_space<hbm>> -> memref<4x256xi32, #tpu.memory_space<hbm>>
      %dma_start3A_74 = arith.constant 0 : i32
      %dma_start3A_75 = tpu.memref_slice %arg5[%add3A_71, %dma_start3A_74] : memref<8192x256xi32, #tpu.memory_space<hbm>> -> memref<4x256xi32, #tpu.memory_space<hbm>>
      tpu.enqueue_dma source(%arg12 : memref<4x256xi32, #tpu.memory_space<vmem>>) target(%dma_start3A_75 : memref<4x256xi32, #tpu.memory_space<hbm>>) target_semaphore(%arg18 : memref<!tpu.dma_semaphore, #tpu.memory_space<semaphore_mem>>)
      %lt3A = arith.constant 31 : i32
      %lt3A_76 = arith.cmpi slt, %scan3A_35, %lt3A : i32
      %convert_element_type3A_77 = arith.extui %lt3A_76 : i1 to i32
      %cond3A_78 = arith.constant 0 : i32
      %cond3A_79 = arith.cmpi ne, %convert_element_type3A_77, %cond3A_78 : i32
      scf.if %cond3A_79 {
        %add3A_109 = arith.constant 2 : i32
        %add3A_110 = arith.addi %mul3A_37, %add3A_109 : i32
        %mul3A_111 = arith.constant 48 : i32
        %mul3A_112 = arith.muli %add3A_110, %mul3A_111 : i32
        %dma_start3A_113 = tpu.memref_slice %arg7[%mul3A_112] : memref<3072xi32, #tpu.memory_space<vmem>> -> memref<48xi32, #tpu.memory_space<vmem>>
        %dma_start3A_114 = arith.constant 0 : i32
        %dma_start3A_115 = arith.constant 0 : i32
        %dma_start3A_116 = tpu.memref_slice %arg6[%dma_start3A_114, %dma_start3A_115] : memref<4096x128xi32, #tpu.memory_space<vmem_shared>> -> memref<4096x128xi32, #tpu.memory_space<vmem_shared>>
        tpu.enqueue_indirect_dma source(%dma_start3A_116 : memref<4096x128xi32, #tpu.memory_space<vmem_shared>>) target(%arg8 : memref<48x128xi32, #tpu.memory_space<vmem>>) offsets(%dma_start3A_113 : memref<48xi32, #tpu.memory_space<vmem>>) semaphore(%arg14 : memref<!tpu.dma_semaphore, #tpu.memory_space<semaphore_mem>>)
        %mul3A_117 = arith.constant 4 : i32
        %mul3A_118 = arith.muli %add3A_110, %mul3A_117 : i32
        %add3A_119 = arith.addi %mul3A_2, %mul3A_118 : i32
        %dma_start3A_120 = arith.constant 0 : i32
        %dma_start3A_121 = tpu.memref_slice %arg4[%add3A_119, %dma_start3A_120] : memref<8192x4096xf32, #tpu.memory_space<hbm>> -> memref<4x4096xf32, #tpu.memory_space<hbm>>
        %dma_start3A_122 = arith.constant 0 : i32
        %dma_start3A_123 = tpu.memref_slice %arg4[%add3A_119, %dma_start3A_122] : memref<8192x4096xf32, #tpu.memory_space<hbm>> -> memref<4x4096xf32, #tpu.memory_space<hbm>>
        tpu.enqueue_dma source(%dma_start3A_123 : memref<4x4096xf32, #tpu.memory_space<hbm>>) target(%arg10 : memref<4x4096xf32, #tpu.memory_space<vmem>>) target_semaphore(%arg16 : memref<!tpu.dma_semaphore, #tpu.memory_space<semaphore_mem>>)
      } else {
      }
      %dma_wait3A_80 = arith.constant 0 : i32
      %dma_wait3A_81 = arith.constant 0 : i32
      %dma_wait3A_82 = tpu.memref_slice %arg6[%dma_wait3A_80, %dma_wait3A_81] : memref<4096x128xi32, #tpu.memory_space<vmem_shared>> -> memref<48x128xi32, #tpu.memory_space<vmem_shared>>
      %dma_wait3A_83 = arith.constant 0 : i32
      %dma_wait3A_84 = arith.constant 0 : i32
      %dma_wait3A_85 = tpu.memref_slice %arg6[%dma_wait3A_83, %dma_wait3A_84] : memref<4096x128xi32, #tpu.memory_space<vmem_shared>> -> memref<48x128xi32, #tpu.memory_space<vmem_shared>>
      tpu.wait_dma2 semaphore(%arg15 : memref<!tpu.dma_semaphore, #tpu.memory_space<semaphore_mem>>) src(%dma_wait3A_85 : memref<48x128xi32, #tpu.memory_space<vmem_shared>>) dst(%arg9 : memref<48x128xi32, #tpu.memory_space<vmem>>)
      %dma_wait3A_86 = arith.constant 0 : i32
      %dma_wait3A_87 = arith.constant 0 : i32
      %dma_wait3A_88 = tpu.memref_slice %arg4[%dma_wait3A_86, %dma_wait3A_87] : memref<8192x4096xf32, #tpu.memory_space<hbm>> -> memref<4x4096xf32, #tpu.memory_space<hbm>>
      %dma_wait3A_89 = arith.constant 0 : i32
      %dma_wait3A_90 = arith.constant 0 : i32
      %dma_wait3A_91 = tpu.memref_slice %arg4[%dma_wait3A_89, %dma_wait3A_90] : memref<8192x4096xf32, #tpu.memory_space<hbm>> -> memref<4x4096xf32, #tpu.memory_space<hbm>>
      tpu.wait_dma2 semaphore(%arg17 : memref<!tpu.dma_semaphore, #tpu.memory_space<semaphore_mem>>) src(%dma_wait3A_91 : memref<4x4096xf32, #tpu.memory_space<hbm>>) dst(%arg11 : memref<4x4096xf32, #tpu.memory_space<vmem>>)
      %gt3A_92 = arith.constant 0 : i32
      %gt3A_93 = arith.cmpi sgt, %scan3A_35, %gt3A_92 : i32
      %convert_element_type3A_94 = arith.extui %gt3A_93 : i1 to i32
      %cond3A_95 = arith.constant 0 : i32
      %cond3A_96 = arith.cmpi ne, %convert_element_type3A_94, %cond3A_95 : i32
      scf.if %cond3A_96 {
        %dma_wait3A_109 = arith.constant 0 : i32
        %dma_wait3A_110 = arith.constant 0 : i32
        %dma_wait3A_111 = tpu.memref_slice %arg5[%dma_wait3A_109, %dma_wait3A_110] : memref<8192x256xi32, #tpu.memory_space<hbm>> -> memref<4x256xi32, #tpu.memory_space<hbm>>
        %dma_wait3A_112 = arith.constant 0 : i32
        %dma_wait3A_113 = arith.constant 0 : i32
        %dma_wait3A_114 = tpu.memref_slice %arg5[%dma_wait3A_112, %dma_wait3A_113] : memref<8192x256xi32, #tpu.memory_space<hbm>> -> memref<4x256xi32, #tpu.memory_space<hbm>>
        tpu.wait_dma2 semaphore(%arg19 : memref<!tpu.dma_semaphore, #tpu.memory_space<semaphore_mem>>) src(%arg13 : memref<4x256xi32, #tpu.memory_space<vmem>>) dst(%dma_wait3A_114 : memref<4x256xi32, #tpu.memory_space<hbm>>)
      } else {
      }
      %parallel_loop3A_97 = arith.constant 0 : i32
      %parallel_loop3A_98 = arith.constant 32 : i32
      %parallel_loop3A_99 = arith.constant 1 : i32
      scf.for %parallel_loop3A_109 = %parallel_loop3A_97 to %parallel_loop3A_98 step %parallel_loop3A_99  : i32 {
        %parallel_loop3A_110 = arith.constant 8 : i32
        %parallel_loop3A_111 = arith.divsi %parallel_loop3A_109, %parallel_loop3A_110 : i32
        %parallel_loop3A_112 = arith.constant 0 : i32
        %parallel_loop3A_113 = arith.cmpi sgt, %parallel_loop3A_109, %parallel_loop3A_112 : i32
        %parallel_loop3A_114 = arith.extui %parallel_loop3A_113 : i1 to i32
        %parallel_loop3A_115 = arith.constant 0 : i32
        %parallel_loop3A_116 = arith.cmpi slt, %parallel_loop3A_109, %parallel_loop3A_115 : i32
        %parallel_loop3A_117 = arith.extui %parallel_loop3A_116 : i1 to i32
        %parallel_loop3A_118 = arith.subi %parallel_loop3A_114, %parallel_loop3A_117 : i32
        %parallel_loop3A_119 = arith.constant 0 : i32
        %parallel_loop3A_120 = arith.cmpi sgt, %parallel_loop3A_110, %parallel_loop3A_119 : i32
        %parallel_loop3A_121 = arith.extui %parallel_loop3A_120 : i1 to i32
        %parallel_loop3A_122 = arith.constant 0 : i32
        %parallel_loop3A_123 = arith.cmpi slt, %parallel_loop3A_110, %parallel_loop3A_122 : i32
        %parallel_loop3A_124 = arith.extui %parallel_loop3A_123 : i1 to i32
        %parallel_loop3A_125 = arith.subi %parallel_loop3A_121, %parallel_loop3A_124 : i32
        %parallel_loop3A_126 = arith.cmpi ne, %parallel_loop3A_118, %parallel_loop3A_125 : i32
        %parallel_loop3A_127 = arith.remsi %parallel_loop3A_109, %parallel_loop3A_110 : i32
        %parallel_loop3A_128 = arith.constant 0 : i32
        %parallel_loop3A_129 = arith.cmpi ne, %parallel_loop3A_127, %parallel_loop3A_128 : i32
        %parallel_loop3A_130 = arith.andi %parallel_loop3A_126, %parallel_loop3A_129 : i1
        %parallel_loop3A_131 = arith.constant 1 : i32
        %parallel_loop3A_132 = arith.subi %parallel_loop3A_111, %parallel_loop3A_131 : i32
        %parallel_loop3A_133 = arith.select %parallel_loop3A_130, %parallel_loop3A_132, %parallel_loop3A_111 : i32
        %parallel_loop3A_134 = arith.constant 8 : i32
        %parallel_loop3A_135 = arith.constant 0 : i32
        %parallel_loop3A_136 = arith.cmpi eq, %parallel_loop3A_134, %parallel_loop3A_135 : i32
        %parallel_loop3A_137 = arith.constant 1 : i32
        %parallel_loop3A_138 = arith.select %parallel_loop3A_136, %parallel_loop3A_137, %parallel_loop3A_134 : i32
        %parallel_loop3A_139 = arith.remsi %parallel_loop3A_109, %parallel_loop3A_138 : i32
        %parallel_loop3A_140 = arith.constant 0 : i32
        %parallel_loop3A_141 = arith.cmpi ne, %parallel_loop3A_139, %parallel_loop3A_140 : i32
        %parallel_loop3A_142 = arith.constant 0 : i32
        %parallel_loop3A_143 = arith.cmpi slt, %parallel_loop3A_139, %parallel_loop3A_142 : i32
        %parallel_loop3A_144 = arith.constant 0 : i32
        %parallel_loop3A_145 = arith.cmpi slt, %parallel_loop3A_138, %parallel_loop3A_144 : i32
        %parallel_loop3A_146 = arith.xori %parallel_loop3A_143, %parallel_loop3A_145 : i1
        %parallel_loop3A_147 = arith.andi %parallel_loop3A_146, %parallel_loop3A_141 : i1
        %parallel_loop3A_148 = arith.addi %parallel_loop3A_139, %parallel_loop3A_138 : i32
        %parallel_loop3A_149 = arith.select %parallel_loop3A_147, %parallel_loop3A_148, %parallel_loop3A_139 : i32
        %parallel_loop3A_150 = vector.broadcast %parallel_loop3A_133 : i32 to vector<16xi32>
        %parallel_loop3A_151 = tpu.iota {dimensions = array<i32: 0>} : vector<16xi32>
        %parallel_loop3A_152 = arith.constant 2 : i32
        %parallel_loop3A_153 = vector.broadcast %parallel_loop3A_152 : i32 to vector<16xi32>
        %parallel_loop3A_154 = arith.muli %parallel_loop3A_151, %parallel_loop3A_153 : vector<16xi32>
        %parallel_loop3A_155 = arith.constant 12 : i32
        %parallel_loop3A_156 = arith.muli %parallel_loop3A_133, %parallel_loop3A_155 : i32
        %parallel_loop3A_157 = arith.constant 0 : i32
        %parallel_loop3A_158 = arith.addi %parallel_loop3A_156, %parallel_loop3A_157 : i32
        %parallel_loop3A_159 = arith.constant 16 : i32
        %parallel_loop3A_160 = arith.muli %parallel_loop3A_149, %parallel_loop3A_159 : i32
        %parallel_loop3A_161 = arith.index_cast %parallel_loop3A_158 : i32 to index
        %parallel_loop3A_162 = arith.index_cast %parallel_loop3A_160 : i32 to index
        %parallel_loop3A_163 = tpu.vector_load %arg9[%parallel_loop3A_161, %parallel_loop3A_162] {strides = array<i32>} : memref<48x128xi32, #tpu.memory_space<vmem>>, vector<16xi32>,
        %parallel_loop3A_164 = arith.constant 0 : i32
        %parallel_loop3A_165 = vector.broadcast %parallel_loop3A_164 : i32 to vector<16xi32>
        %parallel_loop3A_166 = arith.shli %parallel_loop3A_163, %parallel_loop3A_165 : vector<16xi32>
        %parallel_loop3A_167 = arith.constant 12 : i32
        %parallel_loop3A_168 = arith.muli %parallel_loop3A_133, %parallel_loop3A_167 : i32
        %parallel_loop3A_169 = arith.constant 1 : i32
        %parallel_loop3A_170 = arith.addi %parallel_loop3A_168, %parallel_loop3A_169 : i32
        %parallel_loop3A_171 = arith.constant 16 : i32
        %parallel_loop3A_172 = arith.muli %parallel_loop3A_149, %parallel_loop3A_171 : i32
        %parallel_loop3A_173 = arith.index_cast %parallel_loop3A_170 : i32 to index
        %parallel_loop3A_174 = arith.index_cast %parallel_loop3A_172 : i32 to index
        %parallel_loop3A_175 = tpu.vector_load %arg9[%parallel_loop3A_173, %parallel_loop3A_174] {strides = array<i32>} : memref<48x128xi32, #tpu.memory_space<vmem>>, vector<16xi32>,
        %parallel_loop3A_176 = arith.constant 1 : i32
        %parallel_loop3A_177 = vector.broadcast %parallel_loop3A_176 : i32 to vector<16xi32>
        %parallel_loop3A_178 = arith.shli %parallel_loop3A_175, %parallel_loop3A_177 : vector<16xi32>
        %parallel_loop3A_179 = arith.addi %parallel_loop3A_166, %parallel_loop3A_178 : vector<16xi32>
        %parallel_loop3A_180 = arith.constant 12 : i32
        %parallel_loop3A_181 = arith.muli %parallel_loop3A_133, %parallel_loop3A_180 : i32
        %parallel_loop3A_182 = arith.constant 2 : i32
        %parallel_loop3A_183 = arith.addi %parallel_loop3A_181, %parallel_loop3A_182 : i32
        %parallel_loop3A_184 = arith.constant 16 : i32
        %parallel_loop3A_185 = arith.muli %parallel_loop3A_149, %parallel_loop3A_184 : i32
        %parallel_loop3A_186 = arith.index_cast %parallel_loop3A_183 : i32 to index
        %parallel_loop3A_187 = arith.index_cast %parallel_loop3A_185 : i32 to index
        %parallel_loop3A_188 = tpu.vector_load %arg9[%parallel_loop3A_186, %parallel_loop3A_187] {strides = array<i32>} : memref<48x128xi32, #tpu.memory_space<vmem>>, vector<16xi32>,
        %parallel_loop3A_189 = arith.constant 2 : i32
        %parallel_loop3A_190 = vector.broadcast %parallel_loop3A_189 : i32 to vector<16xi32>
        %parallel_loop3A_191 = arith.shli %parallel_loop3A_188, %parallel_loop3A_190 : vector<16xi32>
        %parallel_loop3A_192 = arith.addi %parallel_loop3A_179, %parallel_loop3A_191 : vector<16xi32>
        %parallel_loop3A_193 = arith.constant 12 : i32
        %parallel_loop3A_194 = arith.muli %parallel_loop3A_133, %parallel_loop3A_193 : i32
        %parallel_loop3A_195 = arith.constant 3 : i32
        %parallel_loop3A_196 = arith.addi %parallel_loop3A_194, %parallel_loop3A_195 : i32
        %parallel_loop3A_197 = arith.constant 16 : i32
        %parallel_loop3A_198 = arith.muli %parallel_loop3A_149, %parallel_loop3A_197 : i32
        %parallel_loop3A_199 = arith.index_cast %parallel_loop3A_196 : i32 to index
        %parallel_loop3A_200 = arith.index_cast %parallel_loop3A_198 : i32 to index
        %parallel_loop3A_201 = tpu.vector_load %arg9[%parallel_loop3A_199, %parallel_loop3A_200] {strides = array<i32>} : memref<48x128xi32, #tpu.memory_space<vmem>>, vector<16xi32>,
        %parallel_loop3A_202 = arith.constant 3 : i32
        %parallel_loop3A_203 = vector.broadcast %parallel_loop3A_202 : i32 to vector<16xi32>
        %parallel_loop3A_204 = arith.shli %parallel_loop3A_201, %parallel_loop3A_203 : vector<16xi32>
        %parallel_loop3A_205 = arith.addi %parallel_loop3A_192, %parallel_loop3A_204 : vector<16xi32>
        %parallel_loop3A_206 = arith.constant 12 : i32
        %parallel_loop3A_207 = arith.muli %parallel_loop3A_133, %parallel_loop3A_206 : i32
        %parallel_loop3A_208 = arith.constant 4 : i32
        %parallel_loop3A_209 = arith.addi %parallel_loop3A_207, %parallel_loop3A_208 : i32
        %parallel_loop3A_210 = arith.constant 16 : i32
        %parallel_loop3A_211 = arith.muli %parallel_loop3A_149, %parallel_loop3A_210 : i32
        %parallel_loop3A_212 = arith.index_cast %parallel_loop3A_209 : i32 to index
        %parallel_loop3A_213 = arith.index_cast %parallel_loop3A_211 : i32 to index
        %parallel_loop3A_214 = tpu.vector_load %arg9[%parallel_loop3A_212, %parallel_loop3A_213] {strides = array<i32>} : memref<48x128xi32, #tpu.memory_space<vmem>>, vector<16xi32>,
        %parallel_loop3A_215 = arith.constant 0 : i32
        %parallel_loop3A_216 = vector.broadcast %parallel_loop3A_215 : i32 to vector<16xi32>
        %parallel_loop3A_217 = arith.shli %parallel_loop3A_214, %parallel_loop3A_216 : vector<16xi32>
        %parallel_loop3A_218 = arith.constant 12 : i32
        %parallel_loop3A_219 = arith.muli %parallel_loop3A_133, %parallel_loop3A_218 : i32
        %parallel_loop3A_220 = arith.constant 5 : i32
        %parallel_loop3A_221 = arith.addi %parallel_loop3A_219, %parallel_loop3A_220 : i32
        %parallel_loop3A_222 = arith.constant 16 : i32
        %parallel_loop3A_223 = arith.muli %parallel_loop3A_149, %parallel_loop3A_222 : i32
        %parallel_loop3A_224 = arith.index_cast %parallel_loop3A_221 : i32 to index
        %parallel_loop3A_225 = arith.index_cast %parallel_loop3A_223 : i32 to index
        %parallel_loop3A_226 = tpu.vector_load %arg9[%parallel_loop3A_224, %parallel_loop3A_225] {strides = array<i32>} : memref<48x128xi32, #tpu.memory_space<vmem>>, vector<16xi32>,
        %parallel_loop3A_227 = arith.constant 1 : i32
        %parallel_loop3A_228 = vector.broadcast %parallel_loop3A_227 : i32 to vector<16xi32>
        %parallel_loop3A_229 = arith.shli %parallel_loop3A_226, %parallel_loop3A_228 : vector<16xi32>
        %parallel_loop3A_230 = arith.addi %parallel_loop3A_217, %parallel_loop3A_229 : vector<16xi32>
        %parallel_loop3A_231 = arith.constant 12 : i32
        %parallel_loop3A_232 = arith.muli %parallel_loop3A_133, %parallel_loop3A_231 : i32
        %parallel_loop3A_233 = arith.constant 6 : i32
        %parallel_loop3A_234 = arith.addi %parallel_loop3A_232, %parallel_loop3A_233 : i32
        %parallel_loop3A_235 = arith.constant 16 : i32
        %parallel_loop3A_236 = arith.muli %parallel_loop3A_149, %parallel_loop3A_235 : i32
        %parallel_loop3A_237 = arith.index_cast %parallel_loop3A_234 : i32 to index
        %parallel_loop3A_238 = arith.index_cast %parallel_loop3A_236 : i32 to index
        %parallel_loop3A_239 = tpu.vector_load %arg9[%parallel_loop3A_237, %parallel_loop3A_238] {strides = array<i32>} : memref<48x128xi32, #tpu.memory_space<vmem>>, vector<16xi32>,
        %parallel_loop3A_240 = arith.constant 2 : i32
        %parallel_loop3A_241 = vector.broadcast %parallel_loop3A_240 : i32 to vector<16xi32>
        %parallel_loop3A_242 = arith.shli %parallel_loop3A_239, %parallel_loop3A_241 : vector<16xi32>
        %parallel_loop3A_243 = arith.addi %parallel_loop3A_230, %parallel_loop3A_242 : vector<16xi32>
        %parallel_loop3A_244 = arith.constant 12 : i32
        %parallel_loop3A_245 = arith.muli %parallel_loop3A_133, %parallel_loop3A_244 : i32
        %parallel_loop3A_246 = arith.constant 7 : i32
        %parallel_loop3A_247 = arith.addi %parallel_loop3A_245, %parallel_loop3A_246 : i32
        %parallel_loop3A_248 = arith.constant 16 : i32
        %parallel_loop3A_249 = arith.muli %parallel_loop3A_149, %parallel_loop3A_248 : i32
        %parallel_loop3A_250 = arith.index_cast %parallel_loop3A_247 : i32 to index
        %parallel_loop3A_251 = arith.index_cast %parallel_loop3A_249 : i32 to index
        %parallel_loop3A_252 = tpu.vector_load %arg9[%parallel_loop3A_250, %parallel_loop3A_251] {strides = array<i32>} : memref<48x128xi32, #tpu.memory_space<vmem>>, vector<16xi32>,
        %parallel_loop3A_253 = arith.constant 3 : i32
        %parallel_loop3A_254 = vector.broadcast %parallel_loop3A_253 : i32 to vector<16xi32>
        %parallel_loop3A_255 = arith.shli %parallel_loop3A_252, %parallel_loop3A_254 : vector<16xi32>
        %parallel_loop3A_256 = arith.addi %parallel_loop3A_243, %parallel_loop3A_255 : vector<16xi32>
        %parallel_loop3A_257 = arith.constant 12 : i32
        %parallel_loop3A_258 = arith.muli %parallel_loop3A_133, %parallel_loop3A_257 : i32
        %parallel_loop3A_259 = arith.constant 8 : i32
        %parallel_loop3A_260 = arith.addi %parallel_loop3A_258, %parallel_loop3A_259 : i32
        %parallel_loop3A_261 = arith.constant 16 : i32
        %parallel_loop3A_262 = arith.muli %parallel_loop3A_149, %parallel_loop3A_261 : i32
        %parallel_loop3A_263 = arith.index_cast %parallel_loop3A_260 : i32 to index
        %parallel_loop3A_264 = arith.index_cast %parallel_loop3A_262 : i32 to index
        %parallel_loop3A_265 = tpu.vector_load %arg9[%parallel_loop3A_263, %parallel_loop3A_264] {strides = array<i32>} : memref<48x128xi32, #tpu.memory_space<vmem>>, vector<16xi32>,
        %parallel_loop3A_266 = arith.constant 0 : i32
        %parallel_loop3A_267 = vector.broadcast %parallel_loop3A_266 : i32 to vector<16xi32>
        %parallel_loop3A_268 = arith.shli %parallel_loop3A_265, %parallel_loop3A_267 : vector<16xi32>
        %parallel_loop3A_269 = arith.constant 12 : i32
        %parallel_loop3A_270 = arith.muli %parallel_loop3A_133, %parallel_loop3A_269 : i32
        %parallel_loop3A_271 = arith.constant 9 : i32
        %parallel_loop3A_272 = arith.addi %parallel_loop3A_270, %parallel_loop3A_271 : i32
        %parallel_loop3A_273 = arith.constant 16 : i32
        %parallel_loop3A_274 = arith.muli %parallel_loop3A_149, %parallel_loop3A_273 : i32
        %parallel_loop3A_275 = arith.index_cast %parallel_loop3A_272 : i32 to index
        %parallel_loop3A_276 = arith.index_cast %parallel_loop3A_274 : i32 to index
        %parallel_loop3A_277 = tpu.vector_load %arg9[%parallel_loop3A_275, %parallel_loop3A_276] {strides = array<i32>} : memref<48x128xi32, #tpu.memory_space<vmem>>, vector<16xi32>,
        %parallel_loop3A_278 = arith.constant 1 : i32
        %parallel_loop3A_279 = vector.broadcast %parallel_loop3A_278 : i32 to vector<16xi32>
        %parallel_loop3A_280 = arith.shli %parallel_loop3A_277, %parallel_loop3A_279 : vector<16xi32>
        %parallel_loop3A_281 = arith.addi %parallel_loop3A_268, %parallel_loop3A_280 : vector<16xi32>
        %parallel_loop3A_282 = arith.constant 12 : i32
        %parallel_loop3A_283 = arith.muli %parallel_loop3A_133, %parallel_loop3A_282 : i32
        %parallel_loop3A_284 = arith.constant 10 : i32
        %parallel_loop3A_285 = arith.addi %parallel_loop3A_283, %parallel_loop3A_284 : i32
        %parallel_loop3A_286 = arith.constant 16 : i32
        %parallel_loop3A_287 = arith.muli %parallel_loop3A_149, %parallel_loop3A_286 : i32
        %parallel_loop3A_288 = arith.index_cast %parallel_loop3A_285 : i32 to index
        %parallel_loop3A_289 = arith.index_cast %parallel_loop3A_287 : i32 to index
        %parallel_loop3A_290 = tpu.vector_load %arg9[%parallel_loop3A_288, %parallel_loop3A_289] {strides = array<i32>} : memref<48x128xi32, #tpu.memory_space<vmem>>, vector<16xi32>,
        %parallel_loop3A_291 = arith.constant 2 : i32
        %parallel_loop3A_292 = vector.broadcast %parallel_loop3A_291 : i32 to vector<16xi32>
        %parallel_loop3A_293 = arith.shli %parallel_loop3A_290, %parallel_loop3A_292 : vector<16xi32>
        %parallel_loop3A_294 = arith.addi %parallel_loop3A_281, %parallel_loop3A_293 : vector<16xi32>
        %parallel_loop3A_295 = arith.constant 12 : i32
        %parallel_loop3A_296 = arith.muli %parallel_loop3A_133, %parallel_loop3A_295 : i32
        %parallel_loop3A_297 = arith.constant 11 : i32
        %parallel_loop3A_298 = arith.addi %parallel_loop3A_296, %parallel_loop3A_297 : i32
        %parallel_loop3A_299 = arith.constant 16 : i32
        %parallel_loop3A_300 = arith.muli %parallel_loop3A_149, %parallel_loop3A_299 : i32
        %parallel_loop3A_301 = arith.index_cast %parallel_loop3A_298 : i32 to index
        %parallel_loop3A_302 = arith.index_cast %parallel_loop3A_300 : i32 to index
        %parallel_loop3A_303 = tpu.vector_load %arg9[%parallel_loop3A_301, %parallel_loop3A_302] {strides = array<i32>} : memref<48x128xi32, #tpu.memory_space<vmem>>, vector<16xi32>,
        %parallel_loop3A_304 = arith.constant 3 : i32
        %parallel_loop3A_305 = vector.broadcast %parallel_loop3A_304 : i32 to vector<16xi32>
        %parallel_loop3A_306 = arith.shli %parallel_loop3A_303, %parallel_loop3A_305 : vector<16xi32>
        %parallel_loop3A_307 = arith.addi %parallel_loop3A_294, %parallel_loop3A_306 : vector<16xi32>
        %parallel_loop3A_308 = arith.constant 15 : i32
        %parallel_loop3A_309 = vector.broadcast %parallel_loop3A_308 : i32 to vector<16xi32>
        %parallel_loop3A_310 = arith.andi %parallel_loop3A_205, %parallel_loop3A_309 : vector<16xi32>
        %parallel_loop3A_311 = arith.constant 4 : i32
        %parallel_loop3A_312 = vector.broadcast %parallel_loop3A_311 : i32 to vector<16xi32>
        %parallel_loop3A_313 = arith.shli %parallel_loop3A_256, %parallel_loop3A_312 : vector<16xi32>
        %parallel_loop3A_314 = arith.constant 240 : i32
        %parallel_loop3A_315 = vector.broadcast %parallel_loop3A_314 : i32 to vector<16xi32>
        %parallel_loop3A_316 = arith.andi %parallel_loop3A_313, %parallel_loop3A_315 : vector<16xi32>
        %parallel_loop3A_317 = arith.constant 8 : i32
        %parallel_loop3A_318 = vector.broadcast %parallel_loop3A_317 : i32 to vector<16xi32>
        %parallel_loop3A_319 = arith.shli %parallel_loop3A_307, %parallel_loop3A_318 : vector<16xi32>
        %parallel_loop3A_320 = arith.constant 3840 : i32
        %parallel_loop3A_321 = vector.broadcast %parallel_loop3A_320 : i32 to vector<16xi32>
        %parallel_loop3A_322 = arith.andi %parallel_loop3A_319, %parallel_loop3A_321 : vector<16xi32>
        %parallel_loop3A_323 = arith.ori %parallel_loop3A_310, %parallel_loop3A_316 : vector<16xi32>
        %parallel_loop3A_324 = arith.ori %parallel_loop3A_323, %parallel_loop3A_322 : vector<16xi32>
        %parallel_loop3A_325 = tpu.vector_load_idx %arg11[%parallel_loop3A_150, %parallel_loop3A_324] : memref<4x4096xf32, #tpu.memory_space<vmem>>[vector<16xi32>, vector<16xi32>], vector<16xf32>,
        %parallel_loop3A_326 = arith.constant 5.000000e-01 : f32
        %parallel_loop3A_327 = vector.broadcast %parallel_loop3A_326 : f32 to vector<16xf32>
        %parallel_loop3A_328 = arith.cmpf ogt, %parallel_loop3A_325, %parallel_loop3A_327 : vector<16xf32>
        %parallel_loop3A_329 = arith.constant 1 : i32
        %parallel_loop3A_330 = arith.constant 0 : i32
        %parallel_loop3A_331 = vector.broadcast %parallel_loop3A_329 : i32 to vector<16xi32>
        %parallel_loop3A_332 = vector.broadcast %parallel_loop3A_330 : i32 to vector<16xi32>
        %parallel_loop3A_333 = arith.select %parallel_loop3A_328, %parallel_loop3A_331, %parallel_loop3A_332 : vector<16xi1>, vector<16xi32>
        %parallel_loop3A_334 = arith.constant 4 : i32
        %parallel_loop3A_335 = vector.broadcast %parallel_loop3A_334 : i32 to vector<16xi32>
        %parallel_loop3A_336 = arith.shrsi %parallel_loop3A_205, %parallel_loop3A_335 : vector<16xi32>
        %parallel_loop3A_337 = arith.constant 15 : i32
        %parallel_loop3A_338 = vector.broadcast %parallel_loop3A_337 : i32 to vector<16xi32>
        %parallel_loop3A_339 = arith.andi %parallel_loop3A_336, %parallel_loop3A_338 : vector<16xi32>
        %parallel_loop3A_340 = arith.constant 240 : i32
        %parallel_loop3A_341 = vector.broadcast %parallel_loop3A_340 : i32 to vector<16xi32>
        %parallel_loop3A_342 = arith.andi %parallel_loop3A_256, %parallel_loop3A_341 : vector<16xi32>
        %parallel_loop3A_343 = arith.constant 4 : i32
        %parallel_loop3A_344 = vector.broadcast %parallel_loop3A_343 : i32 to vector<16xi32>
        %parallel_loop3A_345 = arith.shli %parallel_loop3A_307, %parallel_loop3A_344 : vector<16xi32>
        %parallel_loop3A_346 = arith.constant 3840 : i32
        %parallel_loop3A_347 = vector.broadcast %parallel_loop3A_346 : i32 to vector<16xi32>
        %parallel_loop3A_348 = arith.andi %parallel_loop3A_345, %parallel_loop3A_347 : vector<16xi32>
        %parallel_loop3A_349 = arith.ori %parallel_loop3A_339, %parallel_loop3A_342 : vector<16xi32>
        %parallel_loop3A_350 = arith.ori %parallel_loop3A_349, %parallel_loop3A_348 : vector<16xi32>
        %parallel_loop3A_351 = tpu.vector_load_idx %arg11[%parallel_loop3A_150, %parallel_loop3A_350] : memref<4x4096xf32, #tpu.memory_space<vmem>>[vector<16xi32>, vector<16xi32>], vector<16xf32>,
        %parallel_loop3A_352 = arith.constant 5.000000e-01 : f32
        %parallel_loop3A_353 = vector.broadcast %parallel_loop3A_352 : f32 to vector<16xf32>
        %parallel_loop3A_354 = arith.cmpf ogt, %parallel_loop3A_351, %parallel_loop3A_353 : vector<16xf32>
        %parallel_loop3A_355 = arith.constant 1 : i32
        %parallel_loop3A_356 = arith.constant 0 : i32
        %parallel_loop3A_357 = vector.broadcast %parallel_loop3A_355 : i32 to vector<16xi32>
        %parallel_loop3A_358 = vector.broadcast %parallel_loop3A_356 : i32 to vector<16xi32>
        %parallel_loop3A_359 = arith.select %parallel_loop3A_354, %parallel_loop3A_357, %parallel_loop3A_358 : vector<16xi1>, vector<16xi32>
        %parallel_loop3A_360 = arith.constant 8 : i32
        %parallel_loop3A_361 = vector.broadcast %parallel_loop3A_360 : i32 to vector<16xi32>
        %parallel_loop3A_362 = arith.shli %parallel_loop3A_359, %parallel_loop3A_361 : vector<16xi32>
        %parallel_loop3A_363 = arith.ori %parallel_loop3A_333, %parallel_loop3A_362 : vector<16xi32>
        %parallel_loop3A_364 = arith.constant 8 : i32
        %parallel_loop3A_365 = vector.broadcast %parallel_loop3A_364 : i32 to vector<16xi32>
        %parallel_loop3A_366 = arith.shrsi %parallel_loop3A_205, %parallel_loop3A_365 : vector<16xi32>
        %parallel_loop3A_367 = arith.constant 15 : i32
        %parallel_loop3A_368 = vector.broadcast %parallel_loop3A_367 : i32 to vector<16xi32>
        %parallel_loop3A_369 = arith.andi %parallel_loop3A_366, %parallel_loop3A_368 : vector<16xi32>
        %parallel_loop3A_370 = arith.constant 4 : i32
        %parallel_loop3A_371 = vector.broadcast %parallel_loop3A_370 : i32 to vector<16xi32>
        %parallel_loop3A_372 = arith.shrsi %parallel_loop3A_256, %parallel_loop3A_371 : vector<16xi32>
        %parallel_loop3A_373 = arith.constant 240 : i32
        %parallel_loop3A_374 = vector.broadcast %parallel_loop3A_373 : i32 to vector<16xi32>
        %parallel_loop3A_375 = arith.andi %parallel_loop3A_372, %parallel_loop3A_374 : vector<16xi32>
        %parallel_loop3A_376 = arith.constant 0 : i32
        %parallel_loop3A_377 = vector.broadcast %parallel_loop3A_376 : i32 to vector<16xi32>
        %parallel_loop3A_378 = arith.shrsi %parallel_loop3A_307, %parallel_loop3A_377 : vector<16xi32>
        %parallel_loop3A_379 = arith.constant 3840 : i32
        %parallel_loop3A_380 = vector.broadcast %parallel_loop3A_379 : i32 to vector<16xi32>
        %parallel_loop3A_381 = arith.andi %parallel_loop3A_378, %parallel_loop3A_380 : vector<16xi32>
        %parallel_loop3A_382 = arith.ori %parallel_loop3A_369, %parallel_loop3A_375 : vector<16xi32>
        %parallel_loop3A_383 = arith.ori %parallel_loop3A_382, %parallel_loop3A_381 : vector<16xi32>
        %parallel_loop3A_384 = tpu.vector_load_idx %arg11[%parallel_loop3A_150, %parallel_loop3A_383] : memref<4x4096xf32, #tpu.memory_space<vmem>>[vector<16xi32>, vector<16xi32>], vector<16xf32>,
        %parallel_loop3A_385 = arith.constant 5.000000e-01 : f32
        %parallel_loop3A_386 = vector.broadcast %parallel_loop3A_385 : f32 to vector<16xf32>
        %parallel_loop3A_387 = arith.cmpf ogt, %parallel_loop3A_384, %parallel_loop3A_386 : vector<16xf32>
        %parallel_loop3A_388 = arith.constant 1 : i32
        %parallel_loop3A_389 = arith.constant 0 : i32
        %parallel_loop3A_390 = vector.broadcast %parallel_loop3A_388 : i32 to vector<16xi32>
        %parallel_loop3A_391 = vector.broadcast %parallel_loop3A_389 : i32 to vector<16xi32>
        %parallel_loop3A_392 = arith.select %parallel_loop3A_387, %parallel_loop3A_390, %parallel_loop3A_391 : vector<16xi1>, vector<16xi32>
        %parallel_loop3A_393 = arith.constant 16 : i32
        %parallel_loop3A_394 = vector.broadcast %parallel_loop3A_393 : i32 to vector<16xi32>
        %parallel_loop3A_395 = arith.shli %parallel_loop3A_392, %parallel_loop3A_394 : vector<16xi32>
        %parallel_loop3A_396 = arith.ori %parallel_loop3A_363, %parallel_loop3A_395 : vector<16xi32>
        %parallel_loop3A_397 = arith.constant 12 : i32
        %parallel_loop3A_398 = vector.broadcast %parallel_loop3A_397 : i32 to vector<16xi32>
        %parallel_loop3A_399 = arith.shrsi %parallel_loop3A_205, %parallel_loop3A_398 : vector<16xi32>
        %parallel_loop3A_400 = arith.constant 15 : i32
        %parallel_loop3A_401 = vector.broadcast %parallel_loop3A_400 : i32 to vector<16xi32>
        %parallel_loop3A_402 = arith.andi %parallel_loop3A_399, %parallel_loop3A_401 : vector<16xi32>
        %parallel_loop3A_403 = arith.constant 8 : i32
        %parallel_loop3A_404 = vector.broadcast %parallel_loop3A_403 : i32 to vector<16xi32>
        %parallel_loop3A_405 = arith.shrsi %parallel_loop3A_256, %parallel_loop3A_404 : vector<16xi32>
        %parallel_loop3A_406 = arith.constant 240 : i32
        %parallel_loop3A_407 = vector.broadcast %parallel_loop3A_406 : i32 to vector<16xi32>
        %parallel_loop3A_408 = arith.andi %parallel_loop3A_405, %parallel_loop3A_407 : vector<16xi32>
        %parallel_loop3A_409 = arith.constant 4 : i32
        %parallel_loop3A_410 = vector.broadcast %parallel_loop3A_409 : i32 to vector<16xi32>
        %parallel_loop3A_411 = arith.shrsi %parallel_loop3A_307, %parallel_loop3A_410 : vector<16xi32>
        %parallel_loop3A_412 = arith.constant 3840 : i32
        %parallel_loop3A_413 = vector.broadcast %parallel_loop3A_412 : i32 to vector<16xi32>
        %parallel_loop3A_414 = arith.andi %parallel_loop3A_411, %parallel_loop3A_413 : vector<16xi32>
        %parallel_loop3A_415 = arith.ori %parallel_loop3A_402, %parallel_loop3A_408 : vector<16xi32>
        %parallel_loop3A_416 = arith.ori %parallel_loop3A_415, %parallel_loop3A_414 : vector<16xi32>
        %parallel_loop3A_417 = tpu.vector_load_idx %arg11[%parallel_loop3A_150, %parallel_loop3A_416] : memref<4x4096xf32, #tpu.memory_space<vmem>>[vector<16xi32>, vector<16xi32>], vector<16xf32>,
        %parallel_loop3A_418 = arith.constant 5.000000e-01 : f32
        %parallel_loop3A_419 = vector.broadcast %parallel_loop3A_418 : f32 to vector<16xf32>
        %parallel_loop3A_420 = arith.cmpf ogt, %parallel_loop3A_417, %parallel_loop3A_419 : vector<16xf32>
        %parallel_loop3A_421 = arith.constant 1 : i32
        %parallel_loop3A_422 = arith.constant 0 : i32
        %parallel_loop3A_423 = vector.broadcast %parallel_loop3A_421 : i32 to vector<16xi32>
        %parallel_loop3A_424 = vector.broadcast %parallel_loop3A_422 : i32 to vector<16xi32>
        %parallel_loop3A_425 = arith.select %parallel_loop3A_420, %parallel_loop3A_423, %parallel_loop3A_424 : vector<16xi1>, vector<16xi32>
        %parallel_loop3A_426 = arith.constant 24 : i32
        %parallel_loop3A_427 = vector.broadcast %parallel_loop3A_426 : i32 to vector<16xi32>
        %parallel_loop3A_428 = arith.shli %parallel_loop3A_425, %parallel_loop3A_427 : vector<16xi32>
        %parallel_loop3A_429 = arith.ori %parallel_loop3A_396, %parallel_loop3A_428 : vector<16xi32>
        %parallel_loop3A_430 = arith.constant 32 : i32
        %parallel_loop3A_431 = arith.muli %parallel_loop3A_149, %parallel_loop3A_430 : i32
        %parallel_loop3A_432 = arith.constant 0 : i32
        %parallel_loop3A_433 = arith.addi %parallel_loop3A_431, %parallel_loop3A_432 : i32
        %parallel_loop3A_434 = vector.broadcast %parallel_loop3A_433 : i32 to vector<16xi32>
        %parallel_loop3A_435 = arith.addi %parallel_loop3A_154, %parallel_loop3A_434 : vector<16xi32>
        tpu.vector_store_idx %arg13[%parallel_loop3A_150, %parallel_loop3A_435], %parallel_loop3A_429 : memref<4x256xi32, #tpu.memory_space<vmem>>[vector<16xi32>, vector<16xi32>], vector<16xi32>,
        %parallel_loop3A_436 = arith.constant 16 : i32
        %parallel_loop3A_437 = vector.broadcast %parallel_loop3A_436 : i32 to vector<16xi32>
        %parallel_loop3A_438 = arith.shrsi %parallel_loop3A_205, %parallel_loop3A_437 : vector<16xi32>
        %parallel_loop3A_439 = arith.constant 15 : i32
        %parallel_loop3A_440 = vector.broadcast %parallel_loop3A_439 : i32 to vector<16xi32>
        %parallel_loop3A_441 = arith.andi %parallel_loop3A_438, %parallel_loop3A_440 : vector<16xi32>
        %parallel_loop3A_442 = arith.constant 12 : i32
        %parallel_loop3A_443 = vector.broadcast %parallel_loop3A_442 : i32 to vector<16xi32>
        %parallel_loop3A_444 = arith.shrsi %parallel_loop3A_256, %parallel_loop3A_443 : vector<16xi32>
        %parallel_loop3A_445 = arith.constant 240 : i32
        %parallel_loop3A_446 = vector.broadcast %parallel_loop3A_445 : i32 to vector<16xi32>
        %parallel_loop3A_447 = arith.andi %parallel_loop3A_444, %parallel_loop3A_446 : vector<16xi32>
        %parallel_loop3A_448 = arith.constant 8 : i32
        %parallel_loop3A_449 = vector.broadcast %parallel_loop3A_448 : i32 to vector<16xi32>
        %parallel_loop3A_450 = arith.shrsi %parallel_loop3A_307, %parallel_loop3A_449 : vector<16xi32>
        %parallel_loop3A_451 = arith.constant 3840 : i32
        %parallel_loop3A_452 = vector.broadcast %parallel_loop3A_451 : i32 to vector<16xi32>
        %parallel_loop3A_453 = arith.andi %parallel_loop3A_450, %parallel_loop3A_452 : vector<16xi32>
        %parallel_loop3A_454 = arith.ori %parallel_loop3A_441, %parallel_loop3A_447 : vector<16xi32>
        %parallel_loop3A_455 = arith.ori %parallel_loop3A_454, %parallel_loop3A_453 : vector<16xi32>
        %parallel_loop3A_456 = tpu.vector_load_idx %arg11[%parallel_loop3A_150, %parallel_loop3A_455] : memref<4x4096xf32, #tpu.memory_space<vmem>>[vector<16xi32>, vector<16xi32>], vector<16xf32>,
        %parallel_loop3A_457 = arith.constant 5.000000e-01 : f32
        %parallel_loop3A_458 = vector.broadcast %parallel_loop3A_457 : f32 to vector<16xf32>
        %parallel_loop3A_459 = arith.cmpf ogt, %parallel_loop3A_456, %parallel_loop3A_458 : vector<16xf32>
        %parallel_loop3A_460 = arith.constant 1 : i32
        %parallel_loop3A_461 = arith.constant 0 : i32
        %parallel_loop3A_462 = vector.broadcast %parallel_loop3A_460 : i32 to vector<16xi32>
        %parallel_loop3A_463 = vector.broadcast %parallel_loop3A_461 : i32 to vector<16xi32>
        %parallel_loop3A_464 = arith.select %parallel_loop3A_459, %parallel_loop3A_462, %parallel_loop3A_463 : vector<16xi1>, vector<16xi32>
        %parallel_loop3A_465 = arith.constant 20 : i32
        %parallel_loop3A_466 = vector.broadcast %parallel_loop3A_465 : i32 to vector<16xi32>
        %parallel_loop3A_467 = arith.shrsi %parallel_loop3A_205, %parallel_loop3A_466 : vector<16xi32>
        %parallel_loop3A_468 = arith.constant 15 : i32
        %parallel_loop3A_469 = vector.broadcast %parallel_loop3A_468 : i32 to vector<16xi32>
        %parallel_loop3A_470 = arith.andi %parallel_loop3A_467, %parallel_loop3A_469 : vector<16xi32>
        %parallel_loop3A_471 = arith.constant 16 : i32
        %parallel_loop3A_472 = vector.broadcast %parallel_loop3A_471 : i32 to vector<16xi32>
        %parallel_loop3A_473 = arith.shrsi %parallel_loop3A_256, %parallel_loop3A_472 : vector<16xi32>
        %parallel_loop3A_474 = arith.constant 240 : i32
        %parallel_loop3A_475 = vector.broadcast %parallel_loop3A_474 : i32 to vector<16xi32>
        %parallel_loop3A_476 = arith.andi %parallel_loop3A_473, %parallel_loop3A_475 : vector<16xi32>
        %parallel_loop3A_477 = arith.constant 12 : i32
        %parallel_loop3A_478 = vector.broadcast %parallel_loop3A_477 : i32 to vector<16xi32>
        %parallel_loop3A_479 = arith.shrsi %parallel_loop3A_307, %parallel_loop3A_478 : vector<16xi32>
        %parallel_loop3A_480 = arith.constant 3840 : i32
        %parallel_loop3A_481 = vector.broadcast %parallel_loop3A_480 : i32 to vector<16xi32>
        %parallel_loop3A_482 = arith.andi %parallel_loop3A_479, %parallel_loop3A_481 : vector<16xi32>
        %parallel_loop3A_483 = arith.ori %parallel_loop3A_470, %parallel_loop3A_476 : vector<16xi32>
        %parallel_loop3A_484 = arith.ori %parallel_loop3A_483, %parallel_loop3A_482 : vector<16xi32>
        %parallel_loop3A_485 = tpu.vector_load_idx %arg11[%parallel_loop3A_150, %parallel_loop3A_484] : memref<4x4096xf32, #tpu.memory_space<vmem>>[vector<16xi32>, vector<16xi32>], vector<16xf32>,
        %parallel_loop3A_486 = arith.constant 5.000000e-01 : f32
        %parallel_loop3A_487 = vector.broadcast %parallel_loop3A_486 : f32 to vector<16xf32>
        %parallel_loop3A_488 = arith.cmpf ogt, %parallel_loop3A_485, %parallel_loop3A_487 : vector<16xf32>
        %parallel_loop3A_489 = arith.constant 1 : i32
        %parallel_loop3A_490 = arith.constant 0 : i32
        %parallel_loop3A_491 = vector.broadcast %parallel_loop3A_489 : i32 to vector<16xi32>
        %parallel_loop3A_492 = vector.broadcast %parallel_loop3A_490 : i32 to vector<16xi32>
        %parallel_loop3A_493 = arith.select %parallel_loop3A_488, %parallel_loop3A_491, %parallel_loop3A_492 : vector<16xi1>, vector<16xi32>
        %parallel_loop3A_494 = arith.constant 8 : i32
        %parallel_loop3A_495 = vector.broadcast %parallel_loop3A_494 : i32 to vector<16xi32>
        %parallel_loop3A_496 = arith.shli %parallel_loop3A_493, %parallel_loop3A_495 : vector<16xi32>
        %parallel_loop3A_497 = arith.ori %parallel_loop3A_464, %parallel_loop3A_496 : vector<16xi32>
        %parallel_loop3A_498 = arith.constant 24 : i32
        %parallel_loop3A_499 = vector.broadcast %parallel_loop3A_498 : i32 to vector<16xi32>
        %parallel_loop3A_500 = arith.shrsi %parallel_loop3A_205, %parallel_loop3A_499 : vector<16xi32>
        %parallel_loop3A_501 = arith.constant 15 : i32
        %parallel_loop3A_502 = vector.broadcast %parallel_loop3A_501 : i32 to vector<16xi32>
        %parallel_loop3A_503 = arith.andi %parallel_loop3A_500, %parallel_loop3A_502 : vector<16xi32>
        %parallel_loop3A_504 = arith.constant 20 : i32
        %parallel_loop3A_505 = vector.broadcast %parallel_loop3A_504 : i32 to vector<16xi32>
        %parallel_loop3A_506 = arith.shrsi %parallel_loop3A_256, %parallel_loop3A_505 : vector<16xi32>
        %parallel_loop3A_507 = arith.constant 240 : i32
        %parallel_loop3A_508 = vector.broadcast %parallel_loop3A_507 : i32 to vector<16xi32>
        %parallel_loop3A_509 = arith.andi %parallel_loop3A_506, %parallel_loop3A_508 : vector<16xi32>
        %parallel_loop3A_510 = arith.constant 16 : i32
        %parallel_loop3A_511 = vector.broadcast %parallel_loop3A_510 : i32 to vector<16xi32>
        %parallel_loop3A_512 = arith.shrsi %parallel_loop3A_307, %parallel_loop3A_511 : vector<16xi32>
        %parallel_loop3A_513 = arith.constant 3840 : i32
        %parallel_loop3A_514 = vector.broadcast %parallel_loop3A_513 : i32 to vector<16xi32>
        %parallel_loop3A_515 = arith.andi %parallel_loop3A_512, %parallel_loop3A_514 : vector<16xi32>
        %parallel_loop3A_516 = arith.ori %parallel_loop3A_503, %parallel_loop3A_509 : vector<16xi32>
        %parallel_loop3A_517 = arith.ori %parallel_loop3A_516, %parallel_loop3A_515 : vector<16xi32>
        %parallel_loop3A_518 = tpu.vector_load_idx %arg11[%parallel_loop3A_150, %parallel_loop3A_517] : memref<4x4096xf32, #tpu.memory_space<vmem>>[vector<16xi32>, vector<16xi32>], vector<16xf32>,
        %parallel_loop3A_519 = arith.constant 5.000000e-01 : f32
        %parallel_loop3A_520 = vector.broadcast %parallel_loop3A_519 : f32 to vector<16xf32>
        %parallel_loop3A_521 = arith.cmpf ogt, %parallel_loop3A_518, %parallel_loop3A_520 : vector<16xf32>
        %parallel_loop3A_522 = arith.constant 1 : i32
        %parallel_loop3A_523 = arith.constant 0 : i32
        %parallel_loop3A_524 = vector.broadcast %parallel_loop3A_522 : i32 to vector<16xi32>
        %parallel_loop3A_525 = vector.broadcast %parallel_loop3A_523 : i32 to vector<16xi32>
        %parallel_loop3A_526 = arith.select %parallel_loop3A_521, %parallel_loop3A_524, %parallel_loop3A_525 : vector<16xi1>, vector<16xi32>
        %parallel_loop3A_527 = arith.constant 16 : i32
        %parallel_loop3A_528 = vector.broadcast %parallel_loop3A_527 : i32 to vector<16xi32>
        %parallel_loop3A_529 = arith.shli %parallel_loop3A_526, %parallel_loop3A_528 : vector<16xi32>
        %parallel_loop3A_530 = arith.ori %parallel_loop3A_497, %parallel_loop3A_529 : vector<16xi32>
        %parallel_loop3A_531 = arith.constant 28 : i32
        %parallel_loop3A_532 = vector.broadcast %parallel_loop3A_531 : i32 to vector<16xi32>
        %parallel_loop3A_533 = arith.shrsi %parallel_loop3A_205, %parallel_loop3A_532 : vector<16xi32>
        %parallel_loop3A_534 = arith.constant 15 : i32
        %parallel_loop3A_535 = vector.broadcast %parallel_loop3A_534 : i32 to vector<16xi32>
        %parallel_loop3A_536 = arith.andi %parallel_loop3A_533, %parallel_loop3A_535 : vector<16xi32>
        %parallel_loop3A_537 = arith.constant 24 : i32
        %parallel_loop3A_538 = vector.broadcast %parallel_loop3A_537 : i32 to vector<16xi32>
        %parallel_loop3A_539 = arith.shrsi %parallel_loop3A_256, %parallel_loop3A_538 : vector<16xi32>
        %parallel_loop3A_540 = arith.constant 240 : i32
        %parallel_loop3A_541 = vector.broadcast %parallel_loop3A_540 : i32 to vector<16xi32>
        %parallel_loop3A_542 = arith.andi %parallel_loop3A_539, %parallel_loop3A_541 : vector<16xi32>
        %parallel_loop3A_543 = arith.constant 20 : i32
        %parallel_loop3A_544 = vector.broadcast %parallel_loop3A_543 : i32 to vector<16xi32>
        %parallel_loop3A_545 = arith.shrsi %parallel_loop3A_307, %parallel_loop3A_544 : vector<16xi32>
        %parallel_loop3A_546 = arith.constant 3840 : i32
        %parallel_loop3A_547 = vector.broadcast %parallel_loop3A_546 : i32 to vector<16xi32>
        %parallel_loop3A_548 = arith.andi %parallel_loop3A_545, %parallel_loop3A_547 : vector<16xi32>
        %parallel_loop3A_549 = arith.ori %parallel_loop3A_536, %parallel_loop3A_542 : vector<16xi32>
        %parallel_loop3A_550 = arith.ori %parallel_loop3A_549, %parallel_loop3A_548 : vector<16xi32>
        %parallel_loop3A_551 = tpu.vector_load_idx %arg11[%parallel_loop3A_150, %parallel_loop3A_550] : memref<4x4096xf32, #tpu.memory_space<vmem>>[vector<16xi32>, vector<16xi32>], vector<16xf32>,
        %parallel_loop3A_552 = arith.constant 5.000000e-01 : f32
        %parallel_loop3A_553 = vector.broadcast %parallel_loop3A_552 : f32 to vector<16xf32>
        %parallel_loop3A_554 = arith.cmpf ogt, %parallel_loop3A_551, %parallel_loop3A_553 : vector<16xf32>
        %parallel_loop3A_555 = arith.constant 1 : i32
        %parallel_loop3A_556 = arith.constant 0 : i32
        %parallel_loop3A_557 = vector.broadcast %parallel_loop3A_555 : i32 to vector<16xi32>
        %parallel_loop3A_558 = vector.broadcast %parallel_loop3A_556 : i32 to vector<16xi32>
        %parallel_loop3A_559 = arith.select %parallel_loop3A_554, %parallel_loop3A_557, %parallel_loop3A_558 : vector<16xi1>, vector<16xi32>
        %parallel_loop3A_560 = arith.constant 24 : i32
        %parallel_loop3A_561 = vector.broadcast %parallel_loop3A_560 : i32 to vector<16xi32>
        %parallel_loop3A_562 = arith.shli %parallel_loop3A_559, %parallel_loop3A_561 : vector<16xi32>
        %parallel_loop3A_563 = arith.ori %parallel_loop3A_530, %parallel_loop3A_562 : vector<16xi32>
        %parallel_loop3A_564 = arith.constant 32 : i32
        %parallel_loop3A_565 = arith.muli %parallel_loop3A_149, %parallel_loop3A_564 : i32
        %parallel_loop3A_566 = arith.constant 1 : i32
        %parallel_loop3A_567 = arith.addi %parallel_loop3A_565, %parallel_loop3A_566 : i32
        %parallel_loop3A_568 = vector.broadcast %parallel_loop3A_567 : i32 to vector<16xi32>
        %parallel_loop3A_569 = arith.addi %parallel_loop3A_154, %parallel_loop3A_568 : vector<16xi32>
        tpu.vector_store_idx %arg13[%parallel_loop3A_150, %parallel_loop3A_569], %parallel_loop3A_563 : memref<4x256xi32, #tpu.memory_space<vmem>>[vector<16xi32>, vector<16xi32>], vector<16xi32>,
      } {sc.loop_unroll_factor = 2 : i64, sc.parallel_access}
      %add3A_100 = arith.constant 1 : i32
      %add3A_101 = arith.addi %mul3A_37, %add3A_100 : i32
      %mul3A_102 = arith.constant 4 : i32
      %mul3A_103 = arith.muli %add3A_101, %mul3A_102 : i32
      %add3A_104 = arith.addi %mul3A_2, %mul3A_103 : i32
      %dma_start3A_105 = arith.constant 0 : i32
      %dma_start3A_106 = tpu.memref_slice %arg5[%add3A_104, %dma_start3A_105] : memref<8192x256xi32, #tpu.memory_space<hbm>> -> memref<4x256xi32, #tpu.memory_space<hbm>>
      %dma_start3A_107 = arith.constant 0 : i32
      %dma_start3A_108 = tpu.memref_slice %arg5[%add3A_104, %dma_start3A_107] : memref<8192x256xi32, #tpu.memory_space<hbm>> -> memref<4x256xi32, #tpu.memory_space<hbm>>
      tpu.enqueue_dma source(%arg13 : memref<4x256xi32, #tpu.memory_space<vmem>>) target(%dma_start3A_108 : memref<4x256xi32, #tpu.memory_space<hbm>>) target_semaphore(%arg19 : memref<!tpu.dma_semaphore, #tpu.memory_space<semaphore_mem>>)
    }
    %scan3A_23 = arith.constant 32 : i32
    %dma_wait3A = arith.constant 0 : i32
    %dma_wait3A_24 = arith.constant 0 : i32
    %dma_wait3A_25 = tpu.memref_slice %arg5[%dma_wait3A, %dma_wait3A_24] : memref<8192x256xi32, #tpu.memory_space<hbm>> -> memref<4x256xi32, #tpu.memory_space<hbm>>
    %dma_wait3A_26 = arith.constant 0 : i32
    %dma_wait3A_27 = arith.constant 0 : i32
    %dma_wait3A_28 = tpu.memref_slice %arg5[%dma_wait3A_26, %dma_wait3A_27] : memref<8192x256xi32, #tpu.memory_space<hbm>> -> memref<4x256xi32, #tpu.memory_space<hbm>>
    tpu.wait_dma2 semaphore(%arg18 : memref<!tpu.dma_semaphore, #tpu.memory_space<semaphore_mem>>) src(%arg12 : memref<4x256xi32, #tpu.memory_space<vmem>>) dst(%dma_wait3A_28 : memref<4x256xi32, #tpu.memory_space<hbm>>)
    %dma_wait3A_29 = arith.constant 0 : i32
    %dma_wait3A_30 = arith.constant 0 : i32
    %dma_wait3A_31 = tpu.memref_slice %arg5[%dma_wait3A_29, %dma_wait3A_30] : memref<8192x256xi32, #tpu.memory_space<hbm>> -> memref<4x256xi32, #tpu.memory_space<hbm>>
    %dma_wait3A_32 = arith.constant 0 : i32
    %dma_wait3A_33 = arith.constant 0 : i32
    %dma_wait3A_34 = tpu.memref_slice %arg5[%dma_wait3A_32, %dma_wait3A_33] : memref<8192x256xi32, #tpu.memory_space<hbm>> -> memref<4x256xi32, #tpu.memory_space<hbm>>
    tpu.wait_dma2 semaphore(%arg19 : memref<!tpu.dma_semaphore, #tpu.memory_space<semaphore_mem>>) src(%arg13 : memref<4x256xi32, #tpu.memory_space<vmem>>) dst(%dma_wait3A_34 : memref<4x256xi32, #tpu.memory_space<hbm>>)
    return
  }
}

</mosaic_0001>

<sc_bundles>
// kernel: kernel.3.cloned.1.call-start
scs
__scs_entry_jumppad:
0x0: {  	(pc) =	sbr.rel $0x88, $3  }
0x1: {  	(tag) =	ssettag $0x0;
	lr =	simm.s32 $0x1  }
0x2: {  	[smem:$0x3F9E] =	sst lr;
	_ =	strace $0xD0000000  }
0x3: {  	_ = 	snop  }
0x4: {  	_ = 	snop  }
0x5: {  	_ = 	snop  }
0x6: {  	_ = 	snop  }
0x7: {  	_ = 	snop  }
__scs_overlays_trampoline_lowered:
0x8: {  	[smem:$0x3FAD] =	sst s0  }
0x9: {  	[smem:$0x3FAE] =	sst s1  }
0xa: {  	[smem:$0x3FAF] =	sst s2  }
0xb: {  	[smem:$0x3FB0] =	sst s3  }
0xc: {  	[smem:$0x3FB1] =	sst s4  }
0xd: {  	[smem:$0x3FB2] =	sst s5  }
0xe: {  	[smem:$0x3FB3] =	sst s6  }
0xf: {  	[smem:$0x3FB4] =	sst s7  }
0x10: {  	[smem:$0x3FB5] =	sst s8  }
0x11: {  	[smem:$0x3FB6] =	sst s9;
	s0 =	simm.s32 @!p0 $0x0  }
0x12: {  	s1 =	sld [smem:$0x3F9C];
	s0 =	simm.s32 @p0 $0x1  }
0x13: {  	[smem:$0x3FB7] =	sst s0;
	s0 =	simm.s32 @!p1 $0x0  }
0x14: {  	s2 =	sld [smem:$0x3F9B];
	s0 =	simm.s32 @p1 $0x1  }
0x15: {  	[smem:$0x3FB8] =	sst s0;
	s0 =	simm.s32 @!p2 $0x0  }
0x16: {  	s3 =	sld [smem:$0x3FDB];
	s0 =	simm.s32 @p2 $0x1  }
0x17: {  	s4 =	simm.s32 $0x1BF5;
	[smem:$0x3FBA] =	sst s0  }
0x18: {  	s0 =	sld [smem:$0x3F9D];
	_ =	swait.ge [sflag:s4], $0x0  }
0x19: {  	s7 =	sld [smem:$0x3F9E]  }
0x1a: {  	s8 =	sadd.s32 $0xFFFFE003, lr  }
0x1b: {  	s9 =	sadd.s32 $0xFFFFFEF7, lr;
	s5 =	simm.s32 $0xFFFFFFFF;
	p2 =	slt.u32 s8, $0xFFFFF086  }
0x1c: {  	p1 =	slt.u32 s9, $0xF7A;
	s5 =	simm.s32 @!p2 $0x0  }
0x1d: {  	s5 =	simm.s32 @p1 $0x1;
	p0 =	seq.s32 s7, s2  }
0x1e: {  	s7 =	smul.u32 @!p0 $0xF7A, s2;
	p2 =	seq.s32 @!p0 s5, $0x0  }
0x1f: {  	s9 =	smul.u32 $0xF7A, s1;
	s8 =	simm.s32 @!p0 $0x1BF5;
	p2 =	por !p2, p0  }
0x20: {  	[sflag:s8] =	ssyncset.s32 @!p0 $0xFFFFF086;
	s6 =	sadd.s32 @!p0 s3, s7;
	s7 =	simm.s32 @!p0 $0x108  }
0x21: {  	s3 =	sadd.s32 s3, s9;
	s6 =	sadd.s32 @!p0 $0x88, s6;
	s7 =	simm.s32 @p2 $0x1082  }
0x22: {  	[simem:s7], [sflag:s8] =	dma.local @!p0 [hbm:s6], $0xF7A  }
0x23: {  	s9 =	sor.u32 $0xD0000000, s2;
	s6 =	simm.s32 $0x108;
	_ =	swait.ge @!p0 [sflag:s8], $0x0  }
0x24: {  	s3 =	sadd.s32 $0x88, s3;
	s6 =	simm.s32 @!p1 $0x1082;
	[sflag:s4] =	ssyncset.s32 $0xFFFFF086  }
0x25: {  	[simem:s6], [sflag:s4] =	dma.local [hbm:s3], $0xF7A  }
0x26: {  	[smem:$0x3F9E] =	sst s1;
	(tag) =	ssettag s2;
	_ =	strace s9  }
0x27: {  	s1 =	sld [smem:$0x3FAE]  }
0x28: {  	s2 =	sld [smem:$0x3FAF]  }
0x29: {  	s4 =	sld [smem:$0x3FB1]  }
0x2a: {  	p0 =	seq.s32 s5, $0x0;
	s5 =	sld [smem:$0x3FB2]  }
0x2b: {  	s6 =	sld [smem:$0x3FB3]  }
0x2c: {  	s7 =	sld [smem:$0x3FB4]  }
0x2d: {  	s3 =	simm.s32 $0x108;
	s8 =	sld [smem:$0x3FB5]  }
0x2e: {  	s3 =	simm.s32 @!p0 $0x1082;
	s9 =	sld [smem:$0x3FB6]  }
0x2f: {  	lr =	sadd.s32 s0, s3;
	s0 =	sld [smem:$0x3FAD]  }
0x30: {  	s3 =	sld [smem:$0x3FB0]  }
0x31: {  	[smem:$0x3FB9] =	sst s10  }
0x32: {  	s10 =	sld [smem:$0x3FB7];
	_ =	sdelay $0x3  }
0x33: {  	p0 =	seq.s32 s10, $0x1;
	s10 =	sld [smem:$0x3FB9];
	_ =	sdelay $0x3  }
0x34: {  	[smem:$0x3FB9] =	sst s10  }
0x35: {  	s10 =	sld [smem:$0x3FB8];
	_ =	sdelay $0x3  }
0x36: {  	p1 =	seq.s32 s10, $0x1;
	s10 =	sld [smem:$0x3FB9];
	_ =	sdelay $0x3  }
0x37: {  	[smem:$0x3FB9] =	sst s10  }
0x38: {  	s10 =	sld [smem:$0x3FBA]  }
0x39: {  	_ = 	snop;
	(pc) =	sbr.ind lr, $3  }
0x3a: {  	_ = 	snop  }
0x3b: {  	_ = 	snop  }
0x3c: {  	p2 =	seq.s32 s10, $0x1;
	s10 =	sld [smem:$0x3FB9]  }
0x3d: {  	_ =	shalt  }
0x3e: {  	_ =	shalt  }
0x3f: {  	_ =	shalt  }
0x40: {  	_ =	shalt  }
0x41: {  	_ =	shalt  }
0x42: {  	_ =	shalt  }
0x43: {  	_ =	shalt  }
0x44: {  	_ =	shalt  }
0x45: {  	_ =	shalt  }
0x46: {  	_ =	shalt  }
0x47: {  	_ =	shalt  }
0x48: {  	_ =	shalt  }
0x49: {  	_ =	shalt  }
0x4a: {  	_ =	shalt  }
0x4b: {  	_ =	shalt  }
0x4c: {  	_ =	shalt  }
0x4d: {  	_ =	shalt  }
0x4e: {  	_ =	shalt  }
0x4f: {  	_ =	shalt  }
0x50: {  	_ =	shalt  }
0x51: {  	_ =	shalt  }
0x52: {  	_ =	shalt  }
0x53: {  	_ =	shalt  }
0x54: {  	_ =	shalt  }
0x55: {  	_ =	shalt  }
0x56: {  	_ =	shalt  }
0x57: {  	_ =	shalt  }
0x58: {  	_ =	shalt  }
0x59: {  	_ =	shalt  }
0x5a: {  	_ =	shalt  }
0x5b: {  	_ =	shalt  }
0x5c: {  	_ =	shalt  }
0x5d: {  	_ =	shalt  }
0x5e: {  	_ =	shalt  }
0x5f: {  	_ =	shalt  }
0x60: {  	_ =	shalt  }
0x61: {  	_ =	shalt  }
0x62: {  	_ =	shalt  }
0x63: {  	_ =	shalt  }
0x64: {  	_ =	shalt  }
0x65: {  	_ =	shalt  }
0x66: {  	_ =	shalt  }
0x67: {  	_ =	shalt  }
0x68: {  	_ =	shalt  }
0x69: {  	_ =	shalt  }
0x6a: {  	_ =	shalt  }
0x6b: {  	_ =	shalt  }
0x6c: {  	_ =	shalt  }
0x6d: {  	_ =	shalt  }
0x6e: {  	_ =	shalt  }
0x6f: {  	_ =	shalt  }
0x70: {  	_ =	shalt  }
0x71: {  	_ =	shalt  }
0x72: {  	_ =	shalt  }
0x73: {  	_ =	shalt  }
0x74: {  	_ =	shalt  }
0x75: {  	_ =	shalt  }
0x76: {  	_ =	shalt  }
0x77: {  	_ =	shalt  }
0x78: {  	_ =	shalt  }
0x79: {  	_ =	shalt  }
0x7a: {  	_ =	shalt  }
0x7b: {  	_ =	shalt  }
0x7c: {  	_ =	shalt  }
0x7d: {  	_ =	shalt  }
0x7e: {  	_ =	shalt  }
0x7f: {  	_ =	shalt  }
0x80: {  	_ =	shalt  }
0x81: {  	_ =	shalt  }
0x82: {  	_ =	shalt  }
0x83: {  	_ =	shalt  }
0x84: {  	_ =	shalt  }
0x85: {  	_ =	shalt  }
0x86: {  	_ =	shalt  }
0x87: {  	_ =	shalt  }
.Lfunc_end0:
.L_simem_size_0:
called_computation_lowered:
.L_overlay_start_0:
0x88: {  	s2 =	sld [smem:$0x3FD9]  }
0x89: {  	s3 =	sld [smem:$0x3FFE];
	_ =	sdelay $0x1  }
0x8a: {  	s1 =	srdreg.scid  }
0x8b: {  	s0 =	sand.u32 $0x1, s1  }
0x8c: {  	s17 =	sshll.u32 s0, $0xA;
	s2 =	sadd.s32 s3, s2  }
0x8d: {  	s2 =	sadd.s32 s2, s17  }
0x8e: {  	[smem:$0x3FC5] =	sst s2  }
0x8f: {  	_ = 	snop  }
0x90: {  	s2 =	sld [smem:$0x3FC7]  }
0x91: {  	s18 =	sld [smem:$0x3FD0];
	(tm) =	ssettm $0x1  }
0x92: {  	s4 =	sld [smem:$0x3FFB];
	_ =	sdelay $0x3  }
0x93: {  	_ =	strace s4  }
0x94: {  	s4 =	sld [smem:$0x3FFC];
	_ =	sdelay $0x3  }
0x95: {  	_ =	strace s4  }
0x96: {  	s4 =	sld [smem:$0x3FFD];
	_ =	sdelay $0x3  }
0x97: {  	_ =	strace s4  }
0x98: {  	_ =	strace $0x8FFFFFFF  }
0x99: {  	s19 =	sld [smem:$0x3FDB];
	_ =	sdelay $0x1  }
0x9a: {  	s5 =	simm.s32 $_scs_section_size  }
0x9b: {  	s6 =	simm.s32 $_size__tile_overlayer_lowered;
	s7 =	simm.s32 $_tile_overlayer_lowered  }
0x9c: {  	s22 =	simm.s32 $0x1BFF;
	s21 =	sshll.u32 s7, $0x1;
	s4 =	sadd.s32 s5, s19  }
0x9d: {  	s8 =	simm.s32 $0x0;
	s20 =	sshll.u32 s6, $0x1;
	s6 =	sadd.s32 s21, s4  }
0x9e: {  	[timem:s8], [sflag:s22] =	dma.local [hbm:s6], s20  }
0x9f: {  	_ =	swait.ge [sflag:s22], s20  }
0xa0: {  	s5 =	ssub.s32 $0x0, s20;
	[sflag:s22] =	ssyncset.done $0x0  }
0xa1: {  	[sflag:s22] =	ssyncadd.s32 s5;
	_ =	sdelay $0x1  }
0xa2: {  	s23 =	simm.s32 $0x1B8B  }
0xa3: {  	_ =	swait.ge [sflag:s23], $0x1  }
0xa4: {  	[sflag:s23] =	ssyncset.done $0x0  }
0xa5: {  	s25 =	simm.s32 $0x1B8E;
	s24 =	sld [smem:$0x3FFE];
	[sflag:s23] =	ssyncadd.s32 $0xFFFFFFFF  }
0xa6: {  	s26 =	simm.s32 $execute0_lowered;
	[smem:$0x3FD2] =	sst s25  }
0xa7: {  	s6 =	sshll.u32 s26, $0x1;
	_ =	strace $0x80000046;
	[dreg:$0x1] =	wrdreg $0xFFFFFFFF  }
0xa8: {  	s28 =	simm.s32 $_size_execute0_lowered;
	s4 =	sadd.s32 s4, s6;
	[dreg:$0x0] =	wrdreg $0x0  }
0xa9: {  	s6 =	sshll.u32 s28, $0x1;
	[dreg:$0x2] =	wrdreg s4  }
0xaa: {  	[dreg:$0x3] =	wrdreg s6  }
0xab: {  	[dreg:$0x4] =	wrdreg $0xC0  }
0xac: {  	_ =	task [dreg:s8], $0x5FFFF  }
0xad: {  	[dreg:$0x1] =	wrdreg $0xFFFFFFFF  }
0xae: {  	[dreg:$0x0] =	wrdreg $0x60  }
0xaf: {  	[dreg:$0x2] =	wrdreg s24  }
0xb0: {  	[dreg:$0x3] =	wrdreg s2  }
0xb1: {  	[dreg:$0x4] =	wrdreg s18  }
0xb2: {  	[dreg:$0x5] =	wrdreg $0x0  }
0xb3: {  	[dreg:$0x6] =	wrdreg $0x9  }
0xb4: {  	_ =	task.clear_ibuf [dreg:s8], $0x7FFFF;
	_ =	strace $0x90000046  }
0xb5: {  	s29 =	simm.s32 $0x9;
	_ =	strace $0x80000048  }
0xb6: {  	_ =	swait.ge [sflag:s29], $0x1  }
0xb7: {  	[sflag:s29] =	ssyncadd.s32 $0xFFFFFFFF  }
0xb8: {  	_ =	strace $0x90000048  }
0xb9: {  	_ =	sfence  }
0xba: {  	s30 =	sld [smem:$0x0];
	_ =	sdelay $0x2  }
0xbb: {  	s31 =	sshll.u32 s1, $0xD;
	s1 =	sshrl.u32 s1, $0x2  }
0xbc: {  	s3 =	sand.u32 $0x4000, s31;
	s1 =	sadd.s32 s1, s30  }
0xbd: {  	s0 =	sor.u32 s3, s0;
	s1 =	sshll.u32 s1, $0x11  }
0xbe: {  	s0 =	sor.u32 s1, s0  }
0xbf: {  	s0 =	sadd.s32 $0x8F2B, s0  }
0xc0: {  	[sflag:s0] =	ssyncadd.remote.s32 $0x1  }
0xc1: {  	_ =	sfence.sel $0xFFFF  }
0xc2: {  	[dreg:$0x0] =	wrdreg $0xFFFFFFFF;
	(pc) =	sbr.abs _section_cstart, $3  }
0xc3: {  	[dreg:$0x1] =	wrdreg $0xFFFFFFFF  }
0xc4: {  	_ =	task.clear_ibuf [dreg:s8], $0x2FFFF;
	_ =	strace $0x9FFFFFFF  }
0xc5: {  	(tm) =	ssettm $0x7FFFFFFF  }
tec
execute0_lowered:
.L_overlay_start_1:
0x0: {  	(tag) =	ssettag $0x1  }
0x1: {  	s0 =	rddreg [dreg:$0x0]  }
0x2: {  	s2 =	rddreg [dreg:$0x1]  }
0x3: {  	s3 =	rddreg [dreg:$0x2]  }
0x4: {  	s1 =	rddreg [dreg:$0x3]  }
0x5: {  	s5 =	simm.s32 $0x0;
	s4 =	srdreg.scid;
	s9 =	stileid.u32  }
0x6: {  	s18 =	simm.s32 $0x200;
	s19 =	simm.s32 $0x400;
	s20 =	simm.s32 $0xBC00  }
0x7: {  	s28 =	simm.s32 $0x4;
	s29 =	simm.s32 $0x14000;
	[smem:$0x7FF] =	sst s5  }
0x8: {  	s4 =	sand.u32 $0x1, s4;
	s21 =	sshll.u32 s9, $0xC;
	s8 =	sshll.u32 s9, $0x1  }
0x9: {  	s22 =	sshll.u32 s9, $0xF;
	s23 =	sshll.u32 s9, $0x6;
	s11 =	sadd.s32 $0x40, s3  }
0xa: {  	_ =	strace $0x80000047;
	s6 =	ssub.s32 $0x2, s4;
	s5 =	sadd.s32 s21, s0  }
0xb: {  	s4 =	sor.u32 s4, s8;
	s12 =	sadd.s32 s22, s1;
	s24 =	sor.u32 $0x1C07, s23  }
0xc: {  	s22 =	simm.s32 $0xFC00;
	s7 =	sshrl.u32 s6, $0x1;
	s8 =	smul.u32 $0x180, s4  }
0xd: {  	s5 =	sadd.s32 $0x3000, s5;
	[dreg:$0x6] =	wrdreg s24;
	s25 =	sshll.u32 s4, $0x11  }
0xe: {  	s26 =	sshll.u32 s4, $0xD;
	s4 =	sshll.u32 s4, $0x5;
	[dreg:$0x5] =	wrdreg s5  }
0xf: {  	s31 =	sshrl.u32 s12, $0x3;
	s6 =	ssub.s32 s6, s7;
	[dreg:$0x8] =	wrdreg s4  }
0x10: {  	s7 =	sadd.s32 s2, s25;
	s2 =	sadd.s32 $0x40, s2;
	[dreg:$0xc] =	wrdreg s31  }
0x11: {  	s23 =	simm.s32 $0x1;
	s0 =	sadd.s32 s0, s8;
	[dreg:$0x9] =	wrdreg s2  }
0x12: {  	s24 =	simm.s32 $0x3;
	s30 =	smax.u32 s6, $0x1;
	[dreg:$0x7] =	wrdreg s0  }
0x13: {  	v1 =	vlaneseq.u32;
	s25 =	simm.s32 $0x13C00;
	s0 =	sadd.s32 s3, s26;
	[dreg:$0xb] =	wrdreg s30  }
0x14: {  	v0 =	vimm.s32 $0x0;
	v1 =	vmul.u32 $0x2, v1;
	s26 =	simm.s32 $0x2;
	s3 =	simm.s32 $0x0;
	[dreg:$0xa] =	wrdreg s0  }
.LBB2_1:
0x15: {  	[dreg:$0xd] =	wrdreg s3  }
0x16: {  	s0 =	rddreg [dreg:$0x5]  }
0x17: {  	s2 =	rddreg [dreg:$0x6]  }
0x18: {  	s15 =	rddreg [dreg:$0xc];
	s16 =	simm.s32 $0x7  }
0x19: {  	[spmem:s15], [sflag:s2] =	dma.local [hbm:s0], $0x1000  }
0x1a: {  	_ =	swait.ge [sflag:s16], $0x1000  }
0x1b: {  	s17 =	simm.s32 $0x0;
	[sflag:s16] =	ssyncset.done $0x0  }
0x1c: {  	s4 =	simm.s32 $0x8000;
	s21 =	rddreg [dreg:$0x7];
	[sflag:s16] =	ssyncadd.s32 $0xFFFFF000  }
0x1d: {  	[tilespmem:s4], [sflag:$0x7] =	stream.linear.gather [hbm4b:s21+s17], $0xC00, $0x38;
	[tilespmem:$0x14400] =	vst v63  }
0x1e: {  	_ =	swait.ge [sflag:s16], $0xC00  }
0x1f: {  	[sflag:s16] =	ssyncset.done $0x0  }
0x20: {  	[sflag:s16] =	ssyncadd.s32 $0xFFFFF400  }
0x21: {  	s30 =	simm.s32 $0x30;
	s31 =	simm.s32 $0x8C00;
	[bflag:$0x0] =	sbarrier.arrive $0xFFFF  }
0x22: {  	[tilespmem:s31], [sflag:$0x1] =	stream.indirect.gather [spmem:s1], $0x80, s4, s30, $0xb8;
	[tilespmem:$0x14400] =	vst v63  }
0x23: {  	s2 =	simm.s32 $0x0  }
0x24: {  	[tilespmem:s20], [sflag:$0x3] =	stream.strided.gather [hbm4b:s7+s18], $0x4000, s19, s18, $0x38;
	[tilespmem:$0x14400] =	vst v63  }
.LBB2_2:
0x25: {  	s0 =	smul.u32 $0x180, s2;
	_ =	sdelay $0x1  }
0x26: {  	s3 =	simm.s32 $0x30;
	s30 =	rddreg [dreg:$0x8];
	s0 =	sshra.s32 s0, $0x2  }
0x27: {  	s4 =	simm.s32 $0xA400;
	s17 =	sadd.s32 s30, s2;
	s0 =	sadd.s32 $0x8030, s0  }
0x28: {  	[tilespmem:s4], [sflag:$0x2] =	stream.indirect.gather [spmem:s1], $0x80, s0, s3, $0xb8;
	[tilespmem:$0x14400] =	vst v63  }
0x29: {  	s31 =	rddreg [dreg:$0x9];
	s0 =	sshll.u32 s17, $0xC  }
0x2a: {  	s0 =	sadd.s32 s0, s31  }
0x2b: {  	[tilespmem:s22], [sflag:$0x4] =	stream.strided.gather [hbm4b:s0+s18], $0x4000, s19, s18, $0x38;
	[tilespmem:$0x14400] =	vst v63  }
0x2c: {  	_ =	swait.ge [sflag:s23], $0x1800  }
0x2d: {  	[sflag:s23] =	ssyncset.done $0x0  }
0x2e: {  	[sflag:s23] =	ssyncadd.s32 $0xFFFFE800  }
0x2f: {  	p0 =	seq.s32 s2, $0x0;
	s0 =	simm.s32 $0x0;
	_ =	swait.ge [sflag:s24], $0x4000  }
0x30: {  	s4 =	simm.s32 $0x0;
	s6 =	smul.u32 $0x1800, s0;
	[sflag:s24] =	ssyncset.done $0x0  }
0x31: {  	s5 =	simm.s32 @!p0 $0x5;
	s13 =	sand.u32 $0x6, s4;
	[sflag:s24] =	ssyncadd.s32 $0xFFFFC000  }
0x32: {  	s4 =	sor.u32 $0x1, s13;
	s16 =	sshra.s32 s6, $0x2;
	_ =	swait.ge @!p0 [sflag:s5], $0x400  }
0x33: {  	s21 =	sshll.u32 s4, $0x4;
	s12 =	sadd.s32 $0x8C00, s16;
	[sflag:s5] =	ssyncset.done @!p0 $0x0  }
0x34: {  	s6 =	sor.u32 s21, s12;
	[sflag:s5] =	ssyncadd.s32 @!p0 $0xFFFFFC00  }
0x35: {  	v4 =	vld [tilespmem:s6+$0x180]  }
0x36: {  	s3 =	sadd.s32 $0x9180, s16;
	v5 =	vld [tilespmem:s6+$0x0]  }
0x37: {  	s8 =	sor.u32 s21, s3;
	v6 =	vld [tilespmem:s6+$0x100]  }
0x38: {  	s30 =	sshll.u32 s13, $0x5;
	s15 =	sadd.s32 $0x8E00, s16;
	v9 =	vld [tilespmem:s8+$0x0]  }
0x39: {  	v2 =	vmov s30;
	v3 =	vor.u32 s30, v1;
	s9 =	sor.u32 $0x1, s30;
	s30 =	sadd.s32 $0x8F00, s16;
	s31 =	sor.u32 s21, s15;
	v10 =	vld [tilespmem:s6+$0x80]  }
0x3a: {  	v13 =	vmov s0;
	v8 =	vand.u32 $0x5E, v3;
	s10 =	sor.u32 s21, s30;
	s5 =	sadd.s32 $0x8F80, s16;
	v12 =	vld [tilespmem:s31+$0x0]  }
0x3b: {  	s4 =	sshll.u32 s4, $0x5;
	v2 =	vshll.u32 v2, $0x2;
	v3 =	vmov s9;
	v11 =	vor.u32 s9, v1;
	s0 =	sadd.s32 $0x8E80, s16;
	s14 =	sor.u32 s21, s5;
	v14 =	vld [tilespmem:s10+$0x0]  }
0x3c: {  	v16 =	vmov s4;
	v18 =	vor.u32 s4, v1;
	v3 =	vshll.u32 v3, $0x2;
	s9 =	sadd.s32 $0x9080, s16;
	s8 =	sor.u32 s21, s0;
	v7 =	vld [tilespmem:s14+$0x0]  }
0x3d: {  	v2 =	vand.u32 $0x200, v2;
	v15 =	vand.u32 $0x200, v3;
	v3 =	vshll.u32 v13, $0x7;
	s6 =	sadd.s32 $0x9100, s16;
	s10 =	sor.u32 s21, s9;
	v17 =	vld [tilespmem:s8+$0x0]  }
0x3e: {  	v11 =	vand.u32 $0x5F, v11;
	v16 =	vshll.u32 v16, $0x2;
	v3 =	vand.u32 $0x180, v3;
	s31 =	sadd.s32 $0x9000, s16;
	s14 =	sor.u32 s21, s6;
	v19 =	vld [tilespmem:s10+$0x0]  }
0x3f: {  	v18 =	vand.u32 $0x7E, v18;
	v16 =	vand.u32 $0x200, v16;
	v3 =	vbroadcast v3, $0x0;
	s16 =	sor.u32 s21, s31;
	v13 =	vld [tilespmem:s14+$0x0]  }
0x40: {  	v2 =	vor.u32 v2, v8;
	v8 =	vor.u32 v15, v11;
	v15 =	vor.u32 v16, v18;
	v11 =	vld [tilespmem:s16+$0x0]  }
0x41: {  	v6 =	vshll.u32 v6, $0x2;
	v16 =	vshll.u32 v4, $0x3;
	v4 =	vor.u32 v3, v15  }
0x42: {  	v10 =	vshll.u32 v10, $0x1;
	v9 =	vshll.u32 v9, $0x3;
	v14 =	vshll.u32 v14, $0x2  }
0x43: {  	v7 =	vshll.u32 v7, $0x3;
	v15 =	vshll.u32 v17, $0x1;
	v5 =	vadd.s32 v5, v10  }
0x44: {  	v13 =	vshll.u32 v13, $0x2;
	v10 =	vadd.s32 v12, v15;
	v12 =	vshll.u32 v19, $0x1  }
0x45: {  	v5 =	vadd.s32 v6, v5;
	v6 =	vadd.s32 v14, v10;
	v10 =	vadd.s32 v11, v12  }
0x46: {  	v5 =	vadd.s32 v16, v5;
	v6 =	vadd.s32 v7, v6;
	v7 =	vadd.s32 v13, v10  }
0x47: {  	v10 =	vshrl.u32 v5, $0x1C;
	v11 =	vshrl.u32 v5, $0x10;
	v12 =	vshrl.u32 v5, $0x14  }
0x48: {  	v20 =	vand.u32 $0xF, v5;
	v21 =	vshrl.u32 v5, $0xC;
	v24 =	vshrl.u32 v5, $0x8  }
0x49: {  	v7 =	vadd.s32 v9, v7;
	v9 =	vshrl.u32 v5, $0x18;
	v13 =	vshrl.u32 v6, $0x18  }
0x4a: {  	v14 =	vshrl.u32 v6, $0x14;
	v17 =	vshrl.u32 v6, $0xC;
	v19 =	vshrl.u32 v6, $0x10  }
0x4b: {  	v23 =	vand.u32 $0x70, v6;
	v5 =	vshrl.u32 v5, $0x4;
	v26 =	vshrl.u32 v6, $0x8  }
0x4c: {  	v28 =	vshll.u32 v6, $0x4;
	v29 =	vand.u32 $0x80, v6;
	v6 =	vshrl.u32 v6, $0x4  }
0x4d: {  	v11 =	vand.u32 $0xF, v11;
	v21 =	vand.u32 $0xF, v21;
	v24 =	vand.u32 $0xF, v24  }
0x4e: {  	v12 =	vand.u32 $0xF, v12;
	v15 =	vshrl.u32 v7, $0x10;
	v16 =	vshrl.u32 v7, $0x14  }
0x4f: {  	v18 =	vshrl.u32 v7, $0x8;
	v22 =	vshrl.u32 v7, $0xC;
	v25 =	vand.u32 $0xF00, v7  }
0x50: {  	v27 =	vshrl.u32 v7, $0x4;
	v30 =	vshll.u32 v7, $0x8;
	v7 =	vshll.u32 v7, $0x4  }
0x51: {  	v31 =	vand.u32 $0x70, v13;
	v9 =	vand.u32 $0xF, v9;
	v32 =	vand.u32 $0x70, v14  }
0x52: {  	v33 =	vand.u32 $0x70, v26;
	v34 =	vand.u32 $0x70, v17;
	v35 =	vand.u32 $0x70, v6  }
0x53: {  	v26 =	vand.u32 $0x80, v26;
	v36 =	vand.u32 $0x70, v28;
	v5 =	vand.u32 $0xF, v5  }
0x54: {  	v28 =	vand.u32 $0x80, v28;
	v6 =	vand.u32 $0x80, v6;
	v14 =	vand.u32 $0x80, v14  }
0x55: {  	v17 =	vand.u32 $0x80, v17;
	v27 =	vand.u32 $0xF00, v27;
	v30 =	vand.u32 $0xF00, v30  }
0x56: {  	v7 =	vand.u32 $0xF00, v7;
	v24 =	vor.u32 v35, v24;
	v21 =	vor.u32 v33, v21  }
0x57: {  	v20 =	vor.u32 v36, v20;
	v5 =	vor.u32 v23, v5;
	v6 =	vor.u32 v6, v25  }
0x58: {  	s13 =	sshll.u32 s13, $0x4;
	v15 =	vand.u32 $0xF00, v15;
	v18 =	vand.u32 $0xF00, v18;
	v28 =	vor.u32 v28, v30  }
0x59: {  	s9 =	sor.u32 s13, s9;
	v26 =	vor.u32 v26, v27;
	v7 =	vor.u32 v29, v7;
	v42 =	vshll.u32 v28, $0x2  }
0x5a: {  	v43 =	vld [tilespmem:s9+$0x0];
	s14 =	sor.u32 s13, s15;
	v6 =	vshll.u32 v6, $0x2;
	v7 =	vshll.u32 v7, $0x2;
	v20 =	vor.u32 v20, v42  }
0x5b: {  	s15 =	sor.u32 s13, s30;
	v45 =	vld [tilespmem:s14+$0x0];
	v14 =	vor.u32 v14, v15;
	v5 =	vor.u32 v5, v7;
	v20 =	vor.u32 v3, v20  }
0x5c: {  	s16 =	sor.u32 s13, s31;
	v46 =	vld [tilespmem:s15+$0x0];
	v6 =	vor.u32 v24, v6;
	v23 =	vshll.u32 v26, $0x2;
	v5 =	vor.u32 v3, v5  }
0x5d: {  	s0 =	sor.u32 s13, s0;
	v15 =	vor.u32 v17, v18;
	v18 =	vld [tilespmem:s16+$0x0];
	v6 =	vor.u32 v3, v6;
	v21 =	vor.u32 v21, v23  }
0x5e: {  	s10 =	sor.u32 s13, s12;
	v44 =	vand.u32 $0x70, v19;
	v19 =	vand.u32 $0x80, v19;
	v7 =	vld [tilespmem:s0+$0x0];
	v21 =	vor.u32 v3, v21  }
0x5f: {  	v16 =	vand.u32 $0xF00, v16;
	v22 =	vand.u32 $0xF00, v22;
	v11 =	vor.u32 v34, v11;
	v23 =	vld [tilespmem:s10+$0x80]  }
0x60: {  	v9 =	vor.u32 v32, v9;
	v10 =	vor.u32 v31, v10;
	v12 =	vor.u32 v44, v12;
	v20 =	vld.idx.msk [tilespmem:v20+s20+$0x0], $0xffff  }
0x61: {  	v13 =	vor.u32 v13, v16;
	v16 =	vor.u32 v19, v22;
	v14 =	vshll.u32 v14, $0x2;
	v5 =	vld.idx.msk [tilespmem:v5+s20+$0x0], $0xffff  }
0x62: {  	v15 =	vshll.u32 v15, $0x2;
	v16 =	vshll.u32 v16, $0x2;
	v13 =	vshll.u32 v13, $0x2;
	v6 =	vld.idx.msk [tilespmem:v6+s20+$0x0], $0xffff  }
0x63: {  	s6 =	sor.u32 s13, s6;
	v11 =	vor.u32 v11, v15;
	v9 =	vor.u32 v9, v14;
	v13 =	vand.u32 $0x3E00, v13;
	v17 =	vld.idx.msk [tilespmem:v21+s20+$0x0], $0xffff  }
0x64: {  	v14 =	vld [tilespmem:s6+$0x0];
	v12 =	vor.u32 v12, v16;
	v11 =	vor.u32 v3, v11;
	v10 =	vor.u32 v13, v10  }
0x65: {  	v15 =	vld [tilespmem:s10+$0x0];
	v9 =	vor.u32 v3, v9;
	v10 =	vor.u32 v3, v10;
	v7 =	vshll.u32 v7, $0x1  }
0x66: {  	vm0 =	vgt.f32 v20, $5.000000000e-01;
	vm1 =	vgt.f32 v5, $5.000000000e-01;
	v5 =	vor.u32 v3, v12;
	v12 =	vld [tilespmem:s10+$0x100]  }
0x67: {  	s5 =	sor.u32 s13, s5;
	v20 =	vld [tilespmem:s10+$0x180];
	v16 =	vsel vm0, $0x1, v0;
	v19 =	vsel vm1, $0x100, v0;
	vm0 =	vgt.f32 v6, $5.000000000e-01  }
0x68: {  	s3 =	sor.u32 s13, s3;
	v6 =	vld [tilespmem:s5+$0x0];
	v16 =	vor.u32 v16, v19;
	v19 =	vsel vm0, $0x10000, v0;
	vm0 =	vgt.f32 v17, $5.000000000e-01  }
0x69: {  	v14 =	vshll.u32 v14, $0x2;
	v17 =	vld [tilespmem:s3+$0x0];
	v16 =	vor.u32 v19, v16;
	v19 =	vsel vm0, $0x1000000, v0  }
0x6a: {  	v7 =	vadd.s32 v45, v7;
	s3 =	simm.s32 $0x2;
	v13 =	vor.u32 v19, v16;
	v19 =	vshll.u32 v43, $0x1  }
0x6b: {  	s12 =	sand.u32 $0x6, s3;
	v16 =	vshll.u32 v23, $0x1;
	[tilespmem:v4+s25+$0x0] =	vst.idx.msk $0xffff, v13;
	v4 =	vshll.u32 v46, $0x2;
	v13 =	vadd.s32 v18, v19  }
0x6c: {  	s5 =	sor.u32 $0x1, s12;
	v15 =	vadd.s32 v15, v16;
	v12 =	vshll.u32 v12, $0x2;
	v4 =	vadd.s32 v4, v7  }
0x6d: {  	s16 =	sshll.u32 s5, $0x4;
	s5 =	sshll.u32 s5, $0x5;
	v7 =	vadd.s32 v14, v13;
	v6 =	vshll.u32 v6, $0x3;
	v14 =	vshll.u32 v20, $0x3  }
0x6e: {  	s21 =	sor.u32 $0x1, s4;
	v48 =	vmov s5;
	v50 =	vor.u32 s5, v1;
	v13 =	vshll.u32 v17, $0x3  }
0x6f: {  	v11 =	vld.idx.msk [tilespmem:v11+s20+$0x0], $0xffff;
	v4 =	vadd.s32 v6, v4;
	v6 =	vmov s21;
	v25 =	vshll.u32 v48, $0x2  }
0x70: {  	v27 =	vand.u32 $0x7E, v50;
	v13 =	vadd.s32 v13, v7;
	v7 =	vld.idx.msk [tilespmem:v10+s20+$0x0], $0xffff;
	v10 =	vadd.s32 v12, v15  }
0x71: {  	v5 =	vld.idx.msk [tilespmem:v5+s20+$0x0], $0xffff;
	v12 =	vor.u32 s21, v1;
	v6 =	vshll.u32 v6, $0x2;
	v15 =	vshll.u32 v4, $0x4  }
0x72: {  	v20 =	vshrl.u32 v4, $0x8;
	v22 =	vshrl.u32 v4, $0x14;
	v12 =	vand.u32 $0x7F, v12  }
0x73: {  	v9 =	vld.idx.msk [tilespmem:v9+s20+$0x0], $0xffff;
	v6 =	vand.u32 $0x200, v6;
	v16 =	vshll.u32 v13, $0x8;
	v14 =	vadd.s32 v14, v10  }
0x74: {  	v19 =	vand.u32 $0xF00, v13;
	v21 =	vshrl.u32 v13, $0x4;
	v23 =	vshrl.u32 v13, $0x10  }
0x75: {  	v6 =	vor.u32 v6, v12;
	v10 =	vshrl.u32 v14, $0x4;
	v12 =	vshrl.u32 v4, $0x4  }
0x76: {  	v18 =	vshrl.u32 v14, $0x8;
	vm0 =	vgt.f32 v11, $5.000000000e-01;
	vm1 =	vgt.f32 v5, $5.000000000e-01  }
0x77: {  	v10 =	vand.u32 $0xF, v10;
	v17 =	vand.u32 $0x80, v12;
	v12 =	vand.u32 $0x70, v12  }
0x78: {  	v5 =	vsel vm0, $0x1, v0;
	v11 =	vsel vm1, $0x100, v0;
	vm0 =	vgt.f32 v9, $5.000000000e-01  }
0x79: {  	v5 =	vor.u32 v5, v11;
	v9 =	vsel vm0, $0x10000, v0;
	vm0 =	vgt.f32 v7, $5.000000000e-01  }
0x7a: {  	v11 =	vshll.u32 v13, $0x4;
	v5 =	vor.u32 v9, v5;
	v7 =	vsel vm0, $0x1000000, v0  }
0x7b: {  	v9 =	vand.u32 $0x80, v15;
	v11 =	vand.u32 $0xF00, v11;
	v15 =	vand.u32 $0x70, v15  }
0x7c: {  	v7 =	vor.u32 v7, v5;
	v5 =	vand.u32 $0xF00, v16;
	v16 =	vand.u32 $0x70, v4  }
0x7d: {  	v5 =	vor.u32 v9, v5;
	v9 =	vand.u32 $0x80, v4;
	v10 =	vor.u32 v16, v10  }
0x7e: {  	v16 =	vand.u32 $0xF, v18;
	v18 =	vand.u32 $0xF00, v21;
	v21 =	vshrl.u32 v14, $0x14  }
0x7f: {  	v9 =	vor.u32 v9, v11;
	v11 =	vand.u32 $0xF, v14;
	v5 =	vshll.u32 v5, $0x2  }
0x80: {  	v9 =	vshll.u32 v9, $0x2;
	v11 =	vor.u32 v15, v11;
	v15 =	vor.u32 v17, v19  }
0x81: {  	v17 =	vand.u32 $0x80, v20;
	v5 =	vor.u32 v11, v5;
	v11 =	vshrl.u32 v14, $0xC  }
0x82: {  	v9 =	vor.u32 v10, v9;
	v10 =	vor.u32 v12, v16;
	v12 =	vshll.u32 v15, $0x2  }
0x83: {  	v15 =	vor.u32 v17, v18;
	v16 =	vand.u32 $0x70, v20;
	v17 =	vshrl.u32 v13, $0xC  }
0x84: {  	v20 =	vshrl.u32 v14, $0x10;
	v11 =	vand.u32 $0xF, v11;
	v5 =	vor.u32 v3, v5  }
0x85: {  	v9 =	vor.u32 v3, v9;
	v10 =	vor.u32 v10, v12;
	v12 =	vshll.u32 v15, $0x2  }
0x86: {  	v15 =	vshrl.u32 v13, $0x8;
	v17 =	vand.u32 $0xF00, v17;
	v13 =	vshrl.u32 v13, $0x14  }
0x87: {  	v20 =	vand.u32 $0xF, v20;
	v10 =	vor.u32 v3, v10;
	v11 =	vor.u32 v16, v11  }
0x88: {  	v16 =	vshrl.u32 v4, $0x10;
	v15 =	vand.u32 $0xF00, v15;
	v13 =	vand.u32 $0xF00, v13  }
0x89: {  	v11 =	vor.u32 v11, v12;
	v12 =	vshrl.u32 v4, $0xC;
	v19 =	vand.u32 $0x80, v16  }
0x8a: {  	v16 =	vand.u32 $0x70, v16;
	v4 =	vshrl.u32 v4, $0x18;
	v11 =	vor.u32 v3, v11;
	v5 =	vld.idx.msk [tilespmem:v5+s20+$0x0], $0xffff  }
0x8b: {  	v18 =	vand.u32 $0x80, v12;
	v17 =	vor.u32 v19, v17;
	v12 =	vand.u32 $0x70, v12;
	v9 =	vld.idx.msk [tilespmem:v9+s20+$0x0], $0xffff  }
0x8c: {  	v19 =	vand.u32 $0x80, v22;
	v13 =	vor.u32 v4, v13;
	v4 =	vand.u32 $0x70, v4  }
0x8d: {  	v15 =	vor.u32 v18, v15;
	v18 =	vand.u32 $0xF, v21;
	v21 =	vand.u32 $0xF00, v23  }
0x8e: {  	v23 =	vshrl.u32 v14, $0x18;
	v13 =	vshll.u32 v13, $0x2;
	v15 =	vshll.u32 v15, $0x2;
	v10 =	vld.idx.msk [tilespmem:v10+s20+$0x0], $0xffff  }
0x8f: {  	s0 =	simm.s32 $0x0;
	v16 =	vor.u32 v16, v18;
	v11 =	vld.idx.msk [tilespmem:v11+s20+$0x0], $0xffff;
	vm0 =	vgt.f32 v5, $5.000000000e-01;
	v5 =	vor.u32 v12, v20  }
0x90: {  	s30 =	smul.u32 $0x1800, s0;
	v12 =	vshll.u32 v17, $0x2;
	v17 =	vsel vm0, $0x1, v0;
	vm0 =	vgt.f32 v9, $5.000000000e-01  }
0x91: {  	s31 =	sshll.u32 s12, $0x5;
	v5 =	vor.u32 v5, v15;
	v15 =	vor.u32 v16, v12;
	v12 =	vor.u32 v3, v2  }
0x92: {  	s14 =	sshra.s32 s30, $0x2;
	v2 =	vshrl.u32 v14, $0x1C;
	v14 =	vmov s31;
	v9 =	vsel vm0, $0x100, v0  }
0x93: {  	s4 =	sadd.s32 $0x8C00, s14;
	vm0 =	vgt.f32 v10, $5.000000000e-01;
	v10 =	vor.u32 v19, v21;
	v14 =	vshll.u32 v14, $0x2  }
0x94: {  	s15 =	sadd.s32 $0x9180, s14;
	s8 =	sor.u32 s16, s4;
	v9 =	vor.u32 v17, v9;
	v17 =	vsel vm0, $0x10000, v0;
	vm0 =	vgt.f32 v11, $5.000000000e-01  }
0x95: {  	s10 =	sor.u32 s16, s15;
	v18 =	vld [tilespmem:s8+$0x180];
	v2 =	vor.u32 v4, v2;
	v9 =	vor.u32 v17, v9;
	v11 =	vsel vm0, $0x1000000, v0  }
0x96: {  	s30 =	sadd.s32 $0x8E00, s14;
	v20 =	vld [tilespmem:s10+$0x0];
	v17 =	vand.u32 $0x70, v22;
	v9 =	vor.u32 v11, v9;
	v11 =	vand.u32 $0xF, v23  }
0x97: {  	s21 =	sor.u32 s16, s30;
	v19 =	vld [tilespmem:s8+$0x0];
	v16 =	vshll.u32 v10, $0x2;
	v10 =	vor.u32 v3, v5;
	v17 =	vor.u32 v17, v11  }
0x98: {  	s6 =	sadd.s32 $0x8F80, s14;
	v21 =	vld [tilespmem:s21+$0x0];
	v5 =	vor.u32 v17, v16;
	v16 =	vand.u32 $0x3E00, v13;
	v13 =	vor.u32 s31, v1  }
0x99: {  	s9 =	sor.u32 s16, s6;
	v14 =	vand.u32 $0x200, v14;
	v11 =	vor.u32 v3, v15;
	v15 =	vld [tilespmem:s8+$0x100];
	v4 =	vand.u32 $0x5E, v13  }
0x9a: {  	s13 =	sor.u32 $0x1, s31;
	v17 =	vld [tilespmem:s9+$0x0];
	s31 =	sadd.s32 $0x8F00, s14;
	v13 =	vor.u32 v3, v5;
	v2 =	vor.u32 v16, v2;
	v5 =	vor.u32 v14, v4  }
0x9b: {  	v16 =	vld [tilespmem:s8+$0x80];
	s9 =	sor.u32 s16, s31;
	v14 =	vor.u32 v3, v2;
	v2 =	vmov s13;
	v4 =	vor.u32 s13, v1;
	s13 =	sadd.s32 $0x9100, s14  }
0x9c: {  	v25 =	vand.u32 $0x200, v25;
	v23 =	vld [tilespmem:s9+$0x0];
	v22 =	vand.u32 $0x5F, v4;
	v4 =	vmov s0;
	s0 =	sadd.s32 $0x8E80, s14;
	s10 =	sor.u32 s16, s13  }
0x9d: {  	v6 =	vor.u32 v3, v6;
	v18 =	vshll.u32 v18, $0x3;
	v20 =	vshll.u32 v20, $0x3;
	v47 =	vld [tilespmem:s10+$0x0];
	s9 =	sor.u32 s16, s0  }
0x9e: {  	s21 =	sadd.s32 $0x9080, s14;
	v3 =	vor.u32 v3, v8;
	v2 =	vshll.u32 v2, $0x2;
	v4 =	vshll.u32 v4, $0x7;
	v49 =	vld [tilespmem:s9+$0x0]  }
0x9f: {  	v2 =	vand.u32 $0x200, v2;
	s10 =	sor.u32 s16, s21;
	v15 =	vshll.u32 v15, $0x2;
	v4 =	vand.u32 $0x180, v4  }
0xa0: {  	s14 =	sadd.s32 $0x9000, s14;
	v51 =	vld [tilespmem:s10+$0x0];
	v2 =	vor.u32 v2, v22;
	v4 =	vbroadcast v4, $0x0;
	v16 =	vshll.u32 v16, $0x1  }
0xa1: {  	s16 =	sor.u32 s16, s14;
	v22 =	vor.u32 v25, v27;
	v17 =	vshll.u32 v17, $0x3;
	v16 =	vadd.s32 v19, v16  }
0xa2: {  	v52 =	vld [tilespmem:s16+$0x0];
	v23 =	vshll.u32 v23, $0x2;
	v8 =	vor.u32 v4, v22;
	v15 =	vadd.s32 v15, v16  }
0xa3: {  	v24 =	vshll.u32 v47, $0x2;
	v15 =	vadd.s32 v18, v15;
	v22 =	vshll.u32 v49, $0x1  }
0xa4: {  	v18 =	vshrl.u32 v15, $0x18;
	v56 =	vand.u32 $0xF, v15;
	v57 =	vshrl.u32 v15, $0xC  }
0xa5: {  	v60 =	vshrl.u32 v15, $0x8;
	v19 =	vadd.s32 v21, v22;
	v21 =	vshll.u32 v51, $0x1  }
0xa6: {  	v18 =	vand.u32 $0xF, v18;
	v30 =	vand.u32 $0xF, v57;
	v33 =	vand.u32 $0xF, v60  }
0xa7: {  	v16 =	vadd.s32 v23, v19;
	v19 =	vadd.s32 v52, v21;
	v21 =	vshrl.u32 v15, $0x14  }
0xa8: {  	v16 =	vadd.s32 v17, v16;
	v17 =	vadd.s32 v24, v19;
	v19 =	vshrl.u32 v15, $0x1C  }
0xa9: {  	v21 =	vand.u32 $0xF, v21;
	v17 =	vadd.s32 v20, v17;
	v20 =	vshrl.u32 v15, $0x10  }
0xaa: {  	v22 =	vshrl.u32 v16, $0x18;
	v23 =	vshrl.u32 v16, $0x14;
	v53 =	vshrl.u32 v16, $0xC  }
0xab: {  	v55 =	vshrl.u32 v16, $0x10;
	v59 =	vand.u32 $0x70, v16;
	v15 =	vshrl.u32 v15, $0x4  }
0xac: {  	v62 =	vshrl.u32 v16, $0x8;
	v37 =	vshll.u32 v16, $0x4;
	v38 =	vand.u32 $0x80, v16  }
0xad: {  	v16 =	vshrl.u32 v16, $0x4;
	v24 =	vshrl.u32 v17, $0x10;
	v25 =	vshrl.u32 v17, $0x14  }
0xae: {  	v54 =	vshrl.u32 v17, $0x8;
	v58 =	vshrl.u32 v17, $0xC;
	v61 =	vand.u32 $0xF00, v17  }
0xaf: {  	v63 =	vshrl.u32 v17, $0x4;
	v39 =	vshll.u32 v17, $0x8;
	v17 =	vshll.u32 v17, $0x4  }
0xb0: {  	v40 =	vand.u32 $0x70, v22;
	v20 =	vand.u32 $0xF, v20;
	v41 =	vand.u32 $0x70, v23  }
0xb1: {  	v42 =	vand.u32 $0x70, v62;
	v43 =	vand.u32 $0x70, v53;
	v44 =	vand.u32 $0x70, v16  }
0xb2: {  	v35 =	vand.u32 $0x80, v62;
	v45 =	vand.u32 $0x70, v37;
	v15 =	vand.u32 $0xF, v15  }
0xb3: {  	v37 =	vand.u32 $0x80, v37;
	v16 =	vand.u32 $0x80, v16;
	v51 =	vand.u32 $0x70, v55  }
0xb4: {  	v23 =	vand.u32 $0x80, v23;
	v26 =	vand.u32 $0x80, v53;
	v28 =	vand.u32 $0x80, v55  }
0xb5: {  	v36 =	vand.u32 $0xF00, v63;
	v39 =	vand.u32 $0xF00, v39;
	v17 =	vand.u32 $0xF00, v17  }
0xb6: {  	v33 =	vor.u32 v44, v33;
	v30 =	vor.u32 v42, v30;
	v29 =	vor.u32 v45, v56  }
0xb7: {  	s8 =	sshll.u32 s12, $0x4;
	v15 =	vor.u32 v59, v15;
	v16 =	vor.u32 v16, v61;
	v37 =	vor.u32 v37, v39  }
0xb8: {  	s9 =	sor.u32 s8, s30;
	v24 =	vand.u32 $0xF00, v24;
	v17 =	vor.u32 v38, v17;
	v47 =	vshll.u32 v37, $0x2  }
0xb9: {  	s21 =	sor.u32 s8, s21;
	v50 =	vld [tilespmem:s9+$0x0];
	v35 =	vor.u32 v35, v36;
	v17 =	vshll.u32 v17, $0x2;
	v29 =	vor.u32 v29, v47  }
0xba: {  	s12 =	sor.u32 s8, s14;
	s14 =	sor.u32 s8, s13;
	v49 =	vld [tilespmem:s21+$0x0];
	v16 =	vshll.u32 v16, $0x2;
	v15 =	vor.u32 v15, v17;
	v29 =	vor.u32 v4, v29  }
0xbb: {  	s10 =	sor.u32 s8, s31;
	v57 =	vld [tilespmem:s14+$0x0];
	v16 =	vor.u32 v33, v16;
	v48 =	vshll.u32 v35, $0x2;
	v15 =	vor.u32 v4, v15  }
0xbc: {  	v52 =	vld [tilespmem:s10+$0x0];
	v25 =	vand.u32 $0xF00, v25;
	v16 =	vor.u32 v4, v16;
	v30 =	vor.u32 v30, v48  }
0xbd: {  	s21 =	sor.u32 s8, s4;
	v53 =	vld [tilespmem:s12+$0x0];
	v27 =	vand.u32 $0xF00, v54;
	v31 =	vand.u32 $0xF00, v58;
	v30 =	vor.u32 v4, v30  }
0xbe: {  	v20 =	vor.u32 v43, v20;
	v18 =	vor.u32 v41, v18;
	v19 =	vor.u32 v40, v19;
	v58 =	vld [tilespmem:s21+$0x80]  }
0xbf: {  	v21 =	vor.u32 v51, v21;
	v23 =	vor.u32 v23, v24;
	v22 =	vor.u32 v22, v25;
	v29 =	vld.idx.msk [tilespmem:v29+s20+$0x0], $0xffff  }
0xc0: {  	v54 =	vor.u32 v26, v27;
	v55 =	vor.u32 v28, v31;
	v23 =	vshll.u32 v23, $0x2;
	v15 =	vld.idx.msk [tilespmem:v15+s20+$0x0], $0xffff  }
0xc1: {  	v24 =	vshll.u32 v54, $0x2;
	v25 =	vshll.u32 v55, $0x2;
	v22 =	vshll.u32 v22, $0x2;
	v16 =	vld.idx.msk [tilespmem:v16+s20+$0x0], $0xffff  }
0xc2: {  	s0 =	sor.u32 s8, s0;
	v33 =	vshll.u32 v49, $0x1;
	v35 =	vshll.u32 v57, $0x2;
	v20 =	vor.u32 v20, v24;
	v56 =	vld.idx.msk [tilespmem:v30+s20+$0x0], $0xffff  }
0xc3: {  	s16 =	sor.u32 s8, s6;
	v17 =	vld [tilespmem:s0+$0x0];
	v18 =	vor.u32 v18, v23;
	v22 =	vand.u32 $0x3E00, v22;
	v21 =	vor.u32 v21, v25  }
0xc4: {  	s30 =	sor.u32 s8, s15;
	v23 =	vld [tilespmem:s16+$0x0];
	v20 =	vor.u32 v4, v20;
	v18 =	vor.u32 v4, v18;
	v19 =	vor.u32 v22, v19  }
0xc5: {  	vm0 =	vgt.f32 v29, $5.000000000e-01;
	vm1 =	vgt.f32 v15, $5.000000000e-01;
	v15 =	vor.u32 v4, v21;
	v21 =	vld [tilespmem:s30+$0x0]  }
0xc6: {  	v59 =	vsel vm0, $0x1, v0;
	v60 =	vsel vm1, $0x100, v0;
	vm0 =	vgt.f32 v16, $5.000000000e-01;
	v16 =	vld [tilespmem:s21+$0x0]  }
0xc7: {  	v62 =	vld [tilespmem:s21+$0x100];
	v25 =	vor.u32 v59, v60;
	v61 =	vsel vm0, $0x10000, v0;
	vm0 =	vgt.f32 v56, $5.000000000e-01  }
0xc8: {  	v19 =	vor.u32 v4, v19;
	v25 =	vor.u32 v61, v25;
	v63 =	vsel vm0, $0x1000000, v0  }
0xc9: {  	v34 =	vld [tilespmem:s21+$0x180];
	v24 =	vshll.u32 v58, $0x1;
	v17 =	vshll.u32 v17, $0x1;
	v22 =	vor.u32 v63, v25  }
0xca: {  	v23 =	vshll.u32 v23, $0x3;
	v17 =	vadd.s32 v50, v17;
	[tilespmem:v8+s25+$0x0] =	vst.idx.msk $0xffff, v22;
	v8 =	vshll.u32 v52, $0x2  }
0xcb: {  	v22 =	vadd.s32 v53, v33;
	v21 =	vshll.u32 v21, $0x3;
	v16 =	vadd.s32 v16, v24  }
0xcc: {  	s31 =	sor.u32 $0x1, s5;
	v8 =	vadd.s32 v8, v17;
	v17 =	vadd.s32 v35, v22;
	v22 =	vshll.u32 v62, $0x2  }
0xcd: {  	v8 =	vadd.s32 v23, v8;
	v17 =	vadd.s32 v21, v17;
	v21 =	vmov s31  }
0xce: {  	v16 =	vadd.s32 v22, v16;
	v22 =	vor.u32 s31, v1;
	v23 =	vshll.u32 v34, $0x3  }
0xcf: {  	v20 =	vld.idx.msk [tilespmem:v20+s20+$0x0], $0xffff;
	v21 =	vshll.u32 v21, $0x2;
	v22 =	vand.u32 $0x7F, v22;
	v36 =	vshll.u32 v8, $0x4  }
0xd0: {  	v15 =	vld.idx.msk [tilespmem:v15+s20+$0x0], $0xffff;
	v37 =	vshll.u32 v17, $0x8;
	v38 =	vand.u32 $0x70, v8;
	v41 =	vand.u32 $0xF00, v17  }
0xd1: {  	v18 =	vld.idx.msk [tilespmem:v18+s20+$0x0], $0xffff;
	v42 =	vshrl.u32 v8, $0x8;
	v43 =	vshrl.u32 v17, $0x4;
	v50 =	vshrl.u32 v17, $0x8  }
0xd2: {  	v51 =	vshrl.u32 v8, $0x10;
	v52 =	vshrl.u32 v17, $0xC;
	v58 =	vshrl.u32 v17, $0x10  }
0xd3: {  	[tilespmem:v12+s25+$0x0] =	vst.idx.msk $0xffff, v9;
	v19 =	vld.idx.msk [tilespmem:v19+s20+$0x0], $0xffff;
	v12 =	vshrl.u32 v8, $0x18;
	v21 =	vand.u32 $0x200, v21;
	v24 =	vand.u32 $0x70, v36  }
0xd4: {  	v46 =	vand.u32 $0x80, v42;
	v47 =	vand.u32 $0xF00, v43;
	v49 =	vand.u32 $0x70, v42  }
0xd5: {  	v21 =	vor.u32 v21, v22;
	vm0 =	vgt.f32 v20, $5.000000000e-01;
	vm1 =	vgt.f32 v15, $5.000000000e-01  }
0xd6: {  	v15 =	vsel vm0, $0x1, v0;
	v20 =	vsel vm1, $0x100, v0;
	vm0 =	vgt.f32 v18, $5.000000000e-01  }
0xd7: {  	v48 =	vor.u32 v46, v47;
	v15 =	vor.u32 v15, v20;
	v18 =	vsel vm0, $0x10000, v0  }
0xd8: {  	vm0 =	vgt.f32 v19, $5.000000000e-01;
	v19 =	vshll.u32 v17, $0x4;
	v18 =	vor.u32 v18, v15  }
0xd9: {  	v20 =	vsel vm0, $0x1000000, v0;
	v15 =	vadd.s32 v23, v16;
	v16 =	vand.u32 $0x80, v36  }
0xda: {  	v19 =	vand.u32 $0xF00, v19;
	v23 =	vshrl.u32 v8, $0x4;
	v22 =	vor.u32 v20, v18  }
0xdb: {  	v18 =	vand.u32 $0xF00, v37;
	v20 =	vshrl.u32 v15, $0x4;
	v39 =	vand.u32 $0x80, v23  }
0xdc: {  	v40 =	vshrl.u32 v15, $0x8;
	v23 =	vand.u32 $0x70, v23;
	v16 =	vor.u32 v16, v18  }
0xdd: {  	v18 =	vand.u32 $0x80, v8;
	v20 =	vand.u32 $0xF, v20;
	v44 =	vor.u32 v39, v41  }
0xde: {  	v45 =	vand.u32 $0xF, v40;
	v18 =	vor.u32 v18, v19;
	v19 =	vand.u32 $0xF, v15  }
0xdf: {  	v16 =	vshll.u32 v16, $0x2;
	v20 =	vor.u32 v38, v20;
	v19 =	vor.u32 v24, v19  }
0xe0: {  	v18 =	vshll.u32 v18, $0x2;
	v16 =	vor.u32 v19, v16;
	v19 =	vshrl.u32 v15, $0xC  }
0xe1: {  	v18 =	vor.u32 v20, v18;
	v20 =	vor.u32 v23, v45;
	v23 =	vshll.u32 v44, $0x2  }
0xe2: {  	v19 =	vand.u32 $0xF, v19;
	v16 =	vor.u32 v4, v16;
	v18 =	vor.u32 v4, v18  }
0xe3: {  	v20 =	vor.u32 v20, v23;
	v23 =	vshll.u32 v48, $0x2;
	v19 =	vor.u32 v49, v19  }
0xe4: {  	v54 =	vand.u32 $0x80, v51;
	v20 =	vor.u32 v4, v20;
	v19 =	vor.u32 v19, v23  }
0xe5: {  	v26 =	vand.u32 $0xF00, v52;
	v25 =	vand.u32 $0x70, v51;
	v19 =	vor.u32 v4, v19  }
0xe6: {  	v32 =	vand.u32 $0xF00, v58;
	v26 =	vor.u32 v54, v26;
	v21 =	vor.u32 v4, v21  }
0xe7: {  	v17 =	vshrl.u32 v17, $0x14;
	v55 =	vshrl.u32 v15, $0x10;
	v23 =	vshrl.u32 v8, $0xC;
	v57 =	vld.idx.msk [tilespmem:v16+s20+$0x0], $0xffff  }
0xe8: {  	v56 =	vshrl.u32 v15, $0x14;
	v24 =	vand.u32 $0xF00, v50;
	v53 =	vand.u32 $0x80, v23;
	v59 =	vld.idx.msk [tilespmem:v18+s20+$0x0], $0xffff  }
0xe9: {  	v29 =	vand.u32 $0xF, v55;
	v24 =	vor.u32 v53, v24;
	v16 =	vshrl.u32 v8, $0x14;
	v60 =	vld.idx.msk [tilespmem:v20+s20+$0x0], $0xffff  }
0xea: {  	v18 =	vand.u32 $0xF00, v17;
	v17 =	vshll.u32 v24, $0x2;
	v20 =	vand.u32 $0x70, v23;
	v61 =	vld.idx.msk [tilespmem:v19+s20+$0x0], $0xffff  }
0xeb: {  	v9 =	vld.idx.msk [tilespmem:v10+s20+$0x0], $0xffff;
	v23 =	vand.u32 $0xF, v56;
	v62 =	vand.u32 $0x80, v16;
	v10 =	vor.u32 v20, v29  }
0xec: {  	v8 =	vld.idx.msk [tilespmem:v11+s20+$0x0], $0xffff;
	v20 =	vshll.u32 v26, $0x2;
	v11 =	vor.u32 v25, v23;
	vm0 =	vgt.f32 v57, $5.000000000e-01  }
0xed: {  	[tilespmem:v6+s25+$0x0] =	vst.idx.msk $0xffff, v7;
	v7 =	vld.idx.msk [tilespmem:v13+s20+$0x0], $0xffff;
	v13 =	vor.u32 v62, v32;
	v63 =	vsel vm0, $0x1, v0;
	vm0 =	vgt.f32 v59, $5.000000000e-01  }
0xee: {  	v19 =	vshrl.u32 v15, $0x18;
	v23 =	vsel vm0, $0x100, v0;
	vm0 =	vgt.f32 v60, $5.000000000e-01  }
0xef: {  	s15 =	sshll.u32 s2, $0x1;
	v6 =	vld.idx.msk [tilespmem:v14+s20+$0x0], $0xffff;
	[tilespmem:v21+s25+$0x0] =	vst.idx.msk $0xffff, v22;
	v14 =	vor.u32 v63, v23;
	v21 =	vsel vm0, $0x10000, v0;
	vm0 =	vgt.f32 v61, $5.000000000e-01  }
.LBB2_3:
0xf0: {  	s3 =	sadd.s32 $0x2, s3;
	v14 =	vor.u32 v21, v14;
	v21 =	vsel vm0, $0x1000000, v0;
	v18 =	vor.u32 v12, v18  }
0xf1: {  	v19 =	vand.u32 $0xF, v19;
	v16 =	vand.u32 $0x70, v16;
	s4 =	sshrl.u32 s3, $0x3;
	p1 =	slt.u32 s3, $0x1E;
	v14 =	vor.u32 v21, v14  }
0xf2: {  	v10 =	vor.u32 v10, v17;
	v11 =	vor.u32 v11, v20;
	v13 =	vshll.u32 v13, $0x2;
	s5 =	smul.u32 $0x1800, s4  }
0xf3: {  	v12 =	vand.u32 $0x70, v12;
	s6 =	sand.u32 $0x6, s3;
	v19 =	vor.u32 v16, v19;
	v18 =	vshll.u32 v18, $0x2  }
0xf4: {  	v20 =	vor.u32 v4, v5;
	v5 =	vshrl.u32 v15, $0x1C;
	v16 =	vor.u32 v4, v10;
	s0 =	sshll.u32 s6, $0x4;
	s21 =	sor.u32 $0x1, s6;
	s14 =	sshra.s32 s5, $0x2  }
0xf5: {  	v17 =	vor.u32 v4, v11;
	s6 =	sshll.u32 s6, $0x5;
	v10 =	vor.u32 v19, v13;
	v11 =	vand.u32 $0x3E00, v18;
	s13 =	sshll.u32 s21, $0x4;
	s8 =	sadd.s32 $0x8C00, s14  }
0xf6: {  	v5 =	vor.u32 v12, v5;
	v13 =	vmov s6;
	v15 =	vor.u32 s6, v1;
	s16 =	sor.u32 $0x1, s6;
	s5 =	sor.u32 s0, s8;
	s8 =	sor.u32 s13, s8  }
0xf7: {  	v23 =	vor.u32 v4, v10;
	v12 =	vand.u32 $0x5E, v15;
	v13 =	vshll.u32 v13, $0x2;
	v15 =	vld [tilespmem:s8+$0x180]  }
0xf8: {  	vm0 =	vgt.f32 v9, $5.000000000e-01;
	v11 =	vor.u32 v11, v5;
	s12 =	sadd.s32 $0x8F80, s14;
	v10 =	vand.u32 $0x200, v13;
	v18 =	vld [tilespmem:s8+$0x0]  }
0xf9: {  	vm1 =	vgt.f32 v8, $5.000000000e-01;
	v26 =	vor.u32 v4, v11;
	s30 =	sadd.s32 $0x9180, s14;
	s6 =	sor.u32 s0, s12;
	v5 =	vor.u32 v10, v12;
	s31 =	sor.u32 s13, s12;
	v9 =	vld [tilespmem:s8+$0x100];
	[tilespmem:v20+s25+$0x0] =	vst.idx.msk $0xffff, v14  }
0xfa: {  	v8 =	vmov s16;
	v11 =	vsel vm1, $0x100, v0;
	s12 =	sor.u32 s0, s30;
	s30 =	sor.u32 s13, s30;
	v10 =	vsel vm0, $0x1, v0;
	v13 =	vld [tilespmem:s31+$0x0]  }
0xfb: {  	v8 =	vshll.u32 v8, $0x2;
	v12 =	vor.u32 s16, v1;
	vm0 =	vgt.f32 v7, $5.000000000e-01;
	s31 =	sadd.s32 $0x8E00, s14;
	v14 =	vld [tilespmem:s30+$0x0]  }
0xfc: {  	s16 =	sadd.s32 $0x8F00, s14;
	v10 =	vor.u32 v10, v11;
	v11 =	vsel vm0, $0x10000, v0;
	vm0 =	vgt.f32 v6, $5.000000000e-01;
	s30 =	sor.u32 s0, s31;
	v7 =	vld [tilespmem:s8+$0x80];
	s8 =	sor.u32 s13, s31  }
0xfd: {  	s9 =	sadd.s32 $0x9100, s14;
	v8 =	vand.u32 $0x200, v8;
	v6 =	vand.u32 $0x5F, v12;
	v10 =	vor.u32 v11, v10;
	s31 =	sor.u32 s0, s16;
	v19 =	vld [tilespmem:s8+$0x0];
	s8 =	sor.u32 s13, s16  }
0xfe: {  	v11 =	vmov s4;
	v6 =	vor.u32 v8, v6;
	s4 =	sshll.u32 s21, $0x5;
	v12 =	vsel vm0, $0x1000000, v0;
	s16 =	sadd.s32 $0x8E80, s14;
	v8 =	vld [tilespmem:s8+$0x0];
	s8 =	sor.u32 s13, s9  }
0xff: {  	s10 =	sadd.s32 $0x9080, s14;
	v11 =	vshll.u32 v11, $0x7;
	v21 =	vmov s4;
	v10 =	vor.u32 v12, v10;
	s21 =	sor.u32 s0, s16;
	s16 =	sor.u32 s13, s16;
	v20 =	vld [tilespmem:s8+$0x0]  }
0x100: {  	v12 =	vor.u32 s4, v1;
	v11 =	vand.u32 $0x180, v11;
	v21 =	vshll.u32 v21, $0x2;
	s8 =	sadd.s32 $0x9000, s14;
	s14 =	sor.u32 s0, s10;
	s10 =	sor.u32 s13, s10;
	v22 =	vld [tilespmem:s16+$0x0];
	[tilespmem:v3+s25+$0x0] =	vst.idx.msk $0xffff, v10  }
0x101: {  	v24 =	vbroadcast v11, $0x0;
	s16 =	sor.u32 s0, s8;
	s0 =	sor.u32 s0, s9;
	s8 =	sor.u32 s13, s8;
	v3 =	vand.u32 $0x7E, v12;
	v10 =	vand.u32 $0x200, v21;
	v25 =	vld [tilespmem:s10+$0x0]  }
0x102: {  	v10 =	vor.u32 v10, v3;
	v3 =	vor.u32 v4, v2;
	v2 =	vmov v6;
	v21 =	vld [tilespmem:s8+$0x0]  }
0x103: {  	v6 =	vshll.u32 v9, $0x2;
	v9 =	vshll.u32 v15, $0x3;
	v4 =	vmovc v24;
	v10 =	vor.u32 v24, v10;
	v11 =	vld [tilespmem:s21+$0x0]  }
0x104: {  	v27 =	vshll.u32 v14, $0x3;
	v7 =	vshll.u32 v7, $0x1;
	v24 =	vshll.u32 v13, $0x3;
	v12 =	vld [tilespmem:s14+$0x0]  }
0x105: {  	v8 =	vshll.u32 v8, $0x2;
	v20 =	vshll.u32 v20, $0x2;
	v13 =	vld [tilespmem:s5+$0x80];
	v15 =	vshll.u32 v22, $0x1  }
0x106: {  	v7 =	vadd.s32 v18, v7;
	v14 =	vld [tilespmem:s30+$0x0];
	v18 =	vadd.s32 v19, v15;
	v19 =	vshll.u32 v25, $0x1  }
0x107: {  	v6 =	vadd.s32 v6, v7;
	v15 =	vld [tilespmem:s31+$0x0];
	v7 =	vadd.s32 v8, v18;
	v8 =	vadd.s32 v21, v19  }
0x108: {  	v6 =	vadd.s32 v9, v6;
	v18 =	vld [tilespmem:s16+$0x0];
	v7 =	vadd.s32 v24, v7;
	v8 =	vadd.s32 v20, v8  }
0x109: {  	v28 =	vshrl.u32 v6, $0x18;
	v29 =	vshrl.u32 v6, $0x1C;
	v19 =	vld [tilespmem:s0+$0x0];
	v27 =	vadd.s32 v27, v8  }
0x10a: {  	v30 =	vshrl.u32 v6, $0x10;
	v31 =	vshrl.u32 v6, $0x14;
	v32 =	vshrl.u32 v7, $0x18;
	v20 =	vld [tilespmem:s5+$0x0]  }
0x10b: {  	v33 =	vshrl.u32 v7, $0x14;
	v34 =	vshrl.u32 v27, $0x10;
	v35 =	vshrl.u32 v27, $0x14;
	v21 =	vld [tilespmem:s5+$0x100]  }
0x10c: {  	v36 =	vshrl.u32 v7, $0xC;
	v38 =	vshrl.u32 v7, $0x10;
	v37 =	vshrl.u32 v27, $0x8;
	v24 =	vld [tilespmem:s6+$0x0]  }
0x10d: {  	v39 =	vand.u32 $0xF, v6;
	v40 =	vshrl.u32 v6, $0xC;
	v41 =	vshrl.u32 v27, $0xC;
	v25 =	vld [tilespmem:s12+$0x0]  }
0x10e: {  	v43 =	vshrl.u32 v6, $0x8;
	v42 =	vand.u32 $0x70, v7;
	v44 =	vand.u32 $0xF00, v27;
	v22 =	vld [tilespmem:s5+$0x180]  }
0x10f: {  	v45 =	vshrl.u32 v6, $0x4;
	v46 =	vshrl.u32 v7, $0x8;
	v47 =	vshrl.u32 v27, $0x4;
	v9 =	vld.idx.msk [tilespmem:v16+s20+$0x0], $0xffff  }
0x110: {  	v48 =	vand.u32 $0x80, v7;
	v49 =	vshrl.u32 v7, $0x4;
	v16 =	vshll.u32 v7, $0x4;
	v8 =	vld.idx.msk [tilespmem:v17+s20+$0x0], $0xffff  }
0x111: {  	v50 =	vand.u32 $0x70, v32;
	v17 =	vshll.u32 v27, $0x8;
	v27 =	vshll.u32 v27, $0x4;
	v7 =	vld.idx.msk [tilespmem:v23+s20+$0x0], $0xffff  }
0x112: {  	v28 =	vand.u32 $0xF, v28;
	v23 =	vand.u32 $0xF, v30;
	v30 =	vand.u32 $0x70, v33;
	v6 =	vld.idx.msk [tilespmem:v26+s20+$0x0], $0xffff  }
0x113: {  	v51 =	vand.u32 $0x70, v36;
	v26 =	vand.u32 $0xF, v40;
	v40 =	vand.u32 $0x70, v46  }
0x114: {  	v43 =	vand.u32 $0xF, v43;
	v52 =	vand.u32 $0x70, v49;
	v46 =	vand.u32 $0x80, v46  }
0x115: {  	v45 =	vand.u32 $0xF, v45;
	v47 =	vand.u32 $0xF00, v47;
	v53 =	vand.u32 $0x70, v16  }
0x116: {  	v49 =	vand.u32 $0x80, v49;
	v16 =	vand.u32 $0x80, v16;
	v17 =	vand.u32 $0xF00, v17  }
0x117: {  	v43 =	vor.u32 v52, v43;
	v27 =	vand.u32 $0xF00, v27;
	v26 =	vor.u32 v40, v26  }
0x118: {  	v16 =	vor.u32 v16, v17;
	v17 =	vor.u32 v53, v39;
	v39 =	vor.u32 v46, v47  }
0x119: {  	v27 =	vor.u32 v48, v27;
	v16 =	vshll.u32 v16, $0x2;
	v40 =	vor.u32 v42, v45  }
0x11a: {  	v16 =	vor.u32 v17, v16;
	v17 =	vshll.u32 v27, $0x2;
	v27 =	vor.u32 v49, v44  }
0x11b: {  	v16 =	vor.u32 v4, v16;
	v17 =	vor.u32 v40, v17;
	v27 =	vshll.u32 v27, $0x2  }
0x11c: {  	v39 =	vshll.u32 v39, $0x2;
	v17 =	vor.u32 v4, v17;
	v27 =	vor.u32 v43, v27  }
0x11d: {  	v31 =	vand.u32 $0xF, v31;
	v26 =	vor.u32 v26, v39;
	v27 =	vor.u32 v4, v27  }
0x11e: {  	v33 =	vand.u32 $0x80, v33;
	v39 =	vand.u32 $0x70, v38;
	v26 =	vor.u32 v4, v26  }
0x11f: {  	v36 =	vand.u32 $0x80, v36;
	v34 =	vand.u32 $0xF00, v34;
	v35 =	vand.u32 $0xF00, v35  }
0x120: {  	v37 =	vand.u32 $0xF00, v37;
	v38 =	vand.u32 $0x80, v38;
	v40 =	vand.u32 $0xF00, v41;
	v16 =	vld.idx.msk [tilespmem:v16+s20+$0x0], $0xffff  }
0x121: {  	v29 =	vor.u32 v50, v29;
	v23 =	vor.u32 v51, v23;
	v28 =	vor.u32 v30, v28;
	v17 =	vld.idx.msk [tilespmem:v17+s20+$0x0], $0xffff  }
0x122: {  	v32 =	vor.u32 v32, v35;
	v30 =	vor.u32 v39, v31;
	v31 =	vor.u32 v33, v34;
	v27 =	vld.idx.msk [tilespmem:v27+s20+$0x0], $0xffff  }
0x123: {  	v33 =	vor.u32 v36, v37;
	v34 =	vor.u32 v38, v40;
	v31 =	vshll.u32 v31, $0x2;
	v26 =	vld.idx.msk [tilespmem:v26+s20+$0x0], $0xffff  }
0x124: {  	v32 =	vshll.u32 v32, $0x2;
	v33 =	vshll.u32 v33, $0x2;
	v34 =	vshll.u32 v34, $0x2  }
0x125: {  	v23 =	vor.u32 v23, v33;
	v28 =	vor.u32 v28, v31;
	v31 =	vand.u32 $0x3E00, v32  }
0x126: {  	v30 =	vor.u32 v30, v34;
	v23 =	vor.u32 v4, v23;
	v28 =	vor.u32 v4, v28  }
0x127: {  	vm0 =	vgt.f32 v16, $5.000000000e-01;
	v16 =	vor.u32 v4, v30;
	vm1 =	vgt.f32 v17, $5.000000000e-01  }
0x128: {  	v17 =	vsel vm0, $0x1, v0;
	v30 =	vsel vm1, $0x100, v0;
	vm0 =	vgt.f32 v27, $5.000000000e-01  }
0x129: {  	v17 =	vor.u32 v17, v30;
	v27 =	vsel vm0, $0x10000, v0;
	vm0 =	vgt.f32 v26, $5.000000000e-01  }
0x12a: {  	v17 =	vor.u32 v27, v17;
	v26 =	vsel vm0, $0x1000000, v0;
	v27 =	vor.u32 v31, v29  }
0x12b: {  	v11 =	vshll.u32 v11, $0x1;
	v17 =	vor.u32 v26, v17;
	v26 =	vor.u32 v4, v27  }
0x12c: {  	v12 =	vshll.u32 v12, $0x1;
	v13 =	vshll.u32 v13, $0x1;
	v11 =	vadd.s32 v14, v11;
	[tilespmem:v10+s25+$0x0] =	vst.idx.msk $0xffff, v17  }
0x12d: {  	v12 =	vadd.s32 v18, v12;
	v14 =	vshll.u32 v19, $0x2;
	v10 =	vshll.u32 v15, $0x2;
	v15 =	vld.idx.msk [tilespmem:v23+s20+$0x0], $0xffff  }
0x12e: {  	v13 =	vadd.s32 v20, v13;
	v10 =	vadd.s32 v10, v11;
	v11 =	vadd.s32 v14, v12;
	v12 =	vld.idx.msk [tilespmem:v16+s20+$0x0], $0xffff  }
0x12f: {  	s0 =	sor.u32 $0x1, s4;
	v17 =	vshll.u32 v25, $0x3;
	v14 =	vshll.u32 v21, $0x2;
	v16 =	vshll.u32 v24, $0x3;
	v18 =	vld.idx.msk [tilespmem:v28+s20+$0x0], $0xffff  }
0x130: {  	v11 =	vadd.s32 v17, v11;
	v17 =	vmov s0;
	v10 =	vadd.s32 v16, v10;
	v16 =	vld.idx.msk [tilespmem:v26+s20+$0x0], $0xffff  }
0x131: {  	v13 =	vadd.s32 v14, v13;
	v14 =	vor.u32 s0, v1;
	v17 =	vshll.u32 v17, $0x2  }
0x132: {  	v19 =	vshll.u32 v22, $0x3;
	v14 =	vand.u32 $0x7F, v14;
	v17 =	vand.u32 $0x200, v17  }
0x133: {  	v21 =	vshll.u32 v11, $0x8;
	v20 =	vshll.u32 v10, $0x4;
	v14 =	vor.u32 v17, v14  }
0x134: {  	vm0 =	vgt.f32 v15, $5.000000000e-01;
	vm1 =	vgt.f32 v12, $5.000000000e-01;
	v12 =	vor.u32 v4, v14  }
0x135: {  	v14 =	vsel vm0, $0x1, v0;
	v15 =	vsel vm1, $0x100, v0;
	vm0 =	vgt.f32 v18, $5.000000000e-01  }
0x136: {  	v14 =	vor.u32 v14, v15;
	v15 =	vsel vm0, $0x10000, v0;
	vm0 =	vgt.f32 v16, $5.000000000e-01  }
0x137: {  	v16 =	vshll.u32 v11, $0x4;
	v14 =	vor.u32 v15, v14;
	v17 =	vsel vm0, $0x1000000, v0  }
0x138: {  	v15 =	vadd.s32 v19, v13;
	v13 =	vand.u32 $0x80, v20;
	v14 =	vor.u32 v17, v14  }
0x139: {  	v16 =	vand.u32 $0xF00, v16;
	v17 =	vand.u32 $0xF00, v21;
	v18 =	vshrl.u32 v15, $0x4;
	[tilespmem:v12+s25+$0x0] =	vst.idx.msk $0xffff, v14  }
0x13a: {  	v12 =	vor.u32 v13, v17;
	v13 =	vand.u32 $0x80, v10;
	v14 =	vshrl.u32 v10, $0x4  }
0x13b: {  	v18 =	vand.u32 $0xF, v18;
	v17 =	vand.u32 $0x70, v20;
	v13 =	vor.u32 v13, v16  }
0x13c: {  	v19 =	vand.u32 $0x70, v10;
	v16 =	vand.u32 $0xF, v15;
	v20 =	vand.u32 $0x80, v14  }
0x13d: {  	v22 =	vand.u32 $0xF00, v11;
	v23 =	vshrl.u32 v10, $0x8;
	v21 =	vshrl.u32 v15, $0x8  }
0x13e: {  	v24 =	vshrl.u32 v11, $0x4;
	v12 =	vshll.u32 v12, $0x2;
	v13 =	vshll.u32 v13, $0x2  }
0x13f: {  	v16 =	vor.u32 v17, v16;
	v17 =	vor.u32 v19, v18;
	v18 =	vor.u32 v20, v22  }
0x140: {  	v14 =	vand.u32 $0x70, v14;
	v19 =	vand.u32 $0xF, v21;
	v20 =	vand.u32 $0x80, v23  }
0x141: {  	v21 =	vand.u32 $0xF00, v24;
	v12 =	vor.u32 v16, v12;
	v16 =	vshrl.u32 v15, $0xC  }
0x142: {  	v13 =	vor.u32 v17, v13;
	v14 =	vor.u32 v14, v19;
	v17 =	vshll.u32 v18, $0x2  }
0x143: {  	v18 =	vor.u32 v20, v21;
	v19 =	vand.u32 $0x70, v23;
	v16 =	vand.u32 $0xF, v16  }
0x144: {  	v12 =	vor.u32 v4, v12;
	v13 =	vor.u32 v4, v13;
	v14 =	vor.u32 v14, v17  }
0x145: {  	v17 =	vshll.u32 v18, $0x2;
	v14 =	vor.u32 v4, v14;
	v16 =	vor.u32 v19, v16  }
0x146: {  	v18 =	vshrl.u32 v11, $0x8;
	v16 =	vor.u32 v16, v17;
	v17 =	vshrl.u32 v10, $0xC  }
0x147: {  	v20 =	vshrl.u32 v10, $0x10;
	v19 =	vor.u32 v4, v16;
	v16 =	vshrl.u32 v11, $0xC  }
0x148: {  	v22 =	vand.u32 $0x80, v20;
	v18 =	vand.u32 $0xF00, v18;
	v21 =	vand.u32 $0x80, v17  }
0x149: {  	v24 =	vshrl.u32 v15, $0x14;
	v25 =	vand.u32 $0xF00, v16;
	v23 =	vld.idx.msk [tilespmem:v12+s20+$0x0], $0xffff;
	v12 =	vshrl.u32 v15, $0x10  }
0x14a: {  	v26 =	vshrl.u32 v11, $0x10;
	v11 =	vshrl.u32 v11, $0x14;
	v16 =	vshrl.u32 v10, $0x14;
	v13 =	vld.idx.msk [tilespmem:v13+s20+$0x0], $0xffff  }
0x14b: {  	v27 =	vand.u32 $0xF, v12;
	v12 =	vor.u32 v21, v18;
	v21 =	vor.u32 v22, v25;
	v14 =	vld.idx.msk [tilespmem:v14+s20+$0x0], $0xffff  }
0x14c: {  	v24 =	vand.u32 $0xF, v24;
	v28 =	vand.u32 $0x70, v20;
	v25 =	vand.u32 $0x70, v17;
	v22 =	vld.idx.msk [tilespmem:v19+s20+$0x0], $0xffff  }
0x14d: {  	v26 =	vand.u32 $0xF00, v26;
	v29 =	vand.u32 $0x80, v16;
	v18 =	vand.u32 $0xF00, v11  }
.Ltmp0:
0x14e: {  	v17 =	vshll.u32 v12, $0x2;
	v12 =	vshrl.u32 v10, $0x18;
	v19 =	vshrl.u32 v15, $0x18;
	(pc) =	sbr.rel @p1 .LBB2_3-.Ltmp0, $4  }
0x14f: {  	v10 =	vor.u32 v25, v27;
	v20 =	vshll.u32 v21, $0x2;
	vm0 =	vgt.f32 v23, $5.000000000e-01  }
0x150: {  	v11 =	vor.u32 v28, v24;
	v21 =	vsel vm0, $0x1, v0;
	vm0 =	vgt.f32 v13, $5.000000000e-01  }
0x151: {  	v13 =	vor.u32 v29, v26;
	v23 =	vsel vm0, $0x100, v0;
	vm0 =	vgt.f32 v14, $5.000000000e-01  }
0x152: {  	v14 =	vor.u32 v21, v23;
	v21 =	vsel vm0, $0x10000, v0;
	vm0 =	vgt.f32 v22, $5.000000000e-01  }
0x153: {  	v14 =	vor.u32 v21, v14;
	v18 =	vor.u32 v12, v18  }
0x154: {  	v19 =	vand.u32 $0xF, v19;
	v16 =	vand.u32 $0x70, v16;
	v10 =	vor.u32 v10, v17  }
0x155: {  	v11 =	vor.u32 v11, v20;
	v13 =	vshll.u32 v13, $0x2;
	v12 =	vand.u32 $0x70, v12  }
0x156: {  	v5 =	vor.u32 v4, v5;
	v15 =	vshrl.u32 v15, $0x1C;
	v16 =	vor.u32 v16, v19  }
0x157: {  	v17 =	vshll.u32 v18, $0x2;
	v10 =	vor.u32 v4, v10;
	v11 =	vor.u32 v4, v11  }
0x158: {  	v12 =	vor.u32 v12, v15;
	v13 =	vor.u32 v16, v13;
	v16 =	vand.u32 $0x3E00, v17  }
0x159: {  	v15 =	vsel vm0, $0x1000000, v0;
	v13 =	vor.u32 v4, v13;
	v12 =	vor.u32 v16, v12  }
0x15a: {  	v14 =	vor.u32 v15, v14;
	v12 =	vor.u32 v4, v12  }
0x15b: {  	[tilespmem:v5+s25+$0x0] =	vst.idx.msk $0xffff, v14  }
0x15c: {  	v5 =	vld.idx.msk [tilespmem:v10+s20+$0x0], $0xffff  }
0x15d: {  	v10 =	vld.idx.msk [tilespmem:v11+s20+$0x0], $0xffff  }
0x15e: {  	vm1 =	vgt.f32 v8, $5.000000000e-01;
	vm0 =	vgt.f32 v9, $5.000000000e-01;
	v8 =	vld.idx.msk [tilespmem:v13+s20+$0x0], $0xffff  }
0x15f: {  	v9 =	vsel vm0, $0x1, v0;
	vm0 =	vgt.f32 v7, $5.000000000e-01;
	v11 =	vsel vm1, $0x100, v0;
	v7 =	vld.idx.msk [tilespmem:v12+s20+$0x0], $0xffff  }
0x160: {  	v9 =	vor.u32 v9, v11;
	v11 =	vsel vm0, $0x10000, v0  }
0x161: {  	v2 =	vor.u32 v4, v2;
	vm0 =	vgt.f32 v6, $5.000000000e-01;
	v6 =	vor.u32 v11, v9  }
0x162: {  	v9 =	vsel vm0, $0x1000000, v0;
	vm0 =	vgt.f32 v5, $5.000000000e-01;
	vm1 =	vgt.f32 v10, $5.000000000e-01  }
0x163: {  	v4 =	vsel vm0, $0x1, v0;
	v5 =	vsel vm1, $0x100, v0;
	vm0 =	vgt.f32 v8, $5.000000000e-01  }
0x164: {  	v4 =	vor.u32 v4, v5;
	v5 =	vsel vm0, $0x10000, v0;
	vm0 =	vgt.f32 v7, $5.000000000e-01  }
0x165: {  	v6 =	vor.u32 v9, v6;
	v4 =	vor.u32 v5, v4;
	v5 =	vsel vm0, $0x1000000, v0  }
0x166: {  	[tilespmem:v3+s25+$0x0] =	vst.idx.msk $0xffff, v6;
	v3 =	vor.u32 v5, v4  }
0x167: {  	p1 =	seq.s32 s2, $0x1F;
	[tilespmem:v2+s25+$0x0] =	vst.idx.msk $0xffff, v3  }
0x168: {  	s0 =	sshll.u32 s2, $0x8;
	s3 =	sadd.s32 @!p1 $0x2, s15;
	s4 =	rddreg [dreg:$0xa]  }
0x169: {  	s0 =	sadd.s32 s0, s4;
	s4 =	smul.u32 @!p1 $0xC0, s3  }
0x16a: {  	[hbm4b:s0+s18] =	stream.strided.scatter [tilespmem:s25], [sflag:$0x5], $0x400, s19, s18, $0x38;
	[tilespmem:$0x14400] =	vst v63  }
0x16b: {  	s0 =	sshra.s32 @!p1 s4, $0x2  }
0x16c: {  	s5 =	simm.s32 @!p1 $0x8C00;
	s4 =	simm.s32 @!p1 $0x30;
	s0 =	sadd.s32 @!p1 $0x8000, s0  }
0x16d: {  	[tilespmem:s5], [sflag:$0x1] =	stream.indirect.gather @!p1 [spmem:s1], $0x80, s0, s4, $0xb8;
	[tilespmem:$0x14400] =	vst v63  }
0x16e: {  	s0 =	sshll.u32 @!p1 s3, $0xB;
	s3 =	simm.s32 @!p1 $0x200  }
0x16f: {  	s4 =	simm.s32 @!p1 $0x400;
	s5 =	simm.s32 @!p1 $0xBC00;
	s0 =	sadd.s32 @!p1 s0, s7  }
0x170: {  	[tilespmem:s5], [sflag:$0x3] =	stream.strided.gather @!p1 [hbm4b:s0+s3], $0x4000, s4, s3, $0x38;
	[tilespmem:$0x14400] =	vst v63  }
0x171: {  	_ =	swait.ge [sflag:s26], $0x1800  }
0x172: {  	[sflag:s26] =	ssyncset.done $0x0  }
0x173: {  	[sflag:s26] =	ssyncadd.s32 $0xFFFFE800  }
0x174: {  	s0 =	simm.s32 $0x0;
	_ =	swait.ge [sflag:s28], $0x4000  }
0x175: {  	s21 =	simm.s32 $0x0;
	s30 =	smul.u32 $0x1800, s0;
	[sflag:s28] =	ssyncset.done $0x0  }
0x176: {  	s13 =	sand.u32 $0x6, s21;
	s5 =	simm.s32 @!p0 $0x6;
	[sflag:s28] =	ssyncadd.s32 $0xFFFFC000  }
0x177: {  	s4 =	sor.u32 $0x1, s13;
	s8 =	sshra.s32 s30, $0x2;
	_ =	swait.ge @!p0 [sflag:s5], $0x400  }
0x178: {  	s9 =	sshll.u32 s4, $0x4;
	s12 =	sadd.s32 $0xA400, s8;
	[sflag:s5] =	ssyncset.done @!p0 $0x0  }
0x179: {  	s6 =	sor.u32 s9, s12;
	[sflag:s5] =	ssyncadd.s32 @!p0 $0xFFFFFC00  }
0x17a: {  	v4 =	vld [tilespmem:s6+$0x180]  }
0x17b: {  	s3 =	sadd.s32 $0xA980, s8;
	v5 =	vld [tilespmem:s6+$0x0]  }
0x17c: {  	s14 =	sshll.u32 s13, $0x5;
	s31 =	sor.u32 s9, s3;
	v6 =	vld [tilespmem:s6+$0x100]  }
0x17d: {  	s16 =	sor.u32 $0x1, s14;
	s15 =	sadd.s32 $0xA600, s8;
	v9 =	vld [tilespmem:s31+$0x0]  }
0x17e: {  	v11 =	vor.u32 s16, v1;
	v3 =	vor.u32 s14, v1;
	v13 =	vmov s0;
	s0 =	sadd.s32 $0xA680, s8;
	s21 =	sor.u32 s9, s15;
	v10 =	vld [tilespmem:s6+$0x80]  }
0x17f: {  	v2 =	vmov s14;
	v8 =	vand.u32 $0x5E, v3;
	v3 =	vmov s16;
	s16 =	sor.u32 s9, s0;
	s5 =	sadd.s32 $0xA780, s8;
	v12 =	vld [tilespmem:s21+$0x0]  }
0x180: {  	v2 =	vshll.u32 v2, $0x2;
	s30 =	sadd.s32 $0xA700, s8;
	s10 =	sor.u32 s9, s5;
	v17 =	vld [tilespmem:s16+$0x0]  }
0x181: {  	v11 =	vand.u32 $0x5F, v11;
	v2 =	vand.u32 $0x200, v2;
	v3 =	vshll.u32 v3, $0x2;
	s4 =	sshll.u32 s4, $0x5;
	s6 =	sadd.s32 $0xA900, s8;
	s31 =	sor.u32 s9, s30;
	v7 =	vld [tilespmem:s10+$0x0]  }
0x182: {  	v15 =	vand.u32 $0x200, v3;
	v3 =	vshll.u32 v13, $0x7;
	v16 =	vmov s4;
	s21 =	sadd.s32 $0xA880, s8;
	v14 =	vld [tilespmem:s31+$0x0];
	s14 =	sor.u32 s9, s6  }
0x183: {  	v18 =	vor.u32 s4, v1;
	v3 =	vand.u32 $0x180, v3;
	v16 =	vshll.u32 v16, $0x2;
	s31 =	sadd.s32 $0xA800, s8;
	s10 =	sor.u32 s9, s21;
	v13 =	vld [tilespmem:s14+$0x0]  }
0x184: {  	v18 =	vand.u32 $0x7E, v18;
	v3 =	vbroadcast v3, $0x0;
	v16 =	vand.u32 $0x200, v16;
	s9 =	sor.u32 s9, s31;
	v19 =	vld [tilespmem:s10+$0x0]  }
0x185: {  	v2 =	vor.u32 v2, v8;
	v8 =	vor.u32 v15, v11;
	v15 =	vor.u32 v16, v18;
	v11 =	vld [tilespmem:s9+$0x0]  }
0x186: {  	v6 =	vshll.u32 v6, $0x2;
	v16 =	vshll.u32 v4, $0x3;
	v4 =	vor.u32 v3, v15  }
0x187: {  	v10 =	vshll.u32 v10, $0x1;
	v9 =	vshll.u32 v9, $0x3;
	v15 =	vshll.u32 v17, $0x1  }
0x188: {  	v7 =	vshll.u32 v7, $0x3;
	v14 =	vshll.u32 v14, $0x2;
	v5 =	vadd.s32 v5, v10  }
0x189: {  	v10 =	vadd.s32 v12, v15;
	v13 =	vshll.u32 v13, $0x2;
	v12 =	vshll.u32 v19, $0x1  }
0x18a: {  	v5 =	vadd.s32 v6, v5;
	v6 =	vadd.s32 v14, v10;
	v10 =	vadd.s32 v11, v12  }
0x18b: {  	v5 =	vadd.s32 v16, v5;
	v6 =	vadd.s32 v7, v6;
	v7 =	vadd.s32 v13, v10  }
0x18c: {  	v10 =	vshrl.u32 v5, $0x1C;
	v11 =	vshrl.u32 v5, $0x10;
	v12 =	vshrl.u32 v5, $0x14  }
0x18d: {  	v13 =	vshrl.u32 v6, $0x18;
	v14 =	vshrl.u32 v6, $0x14;
	v17 =	vshrl.u32 v6, $0xC  }
0x18e: {  	v19 =	vshrl.u32 v6, $0x10;
	v20 =	vand.u32 $0xF, v5;
	v21 =	vshrl.u32 v5, $0xC  }
0x18f: {  	v23 =	vand.u32 $0x70, v6;
	v24 =	vshrl.u32 v5, $0x8;
	v26 =	vshrl.u32 v6, $0x8  }
0x190: {  	v28 =	vshll.u32 v6, $0x4;
	v29 =	vand.u32 $0x80, v6;
	v6 =	vshrl.u32 v6, $0x4  }
0x191: {  	v7 =	vadd.s32 v9, v7;
	v9 =	vshrl.u32 v5, $0x18;
	v5 =	vshrl.u32 v5, $0x4  }
0x192: {  	v31 =	vand.u32 $0x70, v13;
	v11 =	vand.u32 $0xF, v11;
	v32 =	vand.u32 $0x70, v14  }
0x193: {  	v21 =	vand.u32 $0xF, v21;
	v33 =	vand.u32 $0x70, v26;
	v34 =	vand.u32 $0x70, v17  }
0x194: {  	v24 =	vand.u32 $0xF, v24;
	v35 =	vand.u32 $0x70, v6;
	v26 =	vand.u32 $0x80, v26  }
0x195: {  	v36 =	vand.u32 $0x70, v28;
	v28 =	vand.u32 $0x80, v28;
	v6 =	vand.u32 $0x80, v6  }
0x196: {  	v12 =	vand.u32 $0xF, v12;
	v39 =	vand.u32 $0x70, v19;
	v14 =	vand.u32 $0x80, v14  }
0x197: {  	v17 =	vand.u32 $0x80, v17;
	v15 =	vshrl.u32 v7, $0x10;
	v16 =	vshrl.u32 v7, $0x14  }
0x198: {  	v18 =	vshrl.u32 v7, $0x8;
	v22 =	vshrl.u32 v7, $0xC;
	v25 =	vand.u32 $0xF00, v7  }
0x199: {  	v27 =	vshrl.u32 v7, $0x4;
	v30 =	vshll.u32 v7, $0x8;
	v7 =	vshll.u32 v7, $0x4  }
0x19a: {  	v5 =	vand.u32 $0xF, v5;
	v24 =	vor.u32 v35, v24;
	v21 =	vor.u32 v33, v21  }
0x19b: {  	v20 =	vor.u32 v36, v20;
	v27 =	vand.u32 $0xF00, v27;
	v30 =	vand.u32 $0xF00, v30  }
0x19c: {  	v7 =	vand.u32 $0xF00, v7;
	v5 =	vor.u32 v23, v5;
	v6 =	vor.u32 v6, v25  }
0x19d: {  	s13 =	sshll.u32 s13, $0x4;
	v15 =	vand.u32 $0xF00, v15;
	v18 =	vand.u32 $0xF00, v18;
	v28 =	vor.u32 v28, v30  }
0x19e: {  	s16 =	sor.u32 s13, s21;
	v26 =	vor.u32 v26, v27;
	v7 =	vor.u32 v29, v7;
	v37 =	vshll.u32 v28, $0x2  }
0x19f: {  	v38 =	vld [tilespmem:s16+$0x0];
	s10 =	sor.u32 s13, s30;
	v6 =	vshll.u32 v6, $0x2;
	v7 =	vshll.u32 v7, $0x2;
	v20 =	vor.u32 v20, v37  }
0x1a0: {  	s9 =	sor.u32 s13, s15;
	v41 =	vld [tilespmem:s10+$0x0];
	v14 =	vor.u32 v14, v15;
	v5 =	vor.u32 v5, v7;
	v20 =	vor.u32 v3, v20  }
0x1a1: {  	s21 =	sor.u32 s13, s12;
	s12 =	sor.u32 s13, s31;
	v40 =	vld [tilespmem:s9+$0x0];
	v6 =	vor.u32 v24, v6;
	v23 =	vshll.u32 v26, $0x2;
	v5 =	vor.u32 v3, v5  }
0x1a2: {  	s0 =	sor.u32 s13, s0;
	v15 =	vor.u32 v17, v18;
	v18 =	vld [tilespmem:s12+$0x0];
	v6 =	vor.u32 v3, v6;
	v21 =	vor.u32 v21, v23  }
0x1a3: {  	v19 =	vand.u32 $0x80, v19;
	v9 =	vand.u32 $0xF, v9;
	v7 =	vld [tilespmem:s0+$0x0];
	v21 =	vor.u32 v3, v21  }
0x1a4: {  	v11 =	vor.u32 v34, v11;
	v10 =	vor.u32 v31, v10;
	v12 =	vor.u32 v39, v12;
	v23 =	vld [tilespmem:s21+$0x80]  }
0x1a5: {  	v16 =	vand.u32 $0xF00, v16;
	v22 =	vand.u32 $0xF00, v22;
	v9 =	vor.u32 v32, v9;
	v20 =	vld.idx.msk [tilespmem:v20+s22+$0x0], $0xffff  }
0x1a6: {  	v13 =	vor.u32 v13, v16;
	v16 =	vor.u32 v19, v22;
	v14 =	vshll.u32 v14, $0x2;
	v5 =	vld.idx.msk [tilespmem:v5+s22+$0x0], $0xffff  }
0x1a7: {  	v15 =	vshll.u32 v15, $0x2;
	v16 =	vshll.u32 v16, $0x2;
	v13 =	vshll.u32 v13, $0x2;
	v6 =	vld.idx.msk [tilespmem:v6+s22+$0x0], $0xffff  }
0x1a8: {  	s6 =	sor.u32 s13, s6;
	v11 =	vor.u32 v11, v15;
	v9 =	vor.u32 v9, v14;
	v13 =	vand.u32 $0x3E00, v13;
	v17 =	vld.idx.msk [tilespmem:v21+s22+$0x0], $0xffff  }
0x1a9: {  	v14 =	vld [tilespmem:s6+$0x0];
	v12 =	vor.u32 v12, v16;
	v11 =	vor.u32 v3, v11;
	v10 =	vor.u32 v13, v10  }
0x1aa: {  	v15 =	vld [tilespmem:s21+$0x0];
	v9 =	vor.u32 v3, v9;
	v10 =	vor.u32 v3, v10;
	v7 =	vshll.u32 v7, $0x1  }
0x1ab: {  	vm0 =	vgt.f32 v20, $5.000000000e-01;
	vm1 =	vgt.f32 v5, $5.000000000e-01;
	v5 =	vor.u32 v3, v12;
	v12 =	vld [tilespmem:s21+$0x100]  }
0x1ac: {  	s5 =	sor.u32 s13, s5;
	v20 =	vld [tilespmem:s21+$0x180];
	v16 =	vsel vm0, $0x1, v0;
	v19 =	vsel vm1, $0x100, v0;
	vm0 =	vgt.f32 v6, $5.000000000e-01  }
0x1ad: {  	s3 =	sor.u32 s13, s3;
	v6 =	vld [tilespmem:s5+$0x0];
	v16 =	vor.u32 v16, v19;
	v19 =	vsel vm0, $0x10000, v0;
	vm0 =	vgt.f32 v17, $5.000000000e-01  }
0x1ae: {  	v14 =	vshll.u32 v14, $0x2;
	v17 =	vld [tilespmem:s3+$0x0];
	v16 =	vor.u32 v19, v16;
	v19 =	vsel vm0, $0x1000000, v0  }
0x1af: {  	v7 =	vadd.s32 v40, v7;
	s3 =	simm.s32 $0x2;
	v13 =	vor.u32 v19, v16;
	v19 =	vshll.u32 v38, $0x1  }
0x1b0: {  	s6 =	sand.u32 $0x6, s3;
	v16 =	vshll.u32 v23, $0x1;
	[tilespmem:v4+s29+$0x0] =	vst.idx.msk $0xffff, v13;
	v4 =	vshll.u32 v41, $0x2;
	v13 =	vadd.s32 v18, v19  }
0x1b1: {  	s8 =	sor.u32 $0x1, s6;
	v15 =	vadd.s32 v15, v16;
	v12 =	vshll.u32 v12, $0x2;
	v4 =	vadd.s32 v4, v7  }
0x1b2: {  	s21 =	sshll.u32 s8, $0x4;
	s8 =	sshll.u32 s8, $0x5;
	v7 =	vadd.s32 v14, v13;
	v6 =	vshll.u32 v6, $0x3;
	v14 =	vshll.u32 v20, $0x3  }
0x1b3: {  	s14 =	sor.u32 $0x1, s4;
	v44 =	vmov s8;
	v45 =	vor.u32 s8, v1;
	v13 =	vshll.u32 v17, $0x3  }
0x1b4: {  	v4 =	vadd.s32 v6, v4;
	v6 =	vmov s14;
	v26 =	vshll.u32 v44, $0x2  }
0x1b5: {  	v27 =	vand.u32 $0x7E, v45;
	v13 =	vadd.s32 v13, v7;
	v7 =	vld.idx.msk [tilespmem:v10+s22+$0x0], $0xffff;
	v10 =	vadd.s32 v12, v15  }
0x1b6: {  	v11 =	vld.idx.msk [tilespmem:v11+s22+$0x0], $0xffff;
	v12 =	vor.u32 s14, v1;
	v6 =	vshll.u32 v6, $0x2;
	v15 =	vshll.u32 v4, $0x4  }
0x1b7: {  	v5 =	vld.idx.msk [tilespmem:v5+s22+$0x0], $0xffff;
	v20 =	vshrl.u32 v4, $0x8;
	v22 =	vshrl.u32 v4, $0x14;
	v26 =	vand.u32 $0x200, v26  }
0x1b8: {  	v12 =	vand.u32 $0x7F, v12;
	v6 =	vand.u32 $0x200, v6;
	v16 =	vshll.u32 v13, $0x8  }
0x1b9: {  	v9 =	vld.idx.msk [tilespmem:v9+s22+$0x0], $0xffff;
	v14 =	vadd.s32 v14, v10;
	v19 =	vand.u32 $0xF00, v13;
	v21 =	vshrl.u32 v13, $0x4  }
0x1ba: {  	v23 =	vshrl.u32 v13, $0x10;
	v26 =	vor.u32 v26, v27;
	v6 =	vor.u32 v6, v12  }
0x1bb: {  	v10 =	vshrl.u32 v14, $0x4;
	v12 =	vshrl.u32 v4, $0x4;
	v18 =	vshrl.u32 v14, $0x8  }
0x1bc: {  	vm0 =	vgt.f32 v11, $5.000000000e-01;
	vm1 =	vgt.f32 v5, $5.000000000e-01;
	v6 =	vor.u32 v3, v6  }
0x1bd: {  	v10 =	vand.u32 $0xF, v10;
	v17 =	vand.u32 $0x80, v12;
	v12 =	vand.u32 $0x70, v12  }
0x1be: {  	v5 =	vsel vm0, $0x1, v0;
	v11 =	vsel vm1, $0x100, v0;
	vm0 =	vgt.f32 v9, $5.000000000e-01  }
0x1bf: {  	v5 =	vor.u32 v5, v11;
	v9 =	vsel vm0, $0x10000, v0;
	vm0 =	vgt.f32 v7, $5.000000000e-01  }
0x1c0: {  	v11 =	vshll.u32 v13, $0x4;
	v5 =	vor.u32 v9, v5;
	v7 =	vsel vm0, $0x1000000, v0  }
0x1c1: {  	v9 =	vand.u32 $0x80, v15;
	v11 =	vand.u32 $0xF00, v11;
	v15 =	vand.u32 $0x70, v15  }
0x1c2: {  	v7 =	vor.u32 v7, v5;
	v5 =	vand.u32 $0xF00, v16;
	v16 =	vand.u32 $0x70, v4  }
0x1c3: {  	v5 =	vor.u32 v9, v5;
	v9 =	vand.u32 $0x80, v4;
	v10 =	vor.u32 v16, v10  }
0x1c4: {  	v16 =	vand.u32 $0xF, v18;
	v18 =	vand.u32 $0xF00, v21;
	v21 =	vshrl.u32 v14, $0x14  }
0x1c5: {  	v9 =	vor.u32 v9, v11;
	v11 =	vand.u32 $0xF, v14;
	v5 =	vshll.u32 v5, $0x2  }
0x1c6: {  	v9 =	vshll.u32 v9, $0x2;
	v11 =	vor.u32 v15, v11;
	v15 =	vor.u32 v17, v19  }
0x1c7: {  	v17 =	vand.u32 $0x80, v20;
	v5 =	vor.u32 v11, v5;
	v11 =	vshrl.u32 v14, $0xC  }
0x1c8: {  	v9 =	vor.u32 v10, v9;
	v10 =	vor.u32 v12, v16;
	v12 =	vshll.u32 v15, $0x2  }
0x1c9: {  	v15 =	vor.u32 v17, v18;
	v16 =	vand.u32 $0x70, v20;
	v17 =	vshrl.u32 v13, $0xC  }
0x1ca: {  	v20 =	vshrl.u32 v14, $0x10;
	v11 =	vand.u32 $0xF, v11;
	v5 =	vor.u32 v3, v5  }
0x1cb: {  	s0 =	simm.s32 $0x0;
	v9 =	vor.u32 v3, v9;
	v10 =	vor.u32 v10, v12;
	v12 =	vshll.u32 v15, $0x2  }
0x1cc: {  	s15 =	smul.u32 $0x1800, s0;
	v15 =	vshrl.u32 v13, $0x8;
	v17 =	vand.u32 $0xF00, v17;
	v13 =	vshrl.u32 v13, $0x14  }
0x1cd: {  	v20 =	vand.u32 $0xF, v20;
	v10 =	vor.u32 v3, v10;
	v11 =	vor.u32 v16, v11  }
0x1ce: {  	s31 =	sshra.s32 s15, $0x2;
	v16 =	vshrl.u32 v4, $0x10;
	v11 =	vor.u32 v11, v12;
	v12 =	vshrl.u32 v4, $0xC  }
0x1cf: {  	s4 =	sadd.s32 $0xA400, s31;
	v15 =	vand.u32 $0xF00, v15;
	v19 =	vand.u32 $0x80, v16;
	v18 =	vand.u32 $0x80, v12  }
0x1d0: {  	s16 =	sor.u32 s21, s4;
	v16 =	vand.u32 $0x70, v16;
	v15 =	vor.u32 v18, v15;
	v18 =	vand.u32 $0xF, v21;
	v5 =	vld.idx.msk [tilespmem:v5+s22+$0x0], $0xffff  }
0x1d1: {  	v13 =	vand.u32 $0xF00, v13;
	v11 =	vor.u32 v3, v11;
	v16 =	vor.u32 v16, v18;
	v18 =	vld [tilespmem:s16+$0x180]  }
0x1d2: {  	v4 =	vshrl.u32 v4, $0x18;
	v17 =	vor.u32 v19, v17;
	v12 =	vand.u32 $0x70, v12;
	v9 =	vld.idx.msk [tilespmem:v9+s22+$0x0], $0xffff  }
0x1d3: {  	v19 =	vand.u32 $0x80, v22;
	v13 =	vor.u32 v4, v13;
	v4 =	vand.u32 $0x70, v4  }
0x1d4: {  	v21 =	vand.u32 $0xF00, v23;
	v23 =	vshrl.u32 v14, $0x18;
	v13 =	vshll.u32 v13, $0x2;
	v10 =	vld.idx.msk [tilespmem:v10+s22+$0x0], $0xffff  }
0x1d5: {  	v15 =	vshll.u32 v15, $0x2;
	vm0 =	vgt.f32 v5, $5.000000000e-01;
	v5 =	vor.u32 v12, v20  }
0x1d6: {  	v11 =	vld.idx.msk [tilespmem:v11+s22+$0x0], $0xffff;
	v12 =	vshll.u32 v17, $0x2;
	v18 =	vshll.u32 v18, $0x3;
	v17 =	vsel vm0, $0x1, v0  }
0x1d7: {  	s5 =	sadd.s32 $0xA780, s31;
	vm0 =	vgt.f32 v9, $5.000000000e-01;
	v5 =	vor.u32 v5, v15;
	v15 =	vor.u32 v16, v12  }
0x1d8: {  	s30 =	sshll.u32 s6, $0x5;
	s13 =	sor.u32 s21, s5;
	v12 =	vor.u32 v3, v2;
	v2 =	vshrl.u32 v14, $0x1C;
	v14 =	vand.u32 $0x3E00, v13  }
0x1d9: {  	v20 =	vld [tilespmem:s13+$0x0];
	v13 =	vmov s30;
	v9 =	vsel vm0, $0x100, v0;
	vm0 =	vgt.f32 v10, $5.000000000e-01  }
0x1da: {  	s15 =	sadd.s32 $0xA980, s31;
	v10 =	vor.u32 v19, v21;
	v2 =	vor.u32 v4, v2;
	v9 =	vor.u32 v17, v9  }
0x1db: {  	s10 =	sor.u32 $0x1, s30;
	s14 =	sor.u32 s21, s15;
	v17 =	vsel vm0, $0x10000, v0;
	vm0 =	vgt.f32 v11, $5.000000000e-01;
	v16 =	vshll.u32 v10, $0x2  }
0x1dc: {  	v21 =	vld [tilespmem:s14+$0x0];
	v10 =	vor.u32 v3, v5;
	v2 =	vor.u32 v14, v2;
	v14 =	vmov s10  }
0x1dd: {  	v9 =	vor.u32 v17, v9;
	v11 =	vsel vm0, $0x1000000, v0;
	v17 =	vand.u32 $0x70, v22  }
0x1de: {  	v9 =	vor.u32 v11, v9;
	v11 =	vand.u32 $0xF, v23;
	v20 =	vshll.u32 v20, $0x3  }
0x1df: {  	v22 =	vld [tilespmem:s16+$0x80];
	v17 =	vor.u32 v17, v11;
	v11 =	vor.u32 v3, v15;
	v15 =	vor.u32 s30, v1  }
0x1e0: {  	s8 =	sor.u32 $0x1, s8;
	v5 =	vor.u32 v17, v16;
	v4 =	vand.u32 $0x5E, v15;
	v15 =	vshll.u32 v13, $0x2  }
0x1e1: {  	s13 =	sadd.s32 $0xA600, s31;
	v19 =	vld [tilespmem:s16+$0x0];
	v16 =	vmov s8;
	v21 =	vshll.u32 v21, $0x3;
	v13 =	vor.u32 v3, v5  }
0x1e2: {  	s12 =	sadd.s32 $0xA900, s31;
	v17 =	vld [tilespmem:s16+$0x100];
	s16 =	sor.u32 s21, s13;
	v5 =	vand.u32 $0x200, v15;
	v15 =	vshll.u32 v14, $0x2;
	v14 =	vor.u32 v3, v2  }
0x1e3: {  	s30 =	sadd.s32 $0xA700, s31;
	v23 =	vld [tilespmem:s16+$0x0];
	s16 =	sor.u32 s21, s12;
	v3 =	vor.u32 v3, v8;
	v16 =	vshll.u32 v16, $0x2;
	v5 =	vor.u32 v5, v4  }
0x1e4: {  	s14 =	sadd.s32 $0xA680, s31;
	v4 =	vor.u32 s10, v1;
	s10 =	sor.u32 s21, s30;
	v43 =	vld [tilespmem:s16+$0x0];
	v22 =	vshll.u32 v22, $0x1;
	v16 =	vand.u32 $0x200, v16  }
0x1e5: {  	v2 =	vand.u32 $0x5F, v4;
	v4 =	vand.u32 $0x200, v15;
	v42 =	vld [tilespmem:s10+$0x0];
	v15 =	vmov s0;
	s0 =	sadd.s32 $0xA880, s31;
	s10 =	sor.u32 s21, s14  }
0x1e6: {  	s31 =	sadd.s32 $0xA800, s31;
	v19 =	vadd.s32 v19, v22;
	v46 =	vld [tilespmem:s10+$0x0];
	v47 =	vshll.u32 v15, $0x7;
	v15 =	vor.u32 s8, v1;
	s16 =	sor.u32 s21, s0  }
0x1e7: {  	v2 =	vor.u32 v4, v2;
	s21 =	sor.u32 s21, s31;
	v48 =	vld [tilespmem:s16+$0x0];
	v4 =	vand.u32 $0x180, v47;
	v17 =	vshll.u32 v17, $0x2  }
0x1e8: {  	v49 =	vld [tilespmem:s21+$0x0];
	v15 =	vand.u32 $0x7F, v15;
	v4 =	vbroadcast v4, $0x0;
	v17 =	vadd.s32 v17, v19  }
0x1e9: {  	v15 =	vor.u32 v16, v15;
	v25 =	vshll.u32 v43, $0x2;
	v17 =	vadd.s32 v18, v17  }
0x1ea: {  	v8 =	vor.u32 v4, v26;
	v24 =	vshll.u32 v42, $0x2;
	v58 =	vand.u32 $0xF, v17  }
0x1eb: {  	v59 =	vshrl.u32 v17, $0xC;
	v62 =	vshrl.u32 v17, $0x8;
	v50 =	vshll.u32 v46, $0x1  }
0x1ec: {  	v32 =	vand.u32 $0xF, v59;
	v51 =	vshll.u32 v48, $0x1;
	v22 =	vadd.s32 v23, v50  }
0x1ed: {  	v35 =	vand.u32 $0xF, v62;
	v23 =	vadd.s32 v49, v51;
	v19 =	vadd.s32 v24, v22  }
0x1ee: {  	v22 =	vadd.s32 v25, v23;
	v18 =	vadd.s32 v20, v19;
	v20 =	vshrl.u32 v17, $0x18  }
0x1ef: {  	v23 =	vshrl.u32 v17, $0x14;
	v19 =	vadd.s32 v21, v22;
	v21 =	vshrl.u32 v17, $0x1C  }
0x1f0: {  	v22 =	vshrl.u32 v17, $0x10;
	v24 =	vshrl.u32 v18, $0x18;
	v52 =	vshrl.u32 v18, $0x14  }
0x1f1: {  	v55 =	vshrl.u32 v18, $0xC;
	v57 =	vshrl.u32 v18, $0x10;
	v61 =	vand.u32 $0x70, v18  }
0x1f2: {  	v17 =	vshrl.u32 v17, $0x4;
	v37 =	vshrl.u32 v18, $0x8;
	v39 =	vshll.u32 v18, $0x4  }
0x1f3: {  	v40 =	vand.u32 $0x80, v18;
	v18 =	vshrl.u32 v18, $0x4;
	v20 =	vand.u32 $0xF, v20  }
0x1f4: {  	v23 =	vand.u32 $0xF, v23;
	v53 =	vshrl.u32 v19, $0x10;
	v54 =	vshrl.u32 v19, $0x14  }
0x1f5: {  	v56 =	vshrl.u32 v19, $0x8;
	v60 =	vshrl.u32 v19, $0xC;
	v63 =	vand.u32 $0xF00, v19  }
0x1f6: {  	v38 =	vshrl.u32 v19, $0x4;
	v41 =	vshll.u32 v19, $0x8;
	v19 =	vshll.u32 v19, $0x4  }
0x1f7: {  	v42 =	vand.u32 $0x70, v24;
	v22 =	vand.u32 $0xF, v22;
	v43 =	vand.u32 $0x70, v52  }
0x1f8: {  	v44 =	vand.u32 $0x70, v37;
	v45 =	vand.u32 $0x70, v55;
	v46 =	vand.u32 $0x70, v18  }
0x1f9: {  	v37 =	vand.u32 $0x80, v37;
	v47 =	vand.u32 $0x70, v39;
	v17 =	vand.u32 $0xF, v17  }
0x1fa: {  	v39 =	vand.u32 $0x80, v39;
	v18 =	vand.u32 $0x80, v18;
	v50 =	vand.u32 $0x70, v57  }
0x1fb: {  	v25 =	vand.u32 $0x80, v52;
	v28 =	vand.u32 $0x80, v55;
	v30 =	vand.u32 $0x80, v57  }
0x1fc: {  	v38 =	vand.u32 $0xF00, v38;
	v41 =	vand.u32 $0xF00, v41;
	v19 =	vand.u32 $0xF00, v19  }
0x1fd: {  	v35 =	vor.u32 v46, v35;
	v32 =	vor.u32 v44, v32;
	v31 =	vor.u32 v47, v58  }
0x1fe: {  	s6 =	sshll.u32 s6, $0x4;
	v17 =	vor.u32 v61, v17;
	v18 =	vor.u32 v18, v63;
	v26 =	vand.u32 $0xF00, v53  }
0x1ff: {  	s0 =	sor.u32 s6, s0;
	v27 =	vand.u32 $0xF00, v54;
	v29 =	vand.u32 $0xF00, v56;
	v39 =	vor.u32 v39, v41  }
0x200: {  	s10 =	sor.u32 s6, s13;
	v48 =	vld [tilespmem:s0+$0x0];
	v33 =	vand.u32 $0xF00, v60;
	v19 =	vor.u32 v40, v19;
	v46 =	vshll.u32 v39, $0x2  }
0x201: {  	s13 =	sor.u32 s6, s30;
	v49 =	vld [tilespmem:s10+$0x0];
	v37 =	vor.u32 v37, v38;
	v19 =	vshll.u32 v19, $0x2;
	v31 =	vor.u32 v31, v46  }
0x202: {  	s16 =	sor.u32 s6, s12;
	v51 =	vld [tilespmem:s13+$0x0];
	v18 =	vshll.u32 v18, $0x2;
	v17 =	vor.u32 v17, v19;
	v31 =	vor.u32 v4, v31  }
0x203: {  	s9 =	sor.u32 s6, s14;
	v55 =	vld [tilespmem:s16+$0x0];
	v18 =	vor.u32 v35, v18;
	v19 =	vshll.u32 v37, $0x2;
	v17 =	vor.u32 v4, v17  }
0x204: {  	s14 =	sor.u32 s6, s31;
	v47 =	vld [tilespmem:s9+$0x0];
	v22 =	vor.u32 v45, v22;
	v18 =	vor.u32 v4, v18;
	v19 =	vor.u32 v32, v19  }
0x205: {  	s21 =	sor.u32 s6, s4;
	v20 =	vor.u32 v43, v20;
	v21 =	vor.u32 v42, v21;
	v53 =	vld [tilespmem:s14+$0x0];
	v19 =	vor.u32 v4, v19  }
0x206: {  	v23 =	vor.u32 v50, v23;
	v56 =	vld [tilespmem:s21+$0x80];
	v34 =	vshll.u32 v48, $0x1;
	v25 =	vor.u32 v25, v26  }
0x207: {  	v24 =	vor.u32 v24, v27;
	v52 =	vor.u32 v28, v29;
	v54 =	vor.u32 v30, v33;
	v31 =	vld.idx.msk [tilespmem:v31+s22+$0x0], $0xffff  }
0x208: {  	v25 =	vshll.u32 v25, $0x2;
	v26 =	vshll.u32 v52, $0x2;
	v28 =	vshll.u32 v54, $0x2;
	v17 =	vld.idx.msk [tilespmem:v17+s22+$0x0], $0xffff  }
0x209: {  	v24 =	vshll.u32 v24, $0x2;
	v22 =	vor.u32 v22, v26;
	v20 =	vor.u32 v20, v25;
	v18 =	vld.idx.msk [tilespmem:v18+s22+$0x0], $0xffff  }
0x20a: {  	v24 =	vand.u32 $0x3E00, v24;
	v23 =	vor.u32 v23, v28;
	v22 =	vor.u32 v4, v22;
	v19 =	vld.idx.msk [tilespmem:v19+s22+$0x0], $0xffff  }
0x20b: {  	s31 =	sor.u32 s6, s15;
	v61 =	vld [tilespmem:s21+$0x100];
	v20 =	vor.u32 v4, v20;
	v23 =	vor.u32 v4, v23;
	v21 =	vor.u32 v24, v21  }
0x20c: {  	s30 =	sor.u32 s6, s5;
	v60 =	vld [tilespmem:s31+$0x0];
	v26 =	vshll.u32 v55, $0x2;
	v63 =	vshll.u32 v47, $0x1;
	v21 =	vor.u32 v4, v21  }
0x20d: {  	v25 =	vshll.u32 v56, $0x1;
	vm0 =	vgt.f32 v31, $5.000000000e-01;
	vm1 =	vgt.f32 v17, $5.000000000e-01;
	v17 =	vld [tilespmem:s30+$0x0]  }
0x20e: {  	v57 =	vsel vm0, $0x1, v0;
	v58 =	vsel vm1, $0x100, v0;
	vm0 =	vgt.f32 v18, $5.000000000e-01;
	v18 =	vld [tilespmem:s21+$0x0]  }
0x20f: {  	v28 =	vor.u32 v57, v58;
	v59 =	vsel vm0, $0x10000, v0;
	vm0 =	vgt.f32 v19, $5.000000000e-01  }
0x210: {  	v33 =	vld [tilespmem:s21+$0x180];
	v35 =	vshll.u32 v61, $0x2;
	v19 =	vor.u32 v59, v28;
	v62 =	vsel vm0, $0x1000000, v0  }
0x211: {  	v36 =	vshll.u32 v60, $0x3;
	v24 =	vadd.s32 v49, v63;
	v19 =	vor.u32 v62, v19  }
0x212: {  	[tilespmem:v8+s29+$0x0] =	vst.idx.msk $0xffff, v19;
	v8 =	vshll.u32 v51, $0x2;
	v19 =	vadd.s32 v53, v34;
	v17 =	vshll.u32 v17, $0x3  }
0x213: {  	v22 =	vld.idx.msk [tilespmem:v22+s22+$0x0], $0xffff;
	v18 =	vadd.s32 v18, v25;
	v8 =	vadd.s32 v8, v24;
	v19 =	vadd.s32 v26, v19  }
0x214: {  	v23 =	vld.idx.msk [tilespmem:v23+s22+$0x0], $0xffff;
	v8 =	vadd.s32 v17, v8;
	v17 =	vadd.s32 v36, v19;
	v18 =	vadd.s32 v35, v18  }
0x215: {  	v19 =	vld.idx.msk [tilespmem:v21+s22+$0x0], $0xffff;
	v21 =	vshll.u32 v33, $0x3;
	v37 =	vshll.u32 v8, $0x4;
	v25 =	vshll.u32 v17, $0x8  }
0x216: {  	v38 =	vand.u32 $0x70, v8;
	v41 =	vand.u32 $0xF00, v17;
	v42 =	vshrl.u32 v8, $0x8  }
0x217: {  	v20 =	vld.idx.msk [tilespmem:v20+s22+$0x0], $0xffff;
	v43 =	vshrl.u32 v17, $0x4;
	v50 =	vshrl.u32 v17, $0x8;
	v51 =	vshrl.u32 v8, $0x10  }
0x218: {  	v52 =	vshrl.u32 v17, $0xC;
	v58 =	vshrl.u32 v17, $0x10;
	v24 =	vand.u32 $0x70, v37  }
0x219: {  	v46 =	vand.u32 $0x80, v42;
	v47 =	vand.u32 $0xF00, v43;
	v49 =	vand.u32 $0x70, v42  }
0x21a: {  	v48 =	vor.u32 v46, v47;
	vm0 =	vgt.f32 v22, $5.000000000e-01;
	vm1 =	vgt.f32 v23, $5.000000000e-01  }
0x21b: {  	v22 =	vor.u32 v4, v15;
	v23 =	vshrl.u32 v8, $0x4;
	v15 =	vsel vm0, $0x1, v0  }
0x21c: {  	v16 =	vsel vm1, $0x100, v0;
	vm0 =	vgt.f32 v20, $5.000000000e-01;
	v39 =	vand.u32 $0x80, v23  }
0x21d: {  	v23 =	vand.u32 $0x70, v23;
	v15 =	vor.u32 v15, v16;
	v16 =	vsel vm0, $0x10000, v0  }
0x21e: {  	vm0 =	vgt.f32 v19, $5.000000000e-01;
	v19 =	vshll.u32 v17, $0x4;
	v44 =	vor.u32 v39, v41  }
0x21f: {  	v16 =	vor.u32 v16, v15;
	v20 =	vsel vm0, $0x1000000, v0;
	v15 =	vadd.s32 v21, v18  }
0x220: {  	v18 =	vand.u32 $0x80, v37;
	v19 =	vand.u32 $0xF00, v19;
	v21 =	vor.u32 v20, v16  }
0x221: {  	v16 =	vand.u32 $0xF00, v25;
	v20 =	vshrl.u32 v15, $0x4;
	v40 =	vshrl.u32 v15, $0x8  }
0x222: {  	v16 =	vor.u32 v18, v16;
	v18 =	vand.u32 $0x80, v8;
	v20 =	vand.u32 $0xF, v20  }
0x223: {  	v45 =	vand.u32 $0xF, v40;
	v18 =	vor.u32 v18, v19;
	v19 =	vand.u32 $0xF, v15  }
0x224: {  	v16 =	vshll.u32 v16, $0x2;
	v20 =	vor.u32 v38, v20;
	v19 =	vor.u32 v24, v19  }
0x225: {  	v18 =	vshll.u32 v18, $0x2;
	v16 =	vor.u32 v19, v16;
	v19 =	vshrl.u32 v15, $0xC  }
0x226: {  	v18 =	vor.u32 v20, v18;
	v20 =	vor.u32 v23, v45;
	v23 =	vshll.u32 v44, $0x2  }
0x227: {  	v19 =	vand.u32 $0xF, v19;
	v16 =	vor.u32 v4, v16;
	v18 =	vor.u32 v4, v18  }
0x228: {  	v20 =	vor.u32 v20, v23;
	v23 =	vshll.u32 v48, $0x2;
	v19 =	vor.u32 v49, v19  }
0x229: {  	[tilespmem:v12+s29+$0x0] =	vst.idx.msk $0xffff, v9;
	v12 =	vshrl.u32 v8, $0x18;
	v20 =	vor.u32 v4, v20;
	v19 =	vor.u32 v19, v23  }
0x22a: {  	v54 =	vand.u32 $0x80, v51;
	v26 =	vand.u32 $0xF00, v52;
	v19 =	vor.u32 v4, v19  }
0x22b: {  	v32 =	vand.u32 $0xF00, v58;
	v26 =	vor.u32 v54, v26;
	v17 =	vshrl.u32 v17, $0x14  }
0x22c: {  	v55 =	vshrl.u32 v15, $0x10;
	v56 =	vshrl.u32 v15, $0x14;
	v23 =	vshrl.u32 v8, $0xC;
	v57 =	vld.idx.msk [tilespmem:v16+s22+$0x0], $0xffff  }
0x22d: {  	v25 =	vand.u32 $0x70, v51;
	v24 =	vand.u32 $0xF00, v50;
	v53 =	vand.u32 $0x80, v23;
	v59 =	vld.idx.msk [tilespmem:v18+s22+$0x0], $0xffff  }
0x22e: {  	v29 =	vand.u32 $0xF, v55;
	v24 =	vor.u32 v53, v24;
	v16 =	vshrl.u32 v8, $0x14;
	v60 =	vld.idx.msk [tilespmem:v20+s22+$0x0], $0xffff  }
0x22f: {  	v18 =	vand.u32 $0xF00, v17;
	v17 =	vshll.u32 v24, $0x2;
	v20 =	vand.u32 $0x70, v23;
	v61 =	vld.idx.msk [tilespmem:v19+s22+$0x0], $0xffff  }
0x230: {  	v9 =	vld.idx.msk [tilespmem:v10+s22+$0x0], $0xffff;
	v23 =	vand.u32 $0xF, v56;
	v62 =	vand.u32 $0x80, v16;
	v10 =	vor.u32 v20, v29  }
0x231: {  	v8 =	vld.idx.msk [tilespmem:v11+s22+$0x0], $0xffff;
	v20 =	vshll.u32 v26, $0x2;
	v11 =	vor.u32 v25, v23;
	vm0 =	vgt.f32 v57, $5.000000000e-01  }
0x232: {  	[tilespmem:v6+s29+$0x0] =	vst.idx.msk $0xffff, v7;
	v7 =	vld.idx.msk [tilespmem:v13+s22+$0x0], $0xffff;
	v13 =	vor.u32 v62, v32;
	v63 =	vsel vm0, $0x1, v0;
	vm0 =	vgt.f32 v59, $5.000000000e-01  }
0x233: {  	v19 =	vshrl.u32 v15, $0x18;
	v23 =	vsel vm0, $0x100, v0;
	vm0 =	vgt.f32 v60, $5.000000000e-01  }
0x234: {  	v6 =	vld.idx.msk [tilespmem:v14+s22+$0x0], $0xffff;
	[tilespmem:v22+s29+$0x0] =	vst.idx.msk $0xffff, v21;
	v14 =	vor.u32 v63, v23;
	v21 =	vsel vm0, $0x10000, v0;
	vm0 =	vgt.f32 v61, $5.000000000e-01  }
.LBB2_5:
0x235: {  	s3 =	sadd.s32 $0x2, s3;
	v14 =	vor.u32 v21, v14;
	v21 =	vsel vm0, $0x1000000, v0;
	v18 =	vor.u32 v12, v18  }
0x236: {  	v19 =	vand.u32 $0xF, v19;
	v16 =	vand.u32 $0x70, v16;
	s4 =	sshrl.u32 s3, $0x3;
	p0 =	slt.u32 s3, $0x1E;
	v14 =	vor.u32 v21, v14  }
0x237: {  	v10 =	vor.u32 v10, v17;
	v11 =	vor.u32 v11, v20;
	v13 =	vshll.u32 v13, $0x2;
	s5 =	smul.u32 $0x1800, s4  }
0x238: {  	v12 =	vand.u32 $0x70, v12;
	s6 =	sand.u32 $0x6, s3;
	v19 =	vor.u32 v16, v19;
	v18 =	vshll.u32 v18, $0x2  }
0x239: {  	v20 =	vor.u32 v4, v5;
	v5 =	vshrl.u32 v15, $0x1C;
	v16 =	vor.u32 v4, v10;
	s0 =	sshll.u32 s6, $0x4;
	s15 =	sor.u32 $0x1, s6;
	s14 =	sshra.s32 s5, $0x2  }
0x23a: {  	v17 =	vor.u32 v4, v11;
	s6 =	sshll.u32 s6, $0x5;
	v10 =	vor.u32 v19, v13;
	v11 =	vand.u32 $0x3E00, v18;
	s13 =	sshll.u32 s15, $0x4;
	s8 =	sadd.s32 $0xA400, s14  }
0x23b: {  	v5 =	vor.u32 v12, v5;
	v13 =	vmov s6;
	v15 =	vor.u32 s6, v1;
	s9 =	sor.u32 $0x1, s6;
	s5 =	sor.u32 s0, s8;
	s8 =	sor.u32 s13, s8  }
0x23c: {  	v23 =	vor.u32 v4, v10;
	v12 =	vand.u32 $0x5E, v15;
	v13 =	vshll.u32 v13, $0x2;
	v15 =	vld [tilespmem:s8+$0x180]  }
0x23d: {  	vm0 =	vgt.f32 v9, $5.000000000e-01;
	v11 =	vor.u32 v11, v5;
	s10 =	sadd.s32 $0xA780, s14;
	v10 =	vand.u32 $0x200, v13;
	v18 =	vld [tilespmem:s8+$0x0]  }
0x23e: {  	vm1 =	vgt.f32 v8, $5.000000000e-01;
	v26 =	vor.u32 v4, v11;
	s16 =	sadd.s32 $0xA980, s14;
	s6 =	sor.u32 s0, s10;
	v5 =	vor.u32 v10, v12;
	s10 =	sor.u32 s13, s10;
	v9 =	vld [tilespmem:s8+$0x100];
	[tilespmem:v20+s29+$0x0] =	vst.idx.msk $0xffff, v14  }
0x23f: {  	v8 =	vmov s9;
	v11 =	vsel vm1, $0x100, v0;
	s12 =	sor.u32 s0, s16;
	v10 =	vsel vm0, $0x1, v0;
	v13 =	vld [tilespmem:s10+$0x0];
	s10 =	sor.u32 s13, s16  }
0x240: {  	v8 =	vshll.u32 v8, $0x2;
	v12 =	vor.u32 s9, v1;
	vm0 =	vgt.f32 v7, $5.000000000e-01;
	s16 =	sadd.s32 $0xA600, s14;
	v14 =	vld [tilespmem:s10+$0x0]  }
0x241: {  	s9 =	sadd.s32 $0xA700, s14;
	v10 =	vor.u32 v10, v11;
	v11 =	vsel vm0, $0x10000, v0;
	vm0 =	vgt.f32 v6, $5.000000000e-01;
	s21 =	sor.u32 s0, s16;
	v7 =	vld [tilespmem:s8+$0x80];
	s8 =	sor.u32 s13, s16  }
0x242: {  	v8 =	vand.u32 $0x200, v8;
	s30 =	sor.u32 s0, s9;
	v6 =	vand.u32 $0x5F, v12;
	v10 =	vor.u32 v11, v10;
	s10 =	sadd.s32 $0xA900, s14;
	v19 =	vld [tilespmem:s8+$0x0];
	s8 =	sor.u32 s13, s9  }
0x243: {  	v11 =	vmov s4;
	v6 =	vor.u32 v8, v6;
	s4 =	sshll.u32 s15, $0x5;
	v12 =	vsel vm0, $0x1000000, v0;
	s9 =	sadd.s32 $0xA680, s14;
	v8 =	vld [tilespmem:s8+$0x0];
	s8 =	sor.u32 s13, s10  }
0x244: {  	v11 =	vshll.u32 v11, $0x7;
	v21 =	vmov s4;
	v10 =	vor.u32 v12, v10;
	s16 =	sadd.s32 $0xA880, s14;
	s15 =	sor.u32 s0, s9;
	s9 =	sor.u32 s13, s9;
	v20 =	vld [tilespmem:s8+$0x0]  }
0x245: {  	v12 =	vor.u32 s4, v1;
	v11 =	vand.u32 $0x180, v11;
	v21 =	vshll.u32 v21, $0x2;
	s8 =	sadd.s32 $0xA800, s14;
	s14 =	sor.u32 s0, s16;
	v22 =	vld [tilespmem:s9+$0x0];
	s9 =	sor.u32 s13, s16;
	[tilespmem:v3+s29+$0x0] =	vst.idx.msk $0xffff, v10  }
0x246: {  	v24 =	vbroadcast v11, $0x0;
	s16 =	sor.u32 s0, s8;
	s0 =	sor.u32 s0, s10;
	s8 =	sor.u32 s13, s8;
	v3 =	vand.u32 $0x7E, v12;
	v10 =	vand.u32 $0x200, v21;
	v25 =	vld [tilespmem:s9+$0x0]  }
0x247: {  	v10 =	vor.u32 v10, v3;
	v3 =	vor.u32 v4, v2;
	v2 =	vmov v6;
	v21 =	vld [tilespmem:s8+$0x0]  }
0x248: {  	v6 =	vshll.u32 v9, $0x2;
	v9 =	vshll.u32 v15, $0x3;
	v4 =	vmovc v24;
	v10 =	vor.u32 v24, v10;
	v11 =	vld [tilespmem:s15+$0x0]  }
0x249: {  	v27 =	vshll.u32 v14, $0x3;
	v7 =	vshll.u32 v7, $0x1;
	v24 =	vshll.u32 v13, $0x3;
	v12 =	vld [tilespmem:s14+$0x0]  }
0x24a: {  	v8 =	vshll.u32 v8, $0x2;
	v20 =	vshll.u32 v20, $0x2;
	v13 =	vld [tilespmem:s5+$0x80];
	v15 =	vshll.u32 v22, $0x1  }
0x24b: {  	v7 =	vadd.s32 v18, v7;
	v14 =	vld [tilespmem:s21+$0x0];
	v18 =	vadd.s32 v19, v15;
	v19 =	vshll.u32 v25, $0x1  }
0x24c: {  	v6 =	vadd.s32 v6, v7;
	v15 =	vld [tilespmem:s30+$0x0];
	v7 =	vadd.s32 v8, v18;
	v8 =	vadd.s32 v21, v19  }
0x24d: {  	v6 =	vadd.s32 v9, v6;
	v18 =	vld [tilespmem:s16+$0x0];
	v7 =	vadd.s32 v24, v7;
	v8 =	vadd.s32 v20, v8  }
0x24e: {  	v28 =	vshrl.u32 v6, $0x18;
	v29 =	vshrl.u32 v6, $0x1C;
	v19 =	vld [tilespmem:s0+$0x0];
	v27 =	vadd.s32 v27, v8  }
0x24f: {  	v30 =	vshrl.u32 v6, $0x10;
	v31 =	vshrl.u32 v6, $0x14;
	v32 =	vshrl.u32 v7, $0x18;
	v20 =	vld [tilespmem:s5+$0x0]  }
0x250: {  	v33 =	vshrl.u32 v7, $0x14;
	v34 =	vshrl.u32 v27, $0x10;
	v35 =	vshrl.u32 v27, $0x14;
	v21 =	vld [tilespmem:s5+$0x100]  }
0x251: {  	v36 =	vshrl.u32 v7, $0xC;
	v38 =	vshrl.u32 v7, $0x10;
	v37 =	vshrl.u32 v27, $0x8;
	v24 =	vld [tilespmem:s6+$0x0]  }
0x252: {  	v39 =	vand.u32 $0xF, v6;
	v40 =	vshrl.u32 v6, $0xC;
	v41 =	vshrl.u32 v27, $0xC;
	v25 =	vld [tilespmem:s12+$0x0]  }
0x253: {  	v43 =	vshrl.u32 v6, $0x8;
	v42 =	vand.u32 $0x70, v7;
	v44 =	vand.u32 $0xF00, v27;
	v22 =	vld [tilespmem:s5+$0x180]  }
0x254: {  	v45 =	vshrl.u32 v6, $0x4;
	v46 =	vshrl.u32 v7, $0x8;
	v47 =	vshrl.u32 v27, $0x4;
	v9 =	vld.idx.msk [tilespmem:v16+s22+$0x0], $0xffff  }
0x255: {  	v48 =	vand.u32 $0x80, v7;
	v49 =	vshrl.u32 v7, $0x4;
	v16 =	vshll.u32 v7, $0x4;
	v8 =	vld.idx.msk [tilespmem:v17+s22+$0x0], $0xffff  }
0x256: {  	v50 =	vand.u32 $0x70, v32;
	v17 =	vshll.u32 v27, $0x8;
	v27 =	vshll.u32 v27, $0x4;
	v7 =	vld.idx.msk [tilespmem:v23+s22+$0x0], $0xffff  }
0x257: {  	v28 =	vand.u32 $0xF, v28;
	v23 =	vand.u32 $0xF, v30;
	v30 =	vand.u32 $0x70, v33;
	v6 =	vld.idx.msk [tilespmem:v26+s22+$0x0], $0xffff  }
0x258: {  	v51 =	vand.u32 $0x70, v36;
	v26 =	vand.u32 $0xF, v40;
	v40 =	vand.u32 $0x70, v46  }
0x259: {  	v43 =	vand.u32 $0xF, v43;
	v52 =	vand.u32 $0x70, v49;
	v46 =	vand.u32 $0x80, v46  }
0x25a: {  	v45 =	vand.u32 $0xF, v45;
	v47 =	vand.u32 $0xF00, v47;
	v53 =	vand.u32 $0x70, v16  }
0x25b: {  	v49 =	vand.u32 $0x80, v49;
	v16 =	vand.u32 $0x80, v16;
	v17 =	vand.u32 $0xF00, v17  }
0x25c: {  	v43 =	vor.u32 v52, v43;
	v27 =	vand.u32 $0xF00, v27;
	v26 =	vor.u32 v40, v26  }
0x25d: {  	v16 =	vor.u32 v16, v17;
	v17 =	vor.u32 v53, v39;
	v39 =	vor.u32 v46, v47  }
0x25e: {  	v27 =	vor.u32 v48, v27;
	v16 =	vshll.u32 v16, $0x2;
	v40 =	vor.u32 v42, v45  }
0x25f: {  	v16 =	vor.u32 v17, v16;
	v17 =	vshll.u32 v27, $0x2;
	v27 =	vor.u32 v49, v44  }
0x260: {  	v16 =	vor.u32 v4, v16;
	v17 =	vor.u32 v40, v17;
	v27 =	vshll.u32 v27, $0x2  }
0x261: {  	v39 =	vshll.u32 v39, $0x2;
	v17 =	vor.u32 v4, v17;
	v27 =	vor.u32 v43, v27  }
0x262: {  	v31 =	vand.u32 $0xF, v31;
	v26 =	vor.u32 v26, v39;
	v27 =	vor.u32 v4, v27  }
0x263: {  	v33 =	vand.u32 $0x80, v33;
	v39 =	vand.u32 $0x70, v38;
	v26 =	vor.u32 v4, v26  }
0x264: {  	v36 =	vand.u32 $0x80, v36;
	v34 =	vand.u32 $0xF00, v34;
	v35 =	vand.u32 $0xF00, v35  }
0x265: {  	v37 =	vand.u32 $0xF00, v37;
	v38 =	vand.u32 $0x80, v38;
	v40 =	vand.u32 $0xF00, v41;
	v16 =	vld.idx.msk [tilespmem:v16+s22+$0x0], $0xffff  }
0x266: {  	v29 =	vor.u32 v50, v29;
	v23 =	vor.u32 v51, v23;
	v28 =	vor.u32 v30, v28;
	v17 =	vld.idx.msk [tilespmem:v17+s22+$0x0], $0xffff  }
0x267: {  	v32 =	vor.u32 v32, v35;
	v30 =	vor.u32 v39, v31;
	v31 =	vor.u32 v33, v34;
	v27 =	vld.idx.msk [tilespmem:v27+s22+$0x0], $0xffff  }
0x268: {  	v33 =	vor.u32 v36, v37;
	v34 =	vor.u32 v38, v40;
	v31 =	vshll.u32 v31, $0x2;
	v26 =	vld.idx.msk [tilespmem:v26+s22+$0x0], $0xffff  }
0x269: {  	v32 =	vshll.u32 v32, $0x2;
	v33 =	vshll.u32 v33, $0x2;
	v34 =	vshll.u32 v34, $0x2  }
0x26a: {  	v23 =	vor.u32 v23, v33;
	v28 =	vor.u32 v28, v31;
	v31 =	vand.u32 $0x3E00, v32  }
0x26b: {  	v30 =	vor.u32 v30, v34;
	v23 =	vor.u32 v4, v23;
	v28 =	vor.u32 v4, v28  }
0x26c: {  	vm0 =	vgt.f32 v16, $5.000000000e-01;
	v16 =	vor.u32 v4, v30;
	vm1 =	vgt.f32 v17, $5.000000000e-01  }
0x26d: {  	v17 =	vsel vm0, $0x1, v0;
	v30 =	vsel vm1, $0x100, v0;
	vm0 =	vgt.f32 v27, $5.000000000e-01  }
0x26e: {  	v17 =	vor.u32 v17, v30;
	v27 =	vsel vm0, $0x10000, v0;
	vm0 =	vgt.f32 v26, $5.000000000e-01  }
0x26f: {  	v17 =	vor.u32 v27, v17;
	v26 =	vsel vm0, $0x1000000, v0;
	v27 =	vor.u32 v31, v29  }
0x270: {  	v11 =	vshll.u32 v11, $0x1;
	v17 =	vor.u32 v26, v17;
	v26 =	vor.u32 v4, v27  }
0x271: {  	v12 =	vshll.u32 v12, $0x1;
	v13 =	vshll.u32 v13, $0x1;
	v11 =	vadd.s32 v14, v11;
	[tilespmem:v10+s29+$0x0] =	vst.idx.msk $0xffff, v17  }
0x272: {  	v12 =	vadd.s32 v18, v12;
	v14 =	vshll.u32 v19, $0x2;
	v10 =	vshll.u32 v15, $0x2;
	v15 =	vld.idx.msk [tilespmem:v23+s22+$0x0], $0xffff  }
0x273: {  	v13 =	vadd.s32 v20, v13;
	v10 =	vadd.s32 v10, v11;
	v11 =	vadd.s32 v14, v12;
	v12 =	vld.idx.msk [tilespmem:v16+s22+$0x0], $0xffff  }
0x274: {  	s0 =	sor.u32 $0x1, s4;
	v17 =	vshll.u32 v25, $0x3;
	v14 =	vshll.u32 v21, $0x2;
	v16 =	vshll.u32 v24, $0x3;
	v18 =	vld.idx.msk [tilespmem:v28+s22+$0x0], $0xffff  }
0x275: {  	v11 =	vadd.s32 v17, v11;
	v17 =	vmov s0;
	v10 =	vadd.s32 v16, v10;
	v16 =	vld.idx.msk [tilespmem:v26+s22+$0x0], $0xffff  }
0x276: {  	v13 =	vadd.s32 v14, v13;
	v14 =	vor.u32 s0, v1;
	v17 =	vshll.u32 v17, $0x2  }
0x277: {  	v19 =	vshll.u32 v22, $0x3;
	v14 =	vand.u32 $0x7F, v14;
	v17 =	vand.u32 $0x200, v17  }
0x278: {  	v21 =	vshll.u32 v11, $0x8;
	v20 =	vshll.u32 v10, $0x4;
	v14 =	vor.u32 v17, v14  }
0x279: {  	vm0 =	vgt.f32 v15, $5.000000000e-01;
	vm1 =	vgt.f32 v12, $5.000000000e-01;
	v12 =	vor.u32 v4, v14  }
0x27a: {  	v14 =	vsel vm0, $0x1, v0;
	v15 =	vsel vm1, $0x100, v0;
	vm0 =	vgt.f32 v18, $5.000000000e-01  }
0x27b: {  	v14 =	vor.u32 v14, v15;
	v15 =	vsel vm0, $0x10000, v0;
	vm0 =	vgt.f32 v16, $5.000000000e-01  }
0x27c: {  	v16 =	vshll.u32 v11, $0x4;
	v14 =	vor.u32 v15, v14;
	v17 =	vsel vm0, $0x1000000, v0  }
0x27d: {  	v15 =	vadd.s32 v19, v13;
	v13 =	vand.u32 $0x80, v20;
	v14 =	vor.u32 v17, v14  }
0x27e: {  	v16 =	vand.u32 $0xF00, v16;
	v17 =	vand.u32 $0xF00, v21;
	v18 =	vshrl.u32 v15, $0x4;
	[tilespmem:v12+s29+$0x0] =	vst.idx.msk $0xffff, v14  }
0x27f: {  	v12 =	vor.u32 v13, v17;
	v13 =	vand.u32 $0x80, v10;
	v14 =	vshrl.u32 v10, $0x4  }
0x280: {  	v18 =	vand.u32 $0xF, v18;
	v17 =	vand.u32 $0x70, v20;
	v13 =	vor.u32 v13, v16  }
0x281: {  	v19 =	vand.u32 $0x70, v10;
	v16 =	vand.u32 $0xF, v15;
	v20 =	vand.u32 $0x80, v14  }
0x282: {  	v22 =	vand.u32 $0xF00, v11;
	v23 =	vshrl.u32 v10, $0x8;
	v21 =	vshrl.u32 v15, $0x8  }
0x283: {  	v24 =	vshrl.u32 v11, $0x4;
	v12 =	vshll.u32 v12, $0x2;
	v13 =	vshll.u32 v13, $0x2  }
0x284: {  	v16 =	vor.u32 v17, v16;
	v17 =	vor.u32 v19, v18;
	v18 =	vor.u32 v20, v22  }
0x285: {  	v14 =	vand.u32 $0x70, v14;
	v19 =	vand.u32 $0xF, v21;
	v20 =	vand.u32 $0x80, v23  }
0x286: {  	v21 =	vand.u32 $0xF00, v24;
	v12 =	vor.u32 v16, v12;
	v16 =	vshrl.u32 v15, $0xC  }
0x287: {  	v13 =	vor.u32 v17, v13;
	v14 =	vor.u32 v14, v19;
	v17 =	vshll.u32 v18, $0x2  }
0x288: {  	v18 =	vor.u32 v20, v21;
	v19 =	vand.u32 $0x70, v23;
	v16 =	vand.u32 $0xF, v16  }
0x289: {  	v12 =	vor.u32 v4, v12;
	v13 =	vor.u32 v4, v13;
	v14 =	vor.u32 v14, v17  }
0x28a: {  	v17 =	vshll.u32 v18, $0x2;
	v14 =	vor.u32 v4, v14;
	v16 =	vor.u32 v19, v16  }
0x28b: {  	v18 =	vshrl.u32 v11, $0x8;
	v16 =	vor.u32 v16, v17;
	v17 =	vshrl.u32 v10, $0xC  }
0x28c: {  	v20 =	vshrl.u32 v10, $0x10;
	v19 =	vor.u32 v4, v16;
	v16 =	vshrl.u32 v11, $0xC  }
0x28d: {  	v22 =	vand.u32 $0x80, v20;
	v18 =	vand.u32 $0xF00, v18;
	v21 =	vand.u32 $0x80, v17  }
0x28e: {  	v24 =	vshrl.u32 v15, $0x14;
	v25 =	vand.u32 $0xF00, v16;
	v23 =	vld.idx.msk [tilespmem:v12+s22+$0x0], $0xffff;
	v12 =	vshrl.u32 v15, $0x10  }
0x28f: {  	v26 =	vshrl.u32 v11, $0x10;
	v11 =	vshrl.u32 v11, $0x14;
	v16 =	vshrl.u32 v10, $0x14;
	v13 =	vld.idx.msk [tilespmem:v13+s22+$0x0], $0xffff  }
0x290: {  	v27 =	vand.u32 $0xF, v12;
	v12 =	vor.u32 v21, v18;
	v21 =	vor.u32 v22, v25;
	v14 =	vld.idx.msk [tilespmem:v14+s22+$0x0], $0xffff  }
0x291: {  	v24 =	vand.u32 $0xF, v24;
	v28 =	vand.u32 $0x70, v20;
	v25 =	vand.u32 $0x70, v17;
	v22 =	vld.idx.msk [tilespmem:v19+s22+$0x0], $0xffff  }
0x292: {  	v26 =	vand.u32 $0xF00, v26;
	v29 =	vand.u32 $0x80, v16;
	v18 =	vand.u32 $0xF00, v11  }
.Ltmp1:
0x293: {  	v17 =	vshll.u32 v12, $0x2;
	v12 =	vshrl.u32 v10, $0x18;
	v19 =	vshrl.u32 v15, $0x18;
	(pc) =	sbr.rel @p0 .LBB2_5-.Ltmp1, $4  }
0x294: {  	v10 =	vor.u32 v25, v27;
	v20 =	vshll.u32 v21, $0x2;
	vm0 =	vgt.f32 v23, $5.000000000e-01  }
0x295: {  	v11 =	vor.u32 v28, v24;
	v21 =	vsel vm0, $0x1, v0;
	vm0 =	vgt.f32 v13, $5.000000000e-01  }
0x296: {  	v13 =	vor.u32 v29, v26;
	v23 =	vsel vm0, $0x100, v0;
	vm0 =	vgt.f32 v14, $5.000000000e-01  }
0x297: {  	v14 =	vor.u32 v21, v23;
	v21 =	vsel vm0, $0x10000, v0;
	vm0 =	vgt.f32 v22, $5.000000000e-01  }
0x298: {  	v14 =	vor.u32 v21, v14;
	v18 =	vor.u32 v12, v18  }
0x299: {  	v19 =	vand.u32 $0xF, v19;
	v16 =	vand.u32 $0x70, v16;
	v10 =	vor.u32 v10, v17  }
0x29a: {  	v11 =	vor.u32 v11, v20;
	v13 =	vshll.u32 v13, $0x2;
	v49 =	vand.u32 $0x70, v12  }
0x29b: {  	v5 =	vor.u32 v4, v5;
	v15 =	vshrl.u32 v15, $0x1C;
	v16 =	vor.u32 v16, v19  }
0x29c: {  	v50 =	vshll.u32 v18, $0x2;
	v10 =	vor.u32 v4, v10;
	v11 =	vor.u32 v4, v11  }
0x29d: {  	v12 =	vor.u32 v49, v15;
	v13 =	vor.u32 v16, v13;
	v51 =	vand.u32 $0x3E00, v50  }
0x29e: {  	v52 =	vsel vm0, $0x1000000, v0;
	v13 =	vor.u32 v4, v13;
	v12 =	vor.u32 v51, v12  }
0x29f: {  	v14 =	vor.u32 v52, v14;
	v12 =	vor.u32 v4, v12  }
0x2a0: {  	[tilespmem:v5+s29+$0x0] =	vst.idx.msk $0xffff, v14  }
0x2a1: {  	v5 =	vld.idx.msk [tilespmem:v10+s22+$0x0], $0xffff  }
0x2a2: {  	v53 =	vld.idx.msk [tilespmem:v11+s22+$0x0], $0xffff  }
0x2a3: {  	vm9 =	vgt.f32 v9, $5.000000000e-01;
	v54 =	vld.idx.msk [tilespmem:v13+s22+$0x0], $0xffff  }
0x2a4: {  	vm1 =	vgt.f32 v8, $5.000000000e-01;
	vm10 =	vgt.f32 v7, $5.000000000e-01;
	vm11 =	vgt.f32 v6, $5.000000000e-01;
	v56 =	vld.idx.msk [tilespmem:v12+s22+$0x0], $0xffff  }
0x2a5: {  	v2 =	vor.u32 v4, v2;
	v9 =	vsel vm9, $0x1, v0;
	v55 =	vsel vm1, $0x100, v0  }
0x2a6: {  	v57 =	vsel vm10, $0x10000, v0;
	v59 =	vsel vm11, $0x1000000, v0;
	v9 =	vor.u32 v9, v55  }
0x2a7: {  	s2 =	sadd.s32 $0x1, s2;
	v58 =	vor.u32 v57, v9;
	vm12 =	vgt.f32 v5, $5.000000000e-01;
	vm13 =	vgt.f32 v53, $5.000000000e-01  }
0x2a8: {  	p0 =	sne.s32 s2, $0x20;
	v60 =	vsel vm12, $0x1, v0;
	v61 =	vsel vm13, $0x100, v0;
	vm14 =	vgt.f32 v54, $5.000000000e-01  }
.Ltmp2:
0x2a9: {  	v4 =	vor.u32 v60, v61;
	v62 =	vsel vm14, $0x10000, v0;
	vm15 =	vgt.f32 v56, $5.000000000e-01;
	(pc) =	sbr.rel @p0 .LBB2_2-.Ltmp2, $4  }
0x2aa: {  	v6 =	vor.u32 v59, v58;
	v4 =	vor.u32 v62, v4;
	v63 =	vsel vm15, $0x1000000, v0  }
0x2ab: {  	s0 =	sshll.u32 s17, $0x8;
	[tilespmem:v3+s29+$0x0] =	vst.idx.msk $0xffff, v6;
	v3 =	vor.u32 v63, v4  }
0x2ac: {  	s0 =	sadd.s32 s0, s11;
	[tilespmem:v2+s29+$0x0] =	vst.idx.msk $0xffff, v3  }
0x2ad: {  	[hbm4b:s0+s18] =	stream.strided.scatter [tilespmem:s29], [sflag:$0x6], $0x400, s19, s18, $0x38;
	[tilespmem:$0x14400] =	vst v63  }
0x2ae: {  	s0 =	simm.s32 $0x5  }
0x2af: {  	_ =	swait.ge [sflag:s0], $0x400  }
0x2b0: {  	[sflag:s0] =	ssyncset.done $0x0  }
0x2b1: {  	s2 =	simm.s32 $0x6;
	[sflag:s0] =	ssyncadd.s32 $0xFFFFFC00  }
0x2b2: {  	_ =	swait.ge [sflag:s2], $0x400  }
0x2b3: {  	s3 =	rddreg [dreg:$0xd]  }
0x2b4: {  	s31 =	rddreg [dreg:$0xb];
	s3 =	sadd.s32 $0x1, s3  }
0x2b5: {  	p0 =	sne.s32 s3, s31  }
.Ltmp3:
0x2b6: {  	_ = 	snop;
	(pc) =	sbr.rel @p0 .LBB2_1-.Ltmp3, $3  }
0x2b7: {  	_ =	sdelay $0x1  }
0x2b8: {  	[sflag:s2] =	ssyncset.done $0x0  }
0x2b9: {  	[sflag:s2] =	ssyncadd.s32 $0xFFFFFC00  }
0x2ba: {  	_ =	sfence.sel $0x180000  }
0x2bb: {  	[bflag:$0x0] =	sbarrier.arrive $0xFFFF  }
0x2bc: {  	_ =	strace $0x90000047  }
0x2bd: {  	s0 =	stileid.u32;
	[bflag:$0x2] =	sbarrier.arrive $0xFFFF  }
0x2be: {  	p0 =	sne.s32 s0, $0x0;
	s0 =	rddreg [dreg:$0x4]  }
0x2bf: {  	s0 =	sadd.s32 @!p0 $0x100000, s0  }
0x2c0: {  	[sflag:s0] =	ssyncadd.tile.s32 @!p0 $0x1;
	_ =	shalt  }
.Lfunc_end2:
_tile_overlayer_lowered:
.L_overlay_start_2:
0x2c1: {  	(tag) =	ssettag $0x2  }
0x2c2: {  	s0 =	rddreg [dreg:$0x0];
	s2 =	stileid.u32  }
0x2c3: {  	s1 =	rddreg [dreg:$0x1];
	p0 =	sne.s32 s2, $0x0  }
0x2c4: {  	s3 =	rddreg [dreg:$0x2];
	[bflag:$0x3] =	sbarrier.arrive $0xFFFF;
	s2 =	simm.s32 @!p0 $0x1C07  }
0x2c5: {  	[timem:s3], [sflag:s2] =	dma.local @!p0 [hbm:s0], s1  }
0x2c6: {  	s0 =	simm.s32 @!p0 $0x7  }
0x2c7: {  	_ =	swait.ge @!p0 [sflag:s0], s1  }
0x2c8: {  	s1 =	ssub.s32 @!p0 $0x0, s1;
	[sflag:s0] =	ssyncset.done @!p0 $0x0  }
0x2c9: {  	[sflag:s0] =	ssyncadd.s32 @!p0 s1  }
0x2ca: {  	[bflag:$0x3] =	sbarrier.arrive $0xFFFF  }
0x2cb: {  	_ =	shalt  }

</sc_bundles>
